<compile_context>
chip_gen: v7x
topology: tpu7x:2x2x1
jax: 0.10.2.dev20260603
libtpu: 0.0.44.dev20260713+nightly
codegen_flags: <defaults>
</compile_context>

<pallas_src>
import functools

import jax
import jax.numpy as jnp
from jax import lax
from jax.experimental import pallas as pl
from jax.experimental.pallas import tpu as pltpu
from jax.experimental.pallas import tpu_sc as plsc

N_NODES = 10000
N_EDGES = 640000
NUM_GRAPHS = 128

NP = 10016
D = 128
DX = 48
DAUG = 144
NW = 32
NTILE = 16

ECHUNK = 64
EIB = 40
ENB = 8
EPAD = NW * ENB * EIB * ECHUNK
NBUF = 5

PCHUNK = 64
PIB = 5
PPAD = NW * PIB * PCHUNK
NPOOL = 144

BM = 2504


def _make_sc_scatter(d, nb, ib, chunk, nout, nbuf=NBUF):
    rows_per_tile = nout // NTILE
    assert ib % nbuf == 0
    mesh = plsc.VectorSubcoreMesh(core_axis_name="c", subcore_axis_name="s")

    @functools.partial(
        pl.kernel,
        out_type=jax.ShapeDtypeStruct((2, nout, d), jnp.float32),
        mesh=mesh,
        scratch_types=(
            [pltpu.VMEM((ib, chunk), jnp.int32),
             pltpu.VMEM((ib, chunk), jnp.int32)]
            + [pltpu.VMEM((chunk, d), jnp.float32) for _ in range(nbuf)]
            + [pltpu.SemaphoreType.DMA for _ in range(2 * nbuf)]
            + [pltpu.VMEM_SHARED((nout, d), jnp.float32)]
        ),
        compiler_params=pltpu.CompilerParams(use_tc_tiling_on_sc=False),
    )
    def scatter_k(table, srcs, dsts, zeros, out, src_v, dst_v, *rest):
        rows = rest[:nbuf]
        sg = rest[nbuf:2 * nbuf]
        ss = rest[2 * nbuf:3 * nbuf]
        acc = rest[3 * nbuf]
        cid = lax.axis_index("c")
        sid = lax.axis_index("s")
        wid = cid * NTILE + sid
        pltpu.sync_copy(
            zeros.at[pl.ds(sid * rows_per_tile, rows_per_tile)],
            acc.at[pl.ds(sid * rows_per_tile, rows_per_tile)],
        )
        plsc.subcore_barrier()

        def outer(ob, carry):
            pltpu.sync_copy(srcs.at[wid, ob], src_v)
            pltpu.sync_copy(dsts.at[wid, ob], dst_v)

            def body(jj, c2):
                base = jj * nbuf
                gds = [pltpu.async_copy(table.at[src_v.at[base + k]],
                                        rows[k], sg[k])
                       for k in range(nbuf)]
                sds = []
                for k in range(nbuf):
                    gds[k].wait()
                    sds.append(pltpu.async_copy(
                        rows[k], acc.at[dst_v.at[base + k]], ss[k], add=True))
                for k in range(nbuf):
                    sds[k].wait()
                return c2

            lax.fori_loop(0, ib // nbuf, body, carry)
            return carry

        lax.fori_loop(0, nb, outer, 0)
        plsc.subcore_barrier()
        pltpu.sync_copy(
            acc.at[pl.ds(sid * rows_per_tile, rows_per_tile)],
            out.at[cid, pl.ds(sid * rows_per_tile, rows_per_tile)],
        )

    return scatter_k


_sc_scatter_x = _make_sc_scatter(DX, ENB, EIB, ECHUNK, NP)
_sc_scatter_h = _make_sc_scatter(D, ENB, EIB, ECHUNK, NP)
_sc_pool = _make_sc_scatter(DAUG, 1, PIB, PCHUNK, NPOOL)

def _ones_col_block(bm):
    col = lax.broadcasted_iota(jnp.int32, (bm, DAUG - D), 1)
    return jnp.where(col == 0, 1.0, 0.0).astype(jnp.float32)


_WSPEC = pl.BlockSpec((D, D), lambda i: (0, 0))
_BSPEC = pl.BlockSpec((1, D), lambda i: (0, 0))
_MSPEC = pl.BlockSpec((BM, D), lambda i: (i, 0))
_DEGSPEC = pl.BlockSpec((BM, 1), lambda i: (i, 0))


def _tc_layer0(parts, x_aug, w1aug, w2aug, w3aug):

    def body(p_ref, x_ref, w1_ref, w2_ref, w3_ref, h_ref, deg_ref):
        hx = p_ref[0] + p_ref[1]
        xb = x_ref[...]
        deg = hx[:, 37:38]
        agg = jnp.dot(hx, w1_ref[...], preferred_element_type=jnp.float32)
        bb = jnp.dot(xb, w2_ref[...], preferred_element_type=jnp.float32)
        cc = jnp.dot(xb, w3_ref[...], preferred_element_type=jnp.float32)
        h_ref[...] = jnp.maximum(agg - deg * bb + cc, 0.0)
        deg_ref[...] = deg

    xwspec = pl.BlockSpec((DX, D), lambda i: (0, 0))
    return pl.pallas_call(
        body,
        grid=(NP // BM,),
        in_specs=[pl.BlockSpec((2, BM, DX), lambda i: (0, i, 0)),
                  pl.BlockSpec((BM, DX), lambda i: (i, 0)),
                  xwspec, xwspec, xwspec],
        out_specs=[_MSPEC, _DEGSPEC],
        out_shape=[jax.ShapeDtypeStruct((NP, D), jnp.float32),
                   jax.ShapeDtypeStruct((NP, 1), jnp.float32)],
    )(parts, x_aug, w1aug, w2aug, w3aug)


def _tc_layer(parts, h, deg, w1, b1, w2, w3, b3, aug_out):

    def body(p_ref, h_ref, deg_ref, w1_ref, b1_ref, w2_ref, w3_ref, b3_ref,
             out_ref):
        hagg = p_ref[0] + p_ref[1]
        hb = h_ref[...]
        deg = deg_ref[...]
        agg = jnp.dot(hagg, w1_ref[...], preferred_element_type=jnp.float32)
        bb = jnp.dot(hb, w2_ref[...], preferred_element_type=jnp.float32)
        cc = jnp.dot(hb, w3_ref[...], preferred_element_type=jnp.float32)
        hn = jnp.maximum(agg + deg * (b1_ref[...] - bb) + cc + b3_ref[...],
                         0.0)
        if aug_out:
            out_ref[:, :D] = hn
            out_ref[:, D:] = _ones_col_block(BM)
        else:
            out_ref[...] = hn

    dout = DAUG if aug_out else D
    return pl.pallas_call(
        body,
        grid=(NP // BM,),
        in_specs=[pl.BlockSpec((2, BM, D), lambda i: (0, i, 0)),
                  _MSPEC, _DEGSPEC, _WSPEC, _BSPEC, _WSPEC, _WSPEC, _BSPEC],
        out_specs=pl.BlockSpec((BM, dout), lambda i: (i, 0)),
        out_shape=jax.ShapeDtypeStruct((NP, dout), jnp.float32),
    )(parts, h, deg, w1, b1, w2, w3, b3)


def _tc_head(pool_parts, wf1, bf1, wf2, bf2):

    def body(p_ref, wf1_ref, bf1_ref, wf2_ref, bf2_ref, out_ref):
        p0 = p_ref[0]
        p1 = p_ref[1]
        sums = p0[:NUM_GRAPHS, :D] + p1[:NUM_GRAPHS, :D]
        cnt = p0[:NUM_GRAPHS, D:D + 1] + p1[:NUM_GRAPHS, D:D + 1]
        gx = sums / jnp.maximum(cnt, 1.0)
        hidden = jnp.maximum(
            jnp.dot(gx, wf1_ref[...], preferred_element_type=jnp.float32)
            + bf1_ref[...], 0.0)
        out_ref[...] = jnp.dot(hidden, wf2_ref[...],
                               preferred_element_type=jnp.float32) + bf2_ref[...]

    return pl.pallas_call(
        body,
        in_specs=[pl.BlockSpec((2, NPOOL, DAUG), lambda: (0, 0, 0)),
                  pl.BlockSpec((D, D), lambda: (0, 0)),
                  pl.BlockSpec((1, D), lambda: (0, 0)),
                  pl.BlockSpec((D, D), lambda: (0, 0)),
                  pl.BlockSpec((1, D), lambda: (0, 0))],
        out_specs=pl.BlockSpec((NUM_GRAPHS, D), lambda: (0, 0)),
        out_shape=jax.ShapeDtypeStruct((NUM_GRAPHS, D), jnp.float32),
    )(pool_parts, wf1, bf1, wf2, bf2)


def kernel(x, edge_index, batch, W1_0, b1_0, W2_0, W3_0, b3_0, W1_1, b1_1,
           W2_1, W3_1, b3_1, W1_2, b1_2, W2_2, W3_2, b3_2, Wf1, bf1, Wf2, bf2):
    f32 = jnp.float32
    nfeat = x.shape[1]
    x_aug = jnp.concatenate(
        [x, jnp.ones((N_NODES, 1), f32),
         jnp.zeros((N_NODES, DX - nfeat - 1), f32)], axis=1)
    x_aug = jnp.pad(x_aug, ((0, NP - N_NODES), (0, 0)))
    zrows = jnp.zeros((DX - nfeat - 1, D), f32)
    w1aug = jnp.concatenate([W1_0, b1_0[None, :], zrows], axis=0)
    w2aug = jnp.concatenate([W2_0, jnp.zeros((1, D), f32), zrows], axis=0)
    w3aug = jnp.concatenate([W3_0, b3_0[None, :], zrows], axis=0)
    wf2 = jnp.pad(Wf2, ((0, 0), (0, D - Wf2.shape[1])))
    bf2p = jnp.pad(bf2, (0, D - bf2.shape[0])).reshape(1, D)
    b1_1r, b3_1r = b1_1.reshape(1, D), b3_1.reshape(1, D)
    b1_2r, b3_2r = b1_2.reshape(1, D), b3_2.reshape(1, D)
    bf1r = bf1.reshape(1, D)

    src = jnp.concatenate(
        [edge_index[0], jnp.zeros((EPAD - N_EDGES,), jnp.int32)]
    ).reshape(NW, ENB, EIB, ECHUNK)
    dst = jnp.concatenate(
        [edge_index[1], jnp.full((EPAD - N_EDGES,), N_NODES, jnp.int32)]
    ).reshape(NW, ENB, EIB, ECHUNK)

    pool_src = jnp.concatenate(
        [jnp.arange(N_NODES, dtype=jnp.int32),
         jnp.zeros((PPAD - N_NODES,), jnp.int32)]
    ).reshape(NW, 1, PIB, PCHUNK)
    pool_dst = jnp.concatenate(
        [batch, jnp.full((PPAD - N_NODES,), NUM_GRAPHS, jnp.int32)]
    ).reshape(NW, 1, PIB, PCHUNK)

    z_x = jnp.zeros((NP, DX), f32)
    z_h = jnp.zeros((NP, D), f32)
    z_pool = jnp.zeros((NPOOL, DAUG), f32)

    parts0 = _sc_scatter_x(x_aug, src, dst, z_x)
    h1, deg = _tc_layer0(parts0, x_aug, w1aug, w2aug, w3aug)
    parts1 = _sc_scatter_h(h1, src, dst, z_h)
    h2 = _tc_layer(parts1, h1, deg, W1_1, b1_1r, W2_1, W3_1, b3_1r, False)
    parts2 = _sc_scatter_h(h2, src, dst, z_h)
    h3_aug = _tc_layer(parts2, h2, deg, W1_2, b1_2r, W2_2, W3_2, b3_2r, True)
    pool_parts = _sc_pool(h3_aug, pool_src, pool_dst, z_pool)
    pred_pad = _tc_head(pool_parts, Wf1, bf1r, wf2, bf2p)
    return pred_pad[:, :Wf2.shape[1]]

# --- scband reference (transcript-rebuilt; emitter-appended) ---
"""Pipeline reference for scband-nci1-gcn-40321152974882 (READ-ONLY COPY).

The authoritative reference and input builder live on the scoring server;
editing this copy changes nothing except your own understanding.
"""

import jax, jax.numpy as jnp
import numpy as np

N_NODES = 10000
N_EDGES = 640000
NUM_GRAPHS = 128

def _glorot(key, shape):
    fan_in, fan_out = shape
    lim = (6.0 / (fan_in + fan_out)) ** 0.5
    return jax.random.uniform(key, shape, jnp.float32, -lim, lim)

def setup_inputs(seed: int = 0):
    key = jax.random.key(seed)
    ks = jax.random.split(key, 32)
    inp = {}
    inp["x"] = jax.random.normal(ks[0], (N_NODES, 37), dtype=jnp.float32)
    inp["edge_index"] = jax.random.randint(ks[1], (2, N_EDGES), 0, N_NODES, dtype=jnp.int32)
    inp["batch"] = jnp.sort(jax.random.randint(ks[2], (N_NODES,), 0, NUM_GRAPHS, dtype=jnp.int32))
    dims = [(37, 128), (128, 128), (128, 128)]
    k = 3
    for i, (din, dout) in enumerate(dims):
        inp[f"W1_{i}"] = _glorot(ks[k], (din, dout)); k += 1
        inp[f"b1_{i}"] = jnp.zeros((dout,), jnp.float32)
        inp[f"W2_{i}"] = _glorot(ks[k], (din, dout)); k += 1
        inp[f"W3_{i}"] = _glorot(ks[k], (din, dout)); k += 1
        inp[f"b3_{i}"] = jnp.zeros((dout,), jnp.float32)
    inp["Wf1"] = _glorot(ks[k], (128, 128)); k += 1
    inp["bf1"] = jnp.zeros((128,), jnp.float32)
    inp["Wf2"] = _glorot(ks[k], (128, 2)); k += 1
    inp["bf2"] = jnp.zeros((2,), jnp.float32)
    return inp

def _leconv(h, src, dst, W1, b1, W2, W3, b3, edge_weight):
    # PyG LEConv: out_i = sum_{j->i} w_ji * (lin1(x_j) - lin2(x_i)) + lin3(x_i)
    a = h @ W1 + b1
    b = h @ W2
    msg = edge_weight[:, None] * (a[src] - b[dst])
    agg = jax.ops.segment_sum(msg, dst, num_segments=N_NODES)
    return agg + h @ W3 + b3

def reference(x, edge_index, batch, W1_0, b1_0, W2_0, W3_0, b3_0, W1_1, b1_1, W2_1, W3_1, b3_1, W1_2, b1_2, W2_2, W3_2, b3_2, Wf1, bf1, Wf2, bf2):
    src = edge_index[0]
    dst = edge_index[1]
    edge_weight = jnp.ones((edge_index.shape[1],), jnp.float32)
    params = [(W1_0, b1_0, W2_0, W3_0, b3_0), (W1_1, b1_1, W2_1, W3_1, b3_1), (W1_2, b1_2, W2_2, W3_2, b3_2)]
    h = x
    for (W1, b1, W2, W3, b3) in params:
        h = _leconv(h, src, dst, W1, b1, W2, W3, b3, edge_weight)
        h = jax.nn.relu(h)
    # global_mean_pool over graph ids (batch norms are constructed but unused in forward)
    sums = jax.ops.segment_sum(h, batch, num_segments=NUM_GRAPHS)
    counts = jax.ops.segment_sum(jnp.ones((h.shape[0],), jnp.float32), batch, num_segments=NUM_GRAPHS)
    graph_x = sums / jnp.clip(counts, 1.0)[:, None]
    # ffn: Linear(128,128) -> ReLU -> Dropout(eval: identity) -> Linear(128,2)
    hidden = jax.nn.relu(graph_x @ Wf1 + bf1)
    pred = hidden @ Wf2 + bf2
    return pred

if __name__ == "__main__":
    import jax
    _d = setup_inputs()
    print(jax.jit(kernel)(*tuple(_d.values())))

</pallas_src>

<mosaic_0001>
#map = affine_map<(d0, d1) -> (0, 0)>
#map1 = affine_map<(d0, d1) -> (0, 0, 0, 0)>
#map2 = affine_map<(d0, d1) -> (0, 0, 0)>
module attributes {stable_mosaic.version = 14 : i64} {
  func.func @scatter_k(%arg0: i32, %arg1: i32, %arg2: memref<10016x128xf32, #tpu.memory_space<hbm>>, %arg3: memref<32x8x40x64xi32, #tpu.memory_space<hbm>>, %arg4: memref<32x8x40x64xi32, #tpu.memory_space<hbm>>, %arg5: memref<10016x128xf32, #tpu.memory_space<hbm>>, %arg6: memref<2x10016x128xf32, #tpu.memory_space<hbm>>, %arg7: memref<40x64xi32, #tpu.memory_space<vmem>>, %arg8: memref<40x64xi32, #tpu.memory_space<vmem>>, %arg9: memref<64x128xf32, #tpu.memory_space<vmem>>, %arg10: memref<64x128xf32, #tpu.memory_space<vmem>>, %arg11: memref<64x128xf32, #tpu.memory_space<vmem>>, %arg12: memref<64x128xf32, #tpu.memory_space<vmem>>, %arg13: memref<64x128xf32, #tpu.memory_space<vmem>>, %arg14: memref<!tpu.dma_semaphore, #tpu.memory_space<semaphore_mem>>, %arg15: memref<!tpu.dma_semaphore, #tpu.memory_space<semaphore_mem>>, %arg16: memref<!tpu.dma_semaphore, #tpu.memory_space<semaphore_mem>>, %arg17: memref<!tpu.dma_semaphore, #tpu.memory_space<semaphore_mem>>, %arg18: memref<!tpu.dma_semaphore, #tpu.memory_space<semaphore_mem>>, %arg19: memref<!tpu.dma_semaphore, #tpu.memory_space<semaphore_mem>>, %arg20: memref<!tpu.dma_semaphore, #tpu.memory_space<semaphore_mem>>, %arg21: memref<!tpu.dma_semaphore, #tpu.memory_space<semaphore_mem>>, %arg22: memref<!tpu.dma_semaphore, #tpu.memory_space<semaphore_mem>>, %arg23: memref<!tpu.dma_semaphore, #tpu.memory_space<semaphore_mem>>, %arg24: memref<10016x128xf32, #tpu.memory_space<vmem_shared>>) attributes {dimension_semantics = [#tpu.dimension_semantics<core_parallel>, #tpu.dimension_semantics<subcore_parallel>], iteration_bounds = array<i64: 2, 16>, scalar_prefetch = 0 : i64, scratch_operands = 18 : i64, tpu.core_type = #tpu.core_type<sc_vector_subcore>, window_params = [{transform_indices = #map}, {transform_indices = #map1}, {transform_indices = #map1}, {transform_indices = #map}, {transform_indices = #map2}]} {
    %mul3A = arith.constant 16 : i32
    %mul3A_0 = arith.muli %arg0, %mul3A : i32
    %add3A = arith.addi %mul3A_0, %arg1 : i32
    %mul3A_1 = arith.constant 626 : i32
    %mul3A_2 = arith.muli %arg1, %mul3A_1 : i32
    %mul3A_3 = arith.constant 626 : i32
    %mul3A_4 = arith.muli %arg1, %mul3A_3 : i32
    "tpu.region"() ({
      %run_scoped3A = tpu.sem_alloc : memref<!tpu.dma_semaphore, #tpu.memory_space<semaphore_mem>>
      %dma_start3A = arith.constant 0 : i32
      %dma_start3A_15 = tpu.memref_slice %arg24[%mul3A_4, %dma_start3A] : memref<10016x128xf32, #tpu.memory_space<vmem_shared>> -> memref<626x128xf32, #tpu.memory_space<vmem_shared>>
      %dma_start3A_16 = arith.constant 0 : i32
      %dma_start3A_17 = tpu.memref_slice %arg5[%mul3A_2, %dma_start3A_16] : memref<10016x128xf32, #tpu.memory_space<hbm>> -> memref<626x128xf32, #tpu.memory_space<hbm>>
      tpu.enqueue_dma source(%dma_start3A_17 : memref<626x128xf32, #tpu.memory_space<hbm>>) target(%dma_start3A_15 : memref<626x128xf32, #tpu.memory_space<vmem_shared>>) target_semaphore(%run_scoped3A : memref<!tpu.dma_semaphore, #tpu.memory_space<semaphore_mem>>)
      %dma_wait3A = arith.constant 0 : i32
      %dma_wait3A_18 = tpu.memref_slice %arg24[%mul3A_4, %dma_wait3A] : memref<10016x128xf32, #tpu.memory_space<vmem_shared>> -> memref<626x128xf32, #tpu.memory_space<vmem_shared>>
      %dma_wait3A_19 = arith.constant 0 : i32
      %dma_wait3A_20 = tpu.memref_slice %arg5[%mul3A_2, %dma_wait3A_19] : memref<10016x128xf32, #tpu.memory_space<hbm>> -> memref<626x128xf32, #tpu.memory_space<hbm>>
      tpu.wait_dma2 semaphore(%run_scoped3A : memref<!tpu.dma_semaphore, #tpu.memory_space<semaphore_mem>>) src(%dma_wait3A_20 : memref<626x128xf32, #tpu.memory_space<hbm>>) dst(%dma_wait3A_18 : memref<626x128xf32, #tpu.memory_space<vmem_shared>>)
      tpu.yield
    }) : () -> ()
    %barrier3A = arith.constant 0 : index
    tpu.barrier barrier_id(%barrier3A)
    %scan3A = arith.constant 0 : i32
    %scan3A_5 = arith.constant 0 : i32
    %scan3A_6 = arith.constant 8 : i32
    %scan3A_7 = arith.addi %scan3A_5, %scan3A_6 : i32
    %scan3A_8 = arith.constant 1 : i32
    scf.for %scan3A_15 = %scan3A_5 to %scan3A_7 step %scan3A_8  : i32 {
      "tpu.region"() ({
        %run_scoped3A = tpu.sem_alloc : memref<!tpu.dma_semaphore, #tpu.memory_space<semaphore_mem>>
        %dma_start3A = arith.constant 0 : i32
        %dma_start3A_21 = arith.constant 0 : i32
        %dma_start3A_22 = tpu.memref_slice %arg3[%add3A, %scan3A_15, %dma_start3A, %dma_start3A_21] : memref<32x8x40x64xi32, #tpu.memory_space<hbm>> -> memref<1x1x40x64xi32, #tpu.memory_space<hbm>>
        %dma_start3A_23 = tpu.memref_squeeze %dma_start3A_22 : memref<1x1x40x64xi32, #tpu.memory_space<hbm>> -> memref<40x64xi32, #tpu.memory_space<hbm>>
        %dma_start3A_24 = arith.constant 0 : i32
        %dma_start3A_25 = arith.constant 0 : i32
        %dma_start3A_26 = tpu.memref_slice %arg3[%add3A, %scan3A_15, %dma_start3A_24, %dma_start3A_25] : memref<32x8x40x64xi32, #tpu.memory_space<hbm>> -> memref<1x1x40x64xi32, #tpu.memory_space<hbm>>
        %dma_start3A_27 = tpu.memref_squeeze %dma_start3A_26 : memref<1x1x40x64xi32, #tpu.memory_space<hbm>> -> memref<40x64xi32, #tpu.memory_space<hbm>>
        tpu.enqueue_dma source(%dma_start3A_27 : memref<40x64xi32, #tpu.memory_space<hbm>>) target(%arg7 : memref<40x64xi32, #tpu.memory_space<vmem>>) target_semaphore(%run_scoped3A : memref<!tpu.dma_semaphore, #tpu.memory_space<semaphore_mem>>)
        %dma_wait3A = arith.constant 0 : i32
        %dma_wait3A_28 = arith.constant 0 : i32
        %dma_wait3A_29 = tpu.memref_slice %arg3[%add3A, %scan3A_15, %dma_wait3A, %dma_wait3A_28] : memref<32x8x40x64xi32, #tpu.memory_space<hbm>> -> memref<1x1x40x64xi32, #tpu.memory_space<hbm>>
        %dma_wait3A_30 = tpu.memref_squeeze %dma_wait3A_29 : memref<1x1x40x64xi32, #tpu.memory_space<hbm>> -> memref<40x64xi32, #tpu.memory_space<hbm>>
        %dma_wait3A_31 = arith.constant 0 : i32
        %dma_wait3A_32 = arith.constant 0 : i32
        %dma_wait3A_33 = tpu.memref_slice %arg3[%add3A, %scan3A_15, %dma_wait3A_31, %dma_wait3A_32] : memref<32x8x40x64xi32, #tpu.memory_space<hbm>> -> memref<1x1x40x64xi32, #tpu.memory_space<hbm>>
        %dma_wait3A_34 = tpu.memref_squeeze %dma_wait3A_33 : memref<1x1x40x64xi32, #tpu.memory_space<hbm>> -> memref<40x64xi32, #tpu.memory_space<hbm>>
        tpu.wait_dma2 semaphore(%run_scoped3A : memref<!tpu.dma_semaphore, #tpu.memory_space<semaphore_mem>>) src(%dma_wait3A_34 : memref<40x64xi32, #tpu.memory_space<hbm>>) dst(%arg7 : memref<40x64xi32, #tpu.memory_space<vmem>>)
        tpu.yield
      }) : () -> ()
      "tpu.region"() ({
        %run_scoped3A = tpu.sem_alloc : memref<!tpu.dma_semaphore, #tpu.memory_space<semaphore_mem>>
        %dma_start3A = arith.constant 0 : i32
        %dma_start3A_21 = arith.constant 0 : i32
        %dma_start3A_22 = tpu.memref_slice %arg4[%add3A, %scan3A_15, %dma_start3A, %dma_start3A_21] : memref<32x8x40x64xi32, #tpu.memory_space<hbm>> -> memref<1x1x40x64xi32, #tpu.memory_space<hbm>>
        %dma_start3A_23 = tpu.memref_squeeze %dma_start3A_22 : memref<1x1x40x64xi32, #tpu.memory_space<hbm>> -> memref<40x64xi32, #tpu.memory_space<hbm>>
        %dma_start3A_24 = arith.constant 0 : i32
        %dma_start3A_25 = arith.constant 0 : i32
        %dma_start3A_26 = tpu.memref_slice %arg4[%add3A, %scan3A_15, %dma_start3A_24, %dma_start3A_25] : memref<32x8x40x64xi32, #tpu.memory_space<hbm>> -> memref<1x1x40x64xi32, #tpu.memory_space<hbm>>
        %dma_start3A_27 = tpu.memref_squeeze %dma_start3A_26 : memref<1x1x40x64xi32, #tpu.memory_space<hbm>> -> memref<40x64xi32, #tpu.memory_space<hbm>>
        tpu.enqueue_dma source(%dma_start3A_27 : memref<40x64xi32, #tpu.memory_space<hbm>>) target(%arg8 : memref<40x64xi32, #tpu.memory_space<vmem>>) target_semaphore(%run_scoped3A : memref<!tpu.dma_semaphore, #tpu.memory_space<semaphore_mem>>)
        %dma_wait3A = arith.constant 0 : i32
        %dma_wait3A_28 = arith.constant 0 : i32
        %dma_wait3A_29 = tpu.memref_slice %arg4[%add3A, %scan3A_15, %dma_wait3A, %dma_wait3A_28] : memref<32x8x40x64xi32, #tpu.memory_space<hbm>> -> memref<1x1x40x64xi32, #tpu.memory_space<hbm>>
        %dma_wait3A_30 = tpu.memref_squeeze %dma_wait3A_29 : memref<1x1x40x64xi32, #tpu.memory_space<hbm>> -> memref<40x64xi32, #tpu.memory_space<hbm>>
        %dma_wait3A_31 = arith.constant 0 : i32
        %dma_wait3A_32 = arith.constant 0 : i32
        %dma_wait3A_33 = tpu.memref_slice %arg4[%add3A, %scan3A_15, %dma_wait3A_31, %dma_wait3A_32] : memref<32x8x40x64xi32, #tpu.memory_space<hbm>> -> memref<1x1x40x64xi32, #tpu.memory_space<hbm>>
        %dma_wait3A_34 = tpu.memref_squeeze %dma_wait3A_33 : memref<1x1x40x64xi32, #tpu.memory_space<hbm>> -> memref<40x64xi32, #tpu.memory_space<hbm>>
        tpu.wait_dma2 semaphore(%run_scoped3A : memref<!tpu.dma_semaphore, #tpu.memory_space<semaphore_mem>>) src(%dma_wait3A_34 : memref<40x64xi32, #tpu.memory_space<hbm>>) dst(%arg8 : memref<40x64xi32, #tpu.memory_space<vmem>>)
        tpu.yield
      }) : () -> ()
      %scan3A_16 = arith.constant 0 : i32
      %scan3A_17 = arith.constant 8 : i32
      %scan3A_18 = arith.addi %scan3A_16, %scan3A_17 : i32
      %scan3A_19 = arith.constant 1 : i32
      scf.for %scan3A_21 = %scan3A_16 to %scan3A_18 step %scan3A_19  : i32 {
        %mul3A_22 = arith.constant 5 : i32
        %mul3A_23 = arith.muli %scan3A_21, %mul3A_22 : i32
        %add3A_24 = arith.constant 0 : i32
        %add3A_25 = arith.addi %mul3A_23, %add3A_24 : i32
        %dma_start3A = arith.constant 0 : i32
        %dma_start3A_26 = tpu.memref_slice %arg7[%add3A_25, %dma_start3A] : memref<40x64xi32, #tpu.memory_space<vmem>> -> memref<1x64xi32, #tpu.memory_space<vmem>>
        %dma_start3A_27 = tpu.memref_squeeze %dma_start3A_26 : memref<1x64xi32, #tpu.memory_space<vmem>> -> memref<64xi32, #tpu.memory_space<vmem>>
        %dma_start3A_28 = arith.constant 0 : i32
        %dma_start3A_29 = arith.constant 0 : i32
        %dma_start3A_30 = tpu.memref_slice %arg2[%dma_start3A_28, %dma_start3A_29] : memref<10016x128xf32, #tpu.memory_space<hbm>> -> memref<10016x128xf32, #tpu.memory_space<hbm>>
        tpu.enqueue_indirect_dma source(%dma_start3A_30 : memref<10016x128xf32, #tpu.memory_space<hbm>>) target(%arg9 : memref<64x128xf32, #tpu.memory_space<vmem>>) offsets(%dma_start3A_27 : memref<64xi32, #tpu.memory_space<vmem>>) semaphore(%arg14 : memref<!tpu.dma_semaphore, #tpu.memory_space<semaphore_mem>>)
        %add3A_31 = arith.constant 1 : i32
        %add3A_32 = arith.addi %mul3A_23, %add3A_31 : i32
        %dma_start3A_33 = arith.constant 0 : i32
        %dma_start3A_34 = tpu.memref_slice %arg7[%add3A_32, %dma_start3A_33] : memref<40x64xi32, #tpu.memory_space<vmem>> -> memref<1x64xi32, #tpu.memory_space<vmem>>
        %dma_start3A_35 = tpu.memref_squeeze %dma_start3A_34 : memref<1x64xi32, #tpu.memory_space<vmem>> -> memref<64xi32, #tpu.memory_space<vmem>>
        %dma_start3A_36 = arith.constant 0 : i32
        %dma_start3A_37 = arith.constant 0 : i32
        %dma_start3A_38 = tpu.memref_slice %arg2[%dma_start3A_36, %dma_start3A_37] : memref<10016x128xf32, #tpu.memory_space<hbm>> -> memref<10016x128xf32, #tpu.memory_space<hbm>>
        tpu.enqueue_indirect_dma source(%dma_start3A_38 : memref<10016x128xf32, #tpu.memory_space<hbm>>) target(%arg10 : memref<64x128xf32, #tpu.memory_space<vmem>>) offsets(%dma_start3A_35 : memref<64xi32, #tpu.memory_space<vmem>>) semaphore(%arg15 : memref<!tpu.dma_semaphore, #tpu.memory_space<semaphore_mem>>)
        %add3A_39 = arith.constant 2 : i32
        %add3A_40 = arith.addi %mul3A_23, %add3A_39 : i32
        %dma_start3A_41 = arith.constant 0 : i32
        %dma_start3A_42 = tpu.memref_slice %arg7[%add3A_40, %dma_start3A_41] : memref<40x64xi32, #tpu.memory_space<vmem>> -> memref<1x64xi32, #tpu.memory_space<vmem>>
        %dma_start3A_43 = tpu.memref_squeeze %dma_start3A_42 : memref<1x64xi32, #tpu.memory_space<vmem>> -> memref<64xi32, #tpu.memory_space<vmem>>
        %dma_start3A_44 = arith.constant 0 : i32
        %dma_start3A_45 = arith.constant 0 : i32
        %dma_start3A_46 = tpu.memref_slice %arg2[%dma_start3A_44, %dma_start3A_45] : memref<10016x128xf32, #tpu.memory_space<hbm>> -> memref<10016x128xf32, #tpu.memory_space<hbm>>
        tpu.enqueue_indirect_dma source(%dma_start3A_46 : memref<10016x128xf32, #tpu.memory_space<hbm>>) target(%arg11 : memref<64x128xf32, #tpu.memory_space<vmem>>) offsets(%dma_start3A_43 : memref<64xi32, #tpu.memory_space<vmem>>) semaphore(%arg16 : memref<!tpu.dma_semaphore, #tpu.memory_space<semaphore_mem>>)
        %add3A_47 = arith.constant 3 : i32
        %add3A_48 = arith.addi %mul3A_23, %add3A_47 : i32
        %dma_start3A_49 = arith.constant 0 : i32
        %dma_start3A_50 = tpu.memref_slice %arg7[%add3A_48, %dma_start3A_49] : memref<40x64xi32, #tpu.memory_space<vmem>> -> memref<1x64xi32, #tpu.memory_space<vmem>>
        %dma_start3A_51 = tpu.memref_squeeze %dma_start3A_50 : memref<1x64xi32, #tpu.memory_space<vmem>> -> memref<64xi32, #tpu.memory_space<vmem>>
        %dma_start3A_52 = arith.constant 0 : i32
        %dma_start3A_53 = arith.constant 0 : i32
        %dma_start3A_54 = tpu.memref_slice %arg2[%dma_start3A_52, %dma_start3A_53] : memref<10016x128xf32, #tpu.memory_space<hbm>> -> memref<10016x128xf32, #tpu.memory_space<hbm>>
        tpu.enqueue_indirect_dma source(%dma_start3A_54 : memref<10016x128xf32, #tpu.memory_space<hbm>>) target(%arg12 : memref<64x128xf32, #tpu.memory_space<vmem>>) offsets(%dma_start3A_51 : memref<64xi32, #tpu.memory_space<vmem>>) semaphore(%arg17 : memref<!tpu.dma_semaphore, #tpu.memory_space<semaphore_mem>>)
        %add3A_55 = arith.constant 4 : i32
        %add3A_56 = arith.addi %mul3A_23, %add3A_55 : i32
        %dma_start3A_57 = arith.constant 0 : i32
        %dma_start3A_58 = tpu.memref_slice %arg7[%add3A_56, %dma_start3A_57] : memref<40x64xi32, #tpu.memory_space<vmem>> -> memref<1x64xi32, #tpu.memory_space<vmem>>
        %dma_start3A_59 = tpu.memref_squeeze %dma_start3A_58 : memref<1x64xi32, #tpu.memory_space<vmem>> -> memref<64xi32, #tpu.memory_space<vmem>>
        %dma_start3A_60 = arith.constant 0 : i32
        %dma_start3A_61 = arith.constant 0 : i32
        %dma_start3A_62 = tpu.memref_slice %arg2[%dma_start3A_60, %dma_start3A_61] : memref<10016x128xf32, #tpu.memory_space<hbm>> -> memref<10016x128xf32, #tpu.memory_space<hbm>>
        tpu.enqueue_indirect_dma source(%dma_start3A_62 : memref<10016x128xf32, #tpu.memory_space<hbm>>) target(%arg13 : memref<64x128xf32, #tpu.memory_space<vmem>>) offsets(%dma_start3A_59 : memref<64xi32, #tpu.memory_space<vmem>>) semaphore(%arg18 : memref<!tpu.dma_semaphore, #tpu.memory_space<semaphore_mem>>)
        %dma_wait3A = arith.constant 0 : i32
        %dma_wait3A_63 = tpu.memref_slice %arg7[%add3A_25, %dma_wait3A] : memref<40x64xi32, #tpu.memory_space<vmem>> -> memref<1x64xi32, #tpu.memory_space<vmem>>
        %dma_wait3A_64 = tpu.memref_squeeze %dma_wait3A_63 : memref<1x64xi32, #tpu.memory_space<vmem>> -> memref<64xi32, #tpu.memory_space<vmem>>
        %dma_wait3A_65 = arith.constant 0 : i32
        %dma_wait3A_66 = arith.constant 0 : i32
        %dma_wait3A_67 = tpu.memref_slice %arg2[%dma_wait3A_65, %dma_wait3A_66] : memref<10016x128xf32, #tpu.memory_space<hbm>> -> memref<10016x128xf32, #tpu.memory_space<hbm>>
        tpu.wait_indirect_dma semaphore(%arg14 : memref<!tpu.dma_semaphore, #tpu.memory_space<semaphore_mem>>) src(%dma_wait3A_67 : memref<10016x128xf32, #tpu.memory_space<hbm>>) dst(%arg9 : memref<64x128xf32, #tpu.memory_space<vmem>>)
        %add3A_68 = arith.constant 0 : i32
        %add3A_69 = arith.addi %mul3A_23, %add3A_68 : i32
        %dma_start3A_70 = arith.constant 0 : i32
        %dma_start3A_71 = tpu.memref_slice %arg8[%add3A_69, %dma_start3A_70] : memref<40x64xi32, #tpu.memory_space<vmem>> -> memref<1x64xi32, #tpu.memory_space<vmem>>
        %dma_start3A_72 = tpu.memref_squeeze %dma_start3A_71 : memref<1x64xi32, #tpu.memory_space<vmem>> -> memref<64xi32, #tpu.memory_space<vmem>>
        %dma_start3A_73 = arith.constant 0 : i32
        %dma_start3A_74 = arith.constant 0 : i32
        %dma_start3A_75 = tpu.memref_slice %arg24[%dma_start3A_73, %dma_start3A_74] : memref<10016x128xf32, #tpu.memory_space<vmem_shared>> -> memref<10016x128xf32, #tpu.memory_space<vmem_shared>>
        tpu.enqueue_indirect_dma source(%arg9 : memref<64x128xf32, #tpu.memory_space<vmem>>) target(%dma_start3A_75 : memref<10016x128xf32, #tpu.memory_space<vmem_shared>>) offsets(%dma_start3A_72 : memref<64xi32, #tpu.memory_space<vmem>>) semaphore(%arg19 : memref<!tpu.dma_semaphore, #tpu.memory_space<semaphore_mem>>) {add = true}
        %dma_wait3A_76 = arith.constant 0 : i32
        %dma_wait3A_77 = tpu.memref_slice %arg7[%add3A_32, %dma_wait3A_76] : memref<40x64xi32, #tpu.memory_space<vmem>> -> memref<1x64xi32, #tpu.memory_space<vmem>>
        %dma_wait3A_78 = tpu.memref_squeeze %dma_wait3A_77 : memref<1x64xi32, #tpu.memory_space<vmem>> -> memref<64xi32, #tpu.memory_space<vmem>>
        %dma_wait3A_79 = arith.constant 0 : i32
        %dma_wait3A_80 = arith.constant 0 : i32
        %dma_wait3A_81 = tpu.memref_slice %arg2[%dma_wait3A_79, %dma_wait3A_80] : memref<10016x128xf32, #tpu.memory_space<hbm>> -> memref<10016x128xf32, #tpu.memory_space<hbm>>
        tpu.wait_indirect_dma semaphore(%arg15 : memref<!tpu.dma_semaphore, #tpu.memory_space<semaphore_mem>>) src(%dma_wait3A_81 : memref<10016x128xf32, #tpu.memory_space<hbm>>) dst(%arg10 : memref<64x128xf32, #tpu.memory_space<vmem>>)
        %add3A_82 = arith.constant 1 : i32
        %add3A_83 = arith.addi %mul3A_23, %add3A_82 : i32
        %dma_start3A_84 = arith.constant 0 : i32
        %dma_start3A_85 = tpu.memref_slice %arg8[%add3A_83, %dma_start3A_84] : memref<40x64xi32, #tpu.memory_space<vmem>> -> memref<1x64xi32, #tpu.memory_space<vmem>>
        %dma_start3A_86 = tpu.memref_squeeze %dma_start3A_85 : memref<1x64xi32, #tpu.memory_space<vmem>> -> memref<64xi32, #tpu.memory_space<vmem>>
        %dma_start3A_87 = arith.constant 0 : i32
        %dma_start3A_88 = arith.constant 0 : i32
        %dma_start3A_89 = tpu.memref_slice %arg24[%dma_start3A_87, %dma_start3A_88] : memref<10016x128xf32, #tpu.memory_space<vmem_shared>> -> memref<10016x128xf32, #tpu.memory_space<vmem_shared>>
        tpu.enqueue_indirect_dma source(%arg10 : memref<64x128xf32, #tpu.memory_space<vmem>>) target(%dma_start3A_89 : memref<10016x128xf32, #tpu.memory_space<vmem_shared>>) offsets(%dma_start3A_86 : memref<64xi32, #tpu.memory_space<vmem>>) semaphore(%arg20 : memref<!tpu.dma_semaphore, #tpu.memory_space<semaphore_mem>>) {add = true}
        %dma_wait3A_90 = arith.constant 0 : i32
        %dma_wait3A_91 = tpu.memref_slice %arg7[%add3A_40, %dma_wait3A_90] : memref<40x64xi32, #tpu.memory_space<vmem>> -> memref<1x64xi32, #tpu.memory_space<vmem>>
        %dma_wait3A_92 = tpu.memref_squeeze %dma_wait3A_91 : memref<1x64xi32, #tpu.memory_space<vmem>> -> memref<64xi32, #tpu.memory_space<vmem>>
        %dma_wait3A_93 = arith.constant 0 : i32
        %dma_wait3A_94 = arith.constant 0 : i32
        %dma_wait3A_95 = tpu.memref_slice %arg2[%dma_wait3A_93, %dma_wait3A_94] : memref<10016x128xf32, #tpu.memory_space<hbm>> -> memref<10016x128xf32, #tpu.memory_space<hbm>>
        tpu.wait_indirect_dma semaphore(%arg16 : memref<!tpu.dma_semaphore, #tpu.memory_space<semaphore_mem>>) src(%dma_wait3A_95 : memref<10016x128xf32, #tpu.memory_space<hbm>>) dst(%arg11 : memref<64x128xf32, #tpu.memory_space<vmem>>)
        %add3A_96 = arith.constant 2 : i32
        %add3A_97 = arith.addi %mul3A_23, %add3A_96 : i32
        %dma_start3A_98 = arith.constant 0 : i32
        %dma_start3A_99 = tpu.memref_slice %arg8[%add3A_97, %dma_start3A_98] : memref<40x64xi32, #tpu.memory_space<vmem>> -> memref<1x64xi32, #tpu.memory_space<vmem>>
        %dma_start3A_100 = tpu.memref_squeeze %dma_start3A_99 : memref<1x64xi32, #tpu.memory_space<vmem>> -> memref<64xi32, #tpu.memory_space<vmem>>
        %dma_start3A_101 = arith.constant 0 : i32
        %dma_start3A_102 = arith.constant 0 : i32
        %dma_start3A_103 = tpu.memref_slice %arg24[%dma_start3A_101, %dma_start3A_102] : memref<10016x128xf32, #tpu.memory_space<vmem_shared>> -> memref<10016x128xf32, #tpu.memory_space<vmem_shared>>
        tpu.enqueue_indirect_dma source(%arg11 : memref<64x128xf32, #tpu.memory_space<vmem>>) target(%dma_start3A_103 : memref<10016x128xf32, #tpu.memory_space<vmem_shared>>) offsets(%dma_start3A_100 : memref<64xi32, #tpu.memory_space<vmem>>) semaphore(%arg21 : memref<!tpu.dma_semaphore, #tpu.memory_space<semaphore_mem>>) {add = true}
        %dma_wait3A_104 = arith.constant 0 : i32
        %dma_wait3A_105 = tpu.memref_slice %arg7[%add3A_48, %dma_wait3A_104] : memref<40x64xi32, #tpu.memory_space<vmem>> -> memref<1x64xi32, #tpu.memory_space<vmem>>
        %dma_wait3A_106 = tpu.memref_squeeze %dma_wait3A_105 : memref<1x64xi32, #tpu.memory_space<vmem>> -> memref<64xi32, #tpu.memory_space<vmem>>
        %dma_wait3A_107 = arith.constant 0 : i32
        %dma_wait3A_108 = arith.constant 0 : i32
        %dma_wait3A_109 = tpu.memref_slice %arg2[%dma_wait3A_107, %dma_wait3A_108] : memref<10016x128xf32, #tpu.memory_space<hbm>> -> memref<10016x128xf32, #tpu.memory_space<hbm>>
        tpu.wait_indirect_dma semaphore(%arg17 : memref<!tpu.dma_semaphore, #tpu.memory_space<semaphore_mem>>) src(%dma_wait3A_109 : memref<10016x128xf32, #tpu.memory_space<hbm>>) dst(%arg12 : memref<64x128xf32, #tpu.memory_space<vmem>>)
        %add3A_110 = arith.constant 3 : i32
        %add3A_111 = arith.addi %mul3A_23, %add3A_110 : i32
        %dma_start3A_112 = arith.constant 0 : i32
        %dma_start3A_113 = tpu.memref_slice %arg8[%add3A_111, %dma_start3A_112] : memref<40x64xi32, #tpu.memory_space<vmem>> -> memref<1x64xi32, #tpu.memory_space<vmem>>
        %dma_start3A_114 = tpu.memref_squeeze %dma_start3A_113 : memref<1x64xi32, #tpu.memory_space<vmem>> -> memref<64xi32, #tpu.memory_space<vmem>>
        %dma_start3A_115 = arith.constant 0 : i32
        %dma_start3A_116 = arith.constant 0 : i32
        %dma_start3A_117 = tpu.memref_slice %arg24[%dma_start3A_115, %dma_start3A_116] : memref<10016x128xf32, #tpu.memory_space<vmem_shared>> -> memref<10016x128xf32, #tpu.memory_space<vmem_shared>>
        tpu.enqueue_indirect_dma source(%arg12 : memref<64x128xf32, #tpu.memory_space<vmem>>) target(%dma_start3A_117 : memref<10016x128xf32, #tpu.memory_space<vmem_shared>>) offsets(%dma_start3A_114 : memref<64xi32, #tpu.memory_space<vmem>>) semaphore(%arg22 : memref<!tpu.dma_semaphore, #tpu.memory_space<semaphore_mem>>) {add = true}
        %dma_wait3A_118 = arith.constant 0 : i32
        %dma_wait3A_119 = tpu.memref_slice %arg7[%add3A_56, %dma_wait3A_118] : memref<40x64xi32, #tpu.memory_space<vmem>> -> memref<1x64xi32, #tpu.memory_space<vmem>>
        %dma_wait3A_120 = tpu.memref_squeeze %dma_wait3A_119 : memref<1x64xi32, #tpu.memory_space<vmem>> -> memref<64xi32, #tpu.memory_space<vmem>>
        %dma_wait3A_121 = arith.constant 0 : i32
        %dma_wait3A_122 = arith.constant 0 : i32
        %dma_wait3A_123 = tpu.memref_slice %arg2[%dma_wait3A_121, %dma_wait3A_122] : memref<10016x128xf32, #tpu.memory_space<hbm>> -> memref<10016x128xf32, #tpu.memory_space<hbm>>
        tpu.wait_indirect_dma semaphore(%arg18 : memref<!tpu.dma_semaphore, #tpu.memory_space<semaphore_mem>>) src(%dma_wait3A_123 : memref<10016x128xf32, #tpu.memory_space<hbm>>) dst(%arg13 : memref<64x128xf32, #tpu.memory_space<vmem>>)
        %add3A_124 = arith.constant 4 : i32
        %add3A_125 = arith.addi %mul3A_23, %add3A_124 : i32
        %dma_start3A_126 = arith.constant 0 : i32
        %dma_start3A_127 = tpu.memref_slice %arg8[%add3A_125, %dma_start3A_126] : memref<40x64xi32, #tpu.memory_space<vmem>> -> memref<1x64xi32, #tpu.memory_space<vmem>>
        %dma_start3A_128 = tpu.memref_squeeze %dma_start3A_127 : memref<1x64xi32, #tpu.memory_space<vmem>> -> memref<64xi32, #tpu.memory_space<vmem>>
        %dma_start3A_129 = arith.constant 0 : i32
        %dma_start3A_130 = arith.constant 0 : i32
        %dma_start3A_131 = tpu.memref_slice %arg24[%dma_start3A_129, %dma_start3A_130] : memref<10016x128xf32, #tpu.memory_space<vmem_shared>> -> memref<10016x128xf32, #tpu.memory_space<vmem_shared>>
        tpu.enqueue_indirect_dma source(%arg13 : memref<64x128xf32, #tpu.memory_space<vmem>>) target(%dma_start3A_131 : memref<10016x128xf32, #tpu.memory_space<vmem_shared>>) offsets(%dma_start3A_128 : memref<64xi32, #tpu.memory_space<vmem>>) semaphore(%arg23 : memref<!tpu.dma_semaphore, #tpu.memory_space<semaphore_mem>>) {add = true}
        %dma_wait3A_132 = arith.constant 0 : i32
        %dma_wait3A_133 = tpu.memref_slice %arg8[%add3A_69, %dma_wait3A_132] : memref<40x64xi32, #tpu.memory_space<vmem>> -> memref<1x64xi32, #tpu.memory_space<vmem>>
        %dma_wait3A_134 = tpu.memref_squeeze %dma_wait3A_133 : memref<1x64xi32, #tpu.memory_space<vmem>> -> memref<64xi32, #tpu.memory_space<vmem>>
        %dma_wait3A_135 = arith.constant 0 : i32
        %dma_wait3A_136 = arith.constant 0 : i32
        %dma_wait3A_137 = tpu.memref_slice %arg24[%dma_wait3A_135, %dma_wait3A_136] : memref<10016x128xf32, #tpu.memory_space<vmem_shared>> -> memref<10016x128xf32, #tpu.memory_space<vmem_shared>>
        tpu.wait_indirect_dma semaphore(%arg19 : memref<!tpu.dma_semaphore, #tpu.memory_space<semaphore_mem>>) src(%arg9 : memref<64x128xf32, #tpu.memory_space<vmem>>) dst(%dma_wait3A_137 : memref<10016x128xf32, #tpu.memory_space<vmem_shared>>)
        %dma_wait3A_138 = arith.constant 0 : i32
        %dma_wait3A_139 = tpu.memref_slice %arg8[%add3A_83, %dma_wait3A_138] : memref<40x64xi32, #tpu.memory_space<vmem>> -> memref<1x64xi32, #tpu.memory_space<vmem>>
        %dma_wait3A_140 = tpu.memref_squeeze %dma_wait3A_139 : memref<1x64xi32, #tpu.memory_space<vmem>> -> memref<64xi32, #tpu.memory_space<vmem>>
        %dma_wait3A_141 = arith.constant 0 : i32
        %dma_wait3A_142 = arith.constant 0 : i32
        %dma_wait3A_143 = tpu.memref_slice %arg24[%dma_wait3A_141, %dma_wait3A_142] : memref<10016x128xf32, #tpu.memory_space<vmem_shared>> -> memref<10016x128xf32, #tpu.memory_space<vmem_shared>>
        tpu.wait_indirect_dma semaphore(%arg20 : memref<!tpu.dma_semaphore, #tpu.memory_space<semaphore_mem>>) src(%arg10 : memref<64x128xf32, #tpu.memory_space<vmem>>) dst(%dma_wait3A_143 : memref<10016x128xf32, #tpu.memory_space<vmem_shared>>)
        %dma_wait3A_144 = arith.constant 0 : i32
        %dma_wait3A_145 = tpu.memref_slice %arg8[%add3A_97, %dma_wait3A_144] : memref<40x64xi32, #tpu.memory_space<vmem>> -> memref<1x64xi32, #tpu.memory_space<vmem>>
        %dma_wait3A_146 = tpu.memref_squeeze %dma_wait3A_145 : memref<1x64xi32, #tpu.memory_space<vmem>> -> memref<64xi32, #tpu.memory_space<vmem>>
        %dma_wait3A_147 = arith.constant 0 : i32
        %dma_wait3A_148 = arith.constant 0 : i32
        %dma_wait3A_149 = tpu.memref_slice %arg24[%dma_wait3A_147, %dma_wait3A_148] : memref<10016x128xf32, #tpu.memory_space<vmem_shared>> -> memref<10016x128xf32, #tpu.memory_space<vmem_shared>>
        tpu.wait_indirect_dma semaphore(%arg21 : memref<!tpu.dma_semaphore, #tpu.memory_space<semaphore_mem>>) src(%arg11 : memref<64x128xf32, #tpu.memory_space<vmem>>) dst(%dma_wait3A_149 : memref<10016x128xf32, #tpu.memory_space<vmem_shared>>)
        %dma_wait3A_150 = arith.constant 0 : i32
        %dma_wait3A_151 = tpu.memref_slice %arg8[%add3A_111, %dma_wait3A_150] : memref<40x64xi32, #tpu.memory_space<vmem>> -> memref<1x64xi32, #tpu.memory_space<vmem>>
        %dma_wait3A_152 = tpu.memref_squeeze %dma_wait3A_151 : memref<1x64xi32, #tpu.memory_space<vmem>> -> memref<64xi32, #tpu.memory_space<vmem>>
        %dma_wait3A_153 = arith.constant 0 : i32
        %dma_wait3A_154 = arith.constant 0 : i32
        %dma_wait3A_155 = tpu.memref_slice %arg24[%dma_wait3A_153, %dma_wait3A_154] : memref<10016x128xf32, #tpu.memory_space<vmem_shared>> -> memref<10016x128xf32, #tpu.memory_space<vmem_shared>>
        tpu.wait_indirect_dma semaphore(%arg22 : memref<!tpu.dma_semaphore, #tpu.memory_space<semaphore_mem>>) src(%arg12 : memref<64x128xf32, #tpu.memory_space<vmem>>) dst(%dma_wait3A_155 : memref<10016x128xf32, #tpu.memory_space<vmem_shared>>)
        %dma_wait3A_156 = arith.constant 0 : i32
        %dma_wait3A_157 = tpu.memref_slice %arg8[%add3A_125, %dma_wait3A_156] : memref<40x64xi32, #tpu.memory_space<vmem>> -> memref<1x64xi32, #tpu.memory_space<vmem>>
        %dma_wait3A_158 = tpu.memref_squeeze %dma_wait3A_157 : memref<1x64xi32, #tpu.memory_space<vmem>> -> memref<64xi32, #tpu.memory_space<vmem>>
        %dma_wait3A_159 = arith.constant 0 : i32
        %dma_wait3A_160 = arith.constant 0 : i32
        %dma_wait3A_161 = tpu.memref_slice %arg24[%dma_wait3A_159, %dma_wait3A_160] : memref<10016x128xf32, #tpu.memory_space<vmem_shared>> -> memref<10016x128xf32, #tpu.memory_space<vmem_shared>>
        tpu.wait_indirect_dma semaphore(%arg23 : memref<!tpu.dma_semaphore, #tpu.memory_space<semaphore_mem>>) src(%arg13 : memref<64x128xf32, #tpu.memory_space<vmem>>) dst(%dma_wait3A_161 : memref<10016x128xf32, #tpu.memory_space<vmem_shared>>)
      }
      %scan3A_20 = arith.constant 8 : i32
    }
    %scan3A_9 = arith.constant 8 : i32
    %barrier3A_10 = arith.constant 0 : index
    tpu.barrier barrier_id(%barrier3A_10)
    %mul3A_11 = arith.constant 626 : i32
    %mul3A_12 = arith.muli %arg1, %mul3A_11 : i32
    %mul3A_13 = arith.constant 626 : i32
    %mul3A_14 = arith.muli %arg1, %mul3A_13 : i32
    "tpu.region"() ({
      %run_scoped3A = tpu.sem_alloc : memref<!tpu.dma_semaphore, #tpu.memory_space<semaphore_mem>>
      %dma_start3A = arith.constant 0 : i32
      %dma_start3A_15 = tpu.memref_slice %arg6[%arg0, %mul3A_14, %dma_start3A] : memref<2x10016x128xf32, #tpu.memory_space<hbm>> -> memref<1x626x128xf32, #tpu.memory_space<hbm>>
      %dma_start3A_16 = tpu.memref_squeeze %dma_start3A_15 : memref<1x626x128xf32, #tpu.memory_space<hbm>> -> memref<626x128xf32, #tpu.memory_space<hbm>>
      %dma_start3A_17 = arith.constant 0 : i32
      %dma_start3A_18 = tpu.memref_slice %arg24[%mul3A_12, %dma_start3A_17] : memref<10016x128xf32, #tpu.memory_space<vmem_shared>> -> memref<626x128xf32, #tpu.memory_space<vmem_shared>>
      tpu.enqueue_dma source(%dma_start3A_18 : memref<626x128xf32, #tpu.memory_space<vmem_shared>>) target(%dma_start3A_16 : memref<626x128xf32, #tpu.memory_space<hbm>>) target_semaphore(%run_scoped3A : memref<!tpu.dma_semaphore, #tpu.memory_space<semaphore_mem>>)
      %dma_wait3A = arith.constant 0 : i32
      %dma_wait3A_19 = tpu.memref_slice %arg6[%arg0, %mul3A_14, %dma_wait3A] : memref<2x10016x128xf32, #tpu.memory_space<hbm>> -> memref<1x626x128xf32, #tpu.memory_space<hbm>>
      %dma_wait3A_20 = tpu.memref_squeeze %dma_wait3A_19 : memref<1x626x128xf32, #tpu.memory_space<hbm>> -> memref<626x128xf32, #tpu.memory_space<hbm>>
      %dma_wait3A_21 = arith.constant 0 : i32
      %dma_wait3A_22 = tpu.memref_slice %arg24[%mul3A_12, %dma_wait3A_21] : memref<10016x128xf32, #tpu.memory_space<vmem_shared>> -> memref<626x128xf32, #tpu.memory_space<vmem_shared>>
      tpu.wait_dma2 semaphore(%run_scoped3A : memref<!tpu.dma_semaphore, #tpu.memory_space<semaphore_mem>>) src(%dma_wait3A_22 : memref<626x128xf32, #tpu.memory_space<vmem_shared>>) dst(%dma_wait3A_20 : memref<626x128xf32, #tpu.memory_space<hbm>>)
      tpu.yield
    }) : () -> ()
    return
  }
}

#map = affine_map<(d0, d1) -> (0, 0)>
#map1 = affine_map<(d0, d1) -> (0, 0, 0, 0)>
#map2 = affine_map<(d0, d1) -> (0, 0, 0)>
module attributes {stable_mosaic.version = 14 : i64} {
  func.func @scatter_k(%arg0: i32, %arg1: i32, %arg2: memref<10016x144xf32, #tpu.memory_space<hbm>>, %arg3: memref<32x1x5x64xi32, #tpu.memory_space<hbm>>, %arg4: memref<32x1x5x64xi32, #tpu.memory_space<hbm>>, %arg5: memref<144x144xf32, #tpu.memory_space<hbm>>, %arg6: memref<2x144x144xf32, #tpu.memory_space<hbm>>, %arg7: memref<5x64xi32, #tpu.memory_space<vmem>>, %arg8: memref<5x64xi32, #tpu.memory_space<vmem>>, %arg9: memref<64x144xf32, #tpu.memory_space<vmem>>, %arg10: memref<64x144xf32, #tpu.memory_space<vmem>>, %arg11: memref<64x144xf32, #tpu.memory_space<vmem>>, %arg12: memref<64x144xf32, #tpu.memory_space<vmem>>, %arg13: memref<64x144xf32, #tpu.memory_space<vmem>>, %arg14: memref<!tpu.dma_semaphore, #tpu.memory_space<semaphore_mem>>, %arg15: memref<!tpu.dma_semaphore, #tpu.memory_space<semaphore_mem>>, %arg16: memref<!tpu.dma_semaphore, #tpu.memory_space<semaphore_mem>>, %arg17: memref<!tpu.dma_semaphore, #tpu.memory_space<semaphore_mem>>, %arg18: memref<!tpu.dma_semaphore, #tpu.memory_space<semaphore_mem>>, %arg19: memref<!tpu.dma_semaphore, #tpu.memory_space<semaphore_mem>>, %arg20: memref<!tpu.dma_semaphore, #tpu.memory_space<semaphore_mem>>, %arg21: memref<!tpu.dma_semaphore, #tpu.memory_space<semaphore_mem>>, %arg22: memref<!tpu.dma_semaphore, #tpu.memory_space<semaphore_mem>>, %arg23: memref<!tpu.dma_semaphore, #tpu.memory_space<semaphore_mem>>, %arg24: memref<144x144xf32, #tpu.memory_space<vmem_shared>>) attributes {dimension_semantics = [#tpu.dimension_semantics<core_parallel>, #tpu.dimension_semantics<subcore_parallel>], iteration_bounds = array<i64: 2, 16>, scalar_prefetch = 0 : i64, scratch_operands = 18 : i64, tpu.core_type = #tpu.core_type<sc_vector_subcore>, window_params = [{transform_indices = #map}, {transform_indices = #map1}, {transform_indices = #map1}, {transform_indices = #map}, {transform_indices = #map2}]} {
    %mul3A = arith.constant 16 : i32
    %mul3A_0 = arith.muli %arg0, %mul3A : i32
    %add3A = arith.addi %mul3A_0, %arg1 : i32
    %mul3A_1 = arith.constant 9 : i32
    %mul3A_2 = arith.muli %arg1, %mul3A_1 : i32
    %mul3A_3 = arith.constant 9 : i32
    %mul3A_4 = arith.muli %arg1, %mul3A_3 : i32
    "tpu.region"() ({
      %run_scoped3A = tpu.sem_alloc : memref<!tpu.dma_semaphore, #tpu.memory_space<semaphore_mem>>
      %dma_start3A_154 = arith.constant 0 : i32
      %dma_start3A_155 = tpu.memref_slice %arg24[%mul3A_4, %dma_start3A_154] : memref<144x144xf32, #tpu.memory_space<vmem_shared>> -> memref<9x144xf32, #tpu.memory_space<vmem_shared>>
      %dma_start3A_156 = arith.constant 0 : i32
      %dma_start3A_157 = tpu.memref_slice %arg5[%mul3A_2, %dma_start3A_156] : memref<144x144xf32, #tpu.memory_space<hbm>> -> memref<9x144xf32, #tpu.memory_space<hbm>>
      tpu.enqueue_dma source(%dma_start3A_157 : memref<9x144xf32, #tpu.memory_space<hbm>>) target(%dma_start3A_155 : memref<9x144xf32, #tpu.memory_space<vmem_shared>>) target_semaphore(%run_scoped3A : memref<!tpu.dma_semaphore, #tpu.memory_space<semaphore_mem>>)
      %dma_wait3A_158 = arith.constant 0 : i32
      %dma_wait3A_159 = tpu.memref_slice %arg24[%mul3A_4, %dma_wait3A_158] : memref<144x144xf32, #tpu.memory_space<vmem_shared>> -> memref<9x144xf32, #tpu.memory_space<vmem_shared>>
      %dma_wait3A_160 = arith.constant 0 : i32
      %dma_wait3A_161 = tpu.memref_slice %arg5[%mul3A_2, %dma_wait3A_160] : memref<144x144xf32, #tpu.memory_space<hbm>> -> memref<9x144xf32, #tpu.memory_space<hbm>>
      tpu.wait_dma2 semaphore(%run_scoped3A : memref<!tpu.dma_semaphore, #tpu.memory_space<semaphore_mem>>) src(%dma_wait3A_161 : memref<9x144xf32, #tpu.memory_space<hbm>>) dst(%dma_wait3A_159 : memref<9x144xf32, #tpu.memory_space<vmem_shared>>)
      tpu.yield
    }) : () -> ()
    %barrier3A = arith.constant 0 : index
    tpu.barrier barrier_id(%barrier3A)
    %scan3A = arith.constant 0 : i32
    %scan3A_5 = arith.constant 0 : i32
    "tpu.region"() ({
      %run_scoped3A = tpu.sem_alloc : memref<!tpu.dma_semaphore, #tpu.memory_space<semaphore_mem>>
      %dma_start3A_154 = arith.constant 0 : i32
      %dma_start3A_155 = arith.constant 0 : i32
      %dma_start3A_156 = tpu.memref_slice %arg3[%add3A, %scan3A_5, %dma_start3A_154, %dma_start3A_155] : memref<32x1x5x64xi32, #tpu.memory_space<hbm>> -> memref<1x1x5x64xi32, #tpu.memory_space<hbm>>
      %dma_start3A_157 = tpu.memref_squeeze %dma_start3A_156 : memref<1x1x5x64xi32, #tpu.memory_space<hbm>> -> memref<5x64xi32, #tpu.memory_space<hbm>>
      %dma_start3A_158 = arith.constant 0 : i32
      %dma_start3A_159 = arith.constant 0 : i32
      %dma_start3A_160 = tpu.memref_slice %arg3[%add3A, %scan3A_5, %dma_start3A_158, %dma_start3A_159] : memref<32x1x5x64xi32, #tpu.memory_space<hbm>> -> memref<1x1x5x64xi32, #tpu.memory_space<hbm>>
      %dma_start3A_161 = tpu.memref_squeeze %dma_start3A_160 : memref<1x1x5x64xi32, #tpu.memory_space<hbm>> -> memref<5x64xi32, #tpu.memory_space<hbm>>
      tpu.enqueue_dma source(%dma_start3A_161 : memref<5x64xi32, #tpu.memory_space<hbm>>) target(%arg7 : memref<5x64xi32, #tpu.memory_space<vmem>>) target_semaphore(%run_scoped3A : memref<!tpu.dma_semaphore, #tpu.memory_space<semaphore_mem>>)
      %dma_wait3A_162 = arith.constant 0 : i32
      %dma_wait3A_163 = arith.constant 0 : i32
      %dma_wait3A_164 = tpu.memref_slice %arg3[%add3A, %scan3A_5, %dma_wait3A_162, %dma_wait3A_163] : memref<32x1x5x64xi32, #tpu.memory_space<hbm>> -> memref<1x1x5x64xi32, #tpu.memory_space<hbm>>
      %dma_wait3A_165 = tpu.memref_squeeze %dma_wait3A_164 : memref<1x1x5x64xi32, #tpu.memory_space<hbm>> -> memref<5x64xi32, #tpu.memory_space<hbm>>
      %dma_wait3A_166 = arith.constant 0 : i32
      %dma_wait3A_167 = arith.constant 0 : i32
      %dma_wait3A_168 = tpu.memref_slice %arg3[%add3A, %scan3A_5, %dma_wait3A_166, %dma_wait3A_167] : memref<32x1x5x64xi32, #tpu.memory_space<hbm>> -> memref<1x1x5x64xi32, #tpu.memory_space<hbm>>
      %dma_wait3A_169 = tpu.memref_squeeze %dma_wait3A_168 : memref<1x1x5x64xi32, #tpu.memory_space<hbm>> -> memref<5x64xi32, #tpu.memory_space<hbm>>
      tpu.wait_dma2 semaphore(%run_scoped3A : memref<!tpu.dma_semaphore, #tpu.memory_space<semaphore_mem>>) src(%dma_wait3A_169 : memref<5x64xi32, #tpu.memory_space<hbm>>) dst(%arg7 : memref<5x64xi32, #tpu.memory_space<vmem>>)
      tpu.yield
    }) : () -> ()
    "tpu.region"() ({
      %run_scoped3A = tpu.sem_alloc : memref<!tpu.dma_semaphore, #tpu.memory_space<semaphore_mem>>
      %dma_start3A_154 = arith.constant 0 : i32
      %dma_start3A_155 = arith.constant 0 : i32
      %dma_start3A_156 = tpu.memref_slice %arg4[%add3A, %scan3A_5, %dma_start3A_154, %dma_start3A_155] : memref<32x1x5x64xi32, #tpu.memory_space<hbm>> -> memref<1x1x5x64xi32, #tpu.memory_space<hbm>>
      %dma_start3A_157 = tpu.memref_squeeze %dma_start3A_156 : memref<1x1x5x64xi32, #tpu.memory_space<hbm>> -> memref<5x64xi32, #tpu.memory_space<hbm>>
      %dma_start3A_158 = arith.constant 0 : i32
      %dma_start3A_159 = arith.constant 0 : i32
      %dma_start3A_160 = tpu.memref_slice %arg4[%add3A, %scan3A_5, %dma_start3A_158, %dma_start3A_159] : memref<32x1x5x64xi32, #tpu.memory_space<hbm>> -> memref<1x1x5x64xi32, #tpu.memory_space<hbm>>
      %dma_start3A_161 = tpu.memref_squeeze %dma_start3A_160 : memref<1x1x5x64xi32, #tpu.memory_space<hbm>> -> memref<5x64xi32, #tpu.memory_space<hbm>>
      tpu.enqueue_dma source(%dma_start3A_161 : memref<5x64xi32, #tpu.memory_space<hbm>>) target(%arg8 : memref<5x64xi32, #tpu.memory_space<vmem>>) target_semaphore(%run_scoped3A : memref<!tpu.dma_semaphore, #tpu.memory_space<semaphore_mem>>)
      %dma_wait3A_162 = arith.constant 0 : i32
      %dma_wait3A_163 = arith.constant 0 : i32
      %dma_wait3A_164 = tpu.memref_slice %arg4[%add3A, %scan3A_5, %dma_wait3A_162, %dma_wait3A_163] : memref<32x1x5x64xi32, #tpu.memory_space<hbm>> -> memref<1x1x5x64xi32, #tpu.memory_space<hbm>>
      %dma_wait3A_165 = tpu.memref_squeeze %dma_wait3A_164 : memref<1x1x5x64xi32, #tpu.memory_space<hbm>> -> memref<5x64xi32, #tpu.memory_space<hbm>>
      %dma_wait3A_166 = arith.constant 0 : i32
      %dma_wait3A_167 = arith.constant 0 : i32
      %dma_wait3A_168 = tpu.memref_slice %arg4[%add3A, %scan3A_5, %dma_wait3A_166, %dma_wait3A_167] : memref<32x1x5x64xi32, #tpu.memory_space<hbm>> -> memref<1x1x5x64xi32, #tpu.memory_space<hbm>>
      %dma_wait3A_169 = tpu.memref_squeeze %dma_wait3A_168 : memref<1x1x5x64xi32, #tpu.memory_space<hbm>> -> memref<5x64xi32, #tpu.memory_space<hbm>>
      tpu.wait_dma2 semaphore(%run_scoped3A : memref<!tpu.dma_semaphore, #tpu.memory_space<semaphore_mem>>) src(%dma_wait3A_169 : memref<5x64xi32, #tpu.memory_space<hbm>>) dst(%arg8 : memref<5x64xi32, #tpu.memory_space<vmem>>)
      tpu.yield
    }) : () -> ()
    %scan3A_6 = arith.constant 0 : i32
    %mul3A_7 = arith.constant 5 : i32
    %mul3A_8 = arith.muli %scan3A_6, %mul3A_7 : i32
    %add3A_9 = arith.constant 0 : i32
    %add3A_10 = arith.addi %mul3A_8, %add3A_9 : i32
    %dma_start3A = arith.constant 0 : i32
    %dma_start3A_11 = tpu.memref_slice %arg7[%add3A_10, %dma_start3A] : memref<5x64xi32, #tpu.memory_space<vmem>> -> memref<1x64xi32, #tpu.memory_space<vmem>>
    %dma_start3A_12 = tpu.memref_squeeze %dma_start3A_11 : memref<1x64xi32, #tpu.memory_space<vmem>> -> memref<64xi32, #tpu.memory_space<vmem>>
    %dma_start3A_13 = arith.constant 0 : i32
    %dma_start3A_14 = arith.constant 0 : i32
    %dma_start3A_15 = tpu.memref_slice %arg2[%dma_start3A_13, %dma_start3A_14] : memref<10016x144xf32, #tpu.memory_space<hbm>> -> memref<10016x144xf32, #tpu.memory_space<hbm>>
    tpu.enqueue_indirect_dma source(%dma_start3A_15 : memref<10016x144xf32, #tpu.memory_space<hbm>>) target(%arg9 : memref<64x144xf32, #tpu.memory_space<vmem>>) offsets(%dma_start3A_12 : memref<64xi32, #tpu.memory_space<vmem>>) semaphore(%arg14 : memref<!tpu.dma_semaphore, #tpu.memory_space<semaphore_mem>>)
    %add3A_16 = arith.constant 1 : i32
    %add3A_17 = arith.addi %mul3A_8, %add3A_16 : i32
    %dma_start3A_18 = arith.constant 0 : i32
    %dma_start3A_19 = tpu.memref_slice %arg7[%add3A_17, %dma_start3A_18] : memref<5x64xi32, #tpu.memory_space<vmem>> -> memref<1x64xi32, #tpu.memory_space<vmem>>
    %dma_start3A_20 = tpu.memref_squeeze %dma_start3A_19 : memref<1x64xi32, #tpu.memory_space<vmem>> -> memref<64xi32, #tpu.memory_space<vmem>>
    %dma_start3A_21 = arith.constant 0 : i32
    %dma_start3A_22 = arith.constant 0 : i32
    %dma_start3A_23 = tpu.memref_slice %arg2[%dma_start3A_21, %dma_start3A_22] : memref<10016x144xf32, #tpu.memory_space<hbm>> -> memref<10016x144xf32, #tpu.memory_space<hbm>>
    tpu.enqueue_indirect_dma source(%dma_start3A_23 : memref<10016x144xf32, #tpu.memory_space<hbm>>) target(%arg10 : memref<64x144xf32, #tpu.memory_space<vmem>>) offsets(%dma_start3A_20 : memref<64xi32, #tpu.memory_space<vmem>>) semaphore(%arg15 : memref<!tpu.dma_semaphore, #tpu.memory_space<semaphore_mem>>)
    %add3A_24 = arith.constant 2 : i32
    %add3A_25 = arith.addi %mul3A_8, %add3A_24 : i32
    %dma_start3A_26 = arith.constant 0 : i32
    %dma_start3A_27 = tpu.memref_slice %arg7[%add3A_25, %dma_start3A_26] : memref<5x64xi32, #tpu.memory_space<vmem>> -> memref<1x64xi32, #tpu.memory_space<vmem>>
    %dma_start3A_28 = tpu.memref_squeeze %dma_start3A_27 : memref<1x64xi32, #tpu.memory_space<vmem>> -> memref<64xi32, #tpu.memory_space<vmem>>
    %dma_start3A_29 = arith.constant 0 : i32
    %dma_start3A_30 = arith.constant 0 : i32
    %dma_start3A_31 = tpu.memref_slice %arg2[%dma_start3A_29, %dma_start3A_30] : memref<10016x144xf32, #tpu.memory_space<hbm>> -> memref<10016x144xf32, #tpu.memory_space<hbm>>
    tpu.enqueue_indirect_dma source(%dma_start3A_31 : memref<10016x144xf32, #tpu.memory_space<hbm>>) target(%arg11 : memref<64x144xf32, #tpu.memory_space<vmem>>) offsets(%dma_start3A_28 : memref<64xi32, #tpu.memory_space<vmem>>) semaphore(%arg16 : memref<!tpu.dma_semaphore, #tpu.memory_space<semaphore_mem>>)
    %add3A_32 = arith.constant 3 : i32
    %add3A_33 = arith.addi %mul3A_8, %add3A_32 : i32
    %dma_start3A_34 = arith.constant 0 : i32
    %dma_start3A_35 = tpu.memref_slice %arg7[%add3A_33, %dma_start3A_34] : memref<5x64xi32, #tpu.memory_space<vmem>> -> memref<1x64xi32, #tpu.memory_space<vmem>>
    %dma_start3A_36 = tpu.memref_squeeze %dma_start3A_35 : memref<1x64xi32, #tpu.memory_space<vmem>> -> memref<64xi32, #tpu.memory_space<vmem>>
    %dma_start3A_37 = arith.constant 0 : i32
    %dma_start3A_38 = arith.constant 0 : i32
    %dma_start3A_39 = tpu.memref_slice %arg2[%dma_start3A_37, %dma_start3A_38] : memref<10016x144xf32, #tpu.memory_space<hbm>> -> memref<10016x144xf32, #tpu.memory_space<hbm>>
    tpu.enqueue_indirect_dma source(%dma_start3A_39 : memref<10016x144xf32, #tpu.memory_space<hbm>>) target(%arg12 : memref<64x144xf32, #tpu.memory_space<vmem>>) offsets(%dma_start3A_36 : memref<64xi32, #tpu.memory_space<vmem>>) semaphore(%arg17 : memref<!tpu.dma_semaphore, #tpu.memory_space<semaphore_mem>>)
    %add3A_40 = arith.constant 4 : i32
    %add3A_41 = arith.addi %mul3A_8, %add3A_40 : i32
    %dma_start3A_42 = arith.constant 0 : i32
    %dma_start3A_43 = tpu.memref_slice %arg7[%add3A_41, %dma_start3A_42] : memref<5x64xi32, #tpu.memory_space<vmem>> -> memref<1x64xi32, #tpu.memory_space<vmem>>
    %dma_start3A_44 = tpu.memref_squeeze %dma_start3A_43 : memref<1x64xi32, #tpu.memory_space<vmem>> -> memref<64xi32, #tpu.memory_space<vmem>>
    %dma_start3A_45 = arith.constant 0 : i32
    %dma_start3A_46 = arith.constant 0 : i32
    %dma_start3A_47 = tpu.memref_slice %arg2[%dma_start3A_45, %dma_start3A_46] : memref<10016x144xf32, #tpu.memory_space<hbm>> -> memref<10016x144xf32, #tpu.memory_space<hbm>>
    tpu.enqueue_indirect_dma source(%dma_start3A_47 : memref<10016x144xf32, #tpu.memory_space<hbm>>) target(%arg13 : memref<64x144xf32, #tpu.memory_space<vmem>>) offsets(%dma_start3A_44 : memref<64xi32, #tpu.memory_space<vmem>>) semaphore(%arg18 : memref<!tpu.dma_semaphore, #tpu.memory_space<semaphore_mem>>)
    %dma_wait3A = arith.constant 0 : i32
    %dma_wait3A_48 = tpu.memref_slice %arg7[%add3A_10, %dma_wait3A] : memref<5x64xi32, #tpu.memory_space<vmem>> -> memref<1x64xi32, #tpu.memory_space<vmem>>
    %dma_wait3A_49 = tpu.memref_squeeze %dma_wait3A_48 : memref<1x64xi32, #tpu.memory_space<vmem>> -> memref<64xi32, #tpu.memory_space<vmem>>
    %dma_wait3A_50 = arith.constant 0 : i32
    %dma_wait3A_51 = arith.constant 0 : i32
    %dma_wait3A_52 = tpu.memref_slice %arg2[%dma_wait3A_50, %dma_wait3A_51] : memref<10016x144xf32, #tpu.memory_space<hbm>> -> memref<10016x144xf32, #tpu.memory_space<hbm>>
    tpu.wait_indirect_dma semaphore(%arg14 : memref<!tpu.dma_semaphore, #tpu.memory_space<semaphore_mem>>) src(%dma_wait3A_52 : memref<10016x144xf32, #tpu.memory_space<hbm>>) dst(%arg9 : memref<64x144xf32, #tpu.memory_space<vmem>>)
    %add3A_53 = arith.constant 0 : i32
    %add3A_54 = arith.addi %mul3A_8, %add3A_53 : i32
    %dma_start3A_55 = arith.constant 0 : i32
    %dma_start3A_56 = tpu.memref_slice %arg8[%add3A_54, %dma_start3A_55] : memref<5x64xi32, #tpu.memory_space<vmem>> -> memref<1x64xi32, #tpu.memory_space<vmem>>
    %dma_start3A_57 = tpu.memref_squeeze %dma_start3A_56 : memref<1x64xi32, #tpu.memory_space<vmem>> -> memref<64xi32, #tpu.memory_space<vmem>>
    %dma_start3A_58 = arith.constant 0 : i32
    %dma_start3A_59 = arith.constant 0 : i32
    %dma_start3A_60 = tpu.memref_slice %arg24[%dma_start3A_58, %dma_start3A_59] : memref<144x144xf32, #tpu.memory_space<vmem_shared>> -> memref<144x144xf32, #tpu.memory_space<vmem_shared>>
    tpu.enqueue_indirect_dma source(%arg9 : memref<64x144xf32, #tpu.memory_space<vmem>>) target(%dma_start3A_60 : memref<144x144xf32, #tpu.memory_space<vmem_shared>>) offsets(%dma_start3A_57 : memref<64xi32, #tpu.memory_space<vmem>>) semaphore(%arg19 : memref<!tpu.dma_semaphore, #tpu.memory_space<semaphore_mem>>) {add = true}
    %dma_wait3A_61 = arith.constant 0 : i32
    %dma_wait3A_62 = tpu.memref_slice %arg7[%add3A_17, %dma_wait3A_61] : memref<5x64xi32, #tpu.memory_space<vmem>> -> memref<1x64xi32, #tpu.memory_space<vmem>>
    %dma_wait3A_63 = tpu.memref_squeeze %dma_wait3A_62 : memref<1x64xi32, #tpu.memory_space<vmem>> -> memref<64xi32, #tpu.memory_space<vmem>>
    %dma_wait3A_64 = arith.constant 0 : i32
    %dma_wait3A_65 = arith.constant 0 : i32
    %dma_wait3A_66 = tpu.memref_slice %arg2[%dma_wait3A_64, %dma_wait3A_65] : memref<10016x144xf32, #tpu.memory_space<hbm>> -> memref<10016x144xf32, #tpu.memory_space<hbm>>
    tpu.wait_indirect_dma semaphore(%arg15 : memref<!tpu.dma_semaphore, #tpu.memory_space<semaphore_mem>>) src(%dma_wait3A_66 : memref<10016x144xf32, #tpu.memory_space<hbm>>) dst(%arg10 : memref<64x144xf32, #tpu.memory_space<vmem>>)
    %add3A_67 = arith.constant 1 : i32
    %add3A_68 = arith.addi %mul3A_8, %add3A_67 : i32
    %dma_start3A_69 = arith.constant 0 : i32
    %dma_start3A_70 = tpu.memref_slice %arg8[%add3A_68, %dma_start3A_69] : memref<5x64xi32, #tpu.memory_space<vmem>> -> memref<1x64xi32, #tpu.memory_space<vmem>>
    %dma_start3A_71 = tpu.memref_squeeze %dma_start3A_70 : memref<1x64xi32, #tpu.memory_space<vmem>> -> memref<64xi32, #tpu.memory_space<vmem>>
    %dma_start3A_72 = arith.constant 0 : i32
    %dma_start3A_73 = arith.constant 0 : i32
    %dma_start3A_74 = tpu.memref_slice %arg24[%dma_start3A_72, %dma_start3A_73] : memref<144x144xf32, #tpu.memory_space<vmem_shared>> -> memref<144x144xf32, #tpu.memory_space<vmem_shared>>
    tpu.enqueue_indirect_dma source(%arg10 : memref<64x144xf32, #tpu.memory_space<vmem>>) target(%dma_start3A_74 : memref<144x144xf32, #tpu.memory_space<vmem_shared>>) offsets(%dma_start3A_71 : memref<64xi32, #tpu.memory_space<vmem>>) semaphore(%arg20 : memref<!tpu.dma_semaphore, #tpu.memory_space<semaphore_mem>>) {add = true}
    %dma_wait3A_75 = arith.constant 0 : i32
    %dma_wait3A_76 = tpu.memref_slice %arg7[%add3A_25, %dma_wait3A_75] : memref<5x64xi32, #tpu.memory_space<vmem>> -> memref<1x64xi32, #tpu.memory_space<vmem>>
    %dma_wait3A_77 = tpu.memref_squeeze %dma_wait3A_76 : memref<1x64xi32, #tpu.memory_space<vmem>> -> memref<64xi32, #tpu.memory_space<vmem>>
    %dma_wait3A_78 = arith.constant 0 : i32
    %dma_wait3A_79 = arith.constant 0 : i32
    %dma_wait3A_80 = tpu.memref_slice %arg2[%dma_wait3A_78, %dma_wait3A_79] : memref<10016x144xf32, #tpu.memory_space<hbm>> -> memref<10016x144xf32, #tpu.memory_space<hbm>>
    tpu.wait_indirect_dma semaphore(%arg16 : memref<!tpu.dma_semaphore, #tpu.memory_space<semaphore_mem>>) src(%dma_wait3A_80 : memref<10016x144xf32, #tpu.memory_space<hbm>>) dst(%arg11 : memref<64x144xf32, #tpu.memory_space<vmem>>)
    %add3A_81 = arith.constant 2 : i32
    %add3A_82 = arith.addi %mul3A_8, %add3A_81 : i32
    %dma_start3A_83 = arith.constant 0 : i32
    %dma_start3A_84 = tpu.memref_slice %arg8[%add3A_82, %dma_start3A_83] : memref<5x64xi32, #tpu.memory_space<vmem>> -> memref<1x64xi32, #tpu.memory_space<vmem>>
    %dma_start3A_85 = tpu.memref_squeeze %dma_start3A_84 : memref<1x64xi32, #tpu.memory_space<vmem>> -> memref<64xi32, #tpu.memory_space<vmem>>
    %dma_start3A_86 = arith.constant 0 : i32
    %dma_start3A_87 = arith.constant 0 : i32
    %dma_start3A_88 = tpu.memref_slice %arg24[%dma_start3A_86, %dma_start3A_87] : memref<144x144xf32, #tpu.memory_space<vmem_shared>> -> memref<144x144xf32, #tpu.memory_space<vmem_shared>>
    tpu.enqueue_indirect_dma source(%arg11 : memref<64x144xf32, #tpu.memory_space<vmem>>) target(%dma_start3A_88 : memref<144x144xf32, #tpu.memory_space<vmem_shared>>) offsets(%dma_start3A_85 : memref<64xi32, #tpu.memory_space<vmem>>) semaphore(%arg21 : memref<!tpu.dma_semaphore, #tpu.memory_space<semaphore_mem>>) {add = true}
    %dma_wait3A_89 = arith.constant 0 : i32
    %dma_wait3A_90 = tpu.memref_slice %arg7[%add3A_33, %dma_wait3A_89] : memref<5x64xi32, #tpu.memory_space<vmem>> -> memref<1x64xi32, #tpu.memory_space<vmem>>
    %dma_wait3A_91 = tpu.memref_squeeze %dma_wait3A_90 : memref<1x64xi32, #tpu.memory_space<vmem>> -> memref<64xi32, #tpu.memory_space<vmem>>
    %dma_wait3A_92 = arith.constant 0 : i32
    %dma_wait3A_93 = arith.constant 0 : i32
    %dma_wait3A_94 = tpu.memref_slice %arg2[%dma_wait3A_92, %dma_wait3A_93] : memref<10016x144xf32, #tpu.memory_space<hbm>> -> memref<10016x144xf32, #tpu.memory_space<hbm>>
    tpu.wait_indirect_dma semaphore(%arg17 : memref<!tpu.dma_semaphore, #tpu.memory_space<semaphore_mem>>) src(%dma_wait3A_94 : memref<10016x144xf32, #tpu.memory_space<hbm>>) dst(%arg12 : memref<64x144xf32, #tpu.memory_space<vmem>>)
    %add3A_95 = arith.constant 3 : i32
    %add3A_96 = arith.addi %mul3A_8, %add3A_95 : i32
    %dma_start3A_97 = arith.constant 0 : i32
    %dma_start3A_98 = tpu.memref_slice %arg8[%add3A_96, %dma_start3A_97] : memref<5x64xi32, #tpu.memory_space<vmem>> -> memref<1x64xi32, #tpu.memory_space<vmem>>
    %dma_start3A_99 = tpu.memref_squeeze %dma_start3A_98 : memref<1x64xi32, #tpu.memory_space<vmem>> -> memref<64xi32, #tpu.memory_space<vmem>>
    %dma_start3A_100 = arith.constant 0 : i32
    %dma_start3A_101 = arith.constant 0 : i32
    %dma_start3A_102 = tpu.memref_slice %arg24[%dma_start3A_100, %dma_start3A_101] : memref<144x144xf32, #tpu.memory_space<vmem_shared>> -> memref<144x144xf32, #tpu.memory_space<vmem_shared>>
    tpu.enqueue_indirect_dma source(%arg12 : memref<64x144xf32, #tpu.memory_space<vmem>>) target(%dma_start3A_102 : memref<144x144xf32, #tpu.memory_space<vmem_shared>>) offsets(%dma_start3A_99 : memref<64xi32, #tpu.memory_space<vmem>>) semaphore(%arg22 : memref<!tpu.dma_semaphore, #tpu.memory_space<semaphore_mem>>) {add = true}
    %dma_wait3A_103 = arith.constant 0 : i32
    %dma_wait3A_104 = tpu.memref_slice %arg7[%add3A_41, %dma_wait3A_103] : memref<5x64xi32, #tpu.memory_space<vmem>> -> memref<1x64xi32, #tpu.memory_space<vmem>>
    %dma_wait3A_105 = tpu.memref_squeeze %dma_wait3A_104 : memref<1x64xi32, #tpu.memory_space<vmem>> -> memref<64xi32, #tpu.memory_space<vmem>>
    %dma_wait3A_106 = arith.constant 0 : i32
    %dma_wait3A_107 = arith.constant 0 : i32
    %dma_wait3A_108 = tpu.memref_slice %arg2[%dma_wait3A_106, %dma_wait3A_107] : memref<10016x144xf32, #tpu.memory_space<hbm>> -> memref<10016x144xf32, #tpu.memory_space<hbm>>
    tpu.wait_indirect_dma semaphore(%arg18 : memref<!tpu.dma_semaphore, #tpu.memory_space<semaphore_mem>>) src(%dma_wait3A_108 : memref<10016x144xf32, #tpu.memory_space<hbm>>) dst(%arg13 : memref<64x144xf32, #tpu.memory_space<vmem>>)
    %add3A_109 = arith.constant 4 : i32
    %add3A_110 = arith.addi %mul3A_8, %add3A_109 : i32
    %dma_start3A_111 = arith.constant 0 : i32
    %dma_start3A_112 = tpu.memref_slice %arg8[%add3A_110, %dma_start3A_111] : memref<5x64xi32, #tpu.memory_space<vmem>> -> memref<1x64xi32, #tpu.memory_space<vmem>>
    %dma_start3A_113 = tpu.memref_squeeze %dma_start3A_112 : memref<1x64xi32, #tpu.memory_space<vmem>> -> memref<64xi32, #tpu.memory_space<vmem>>
    %dma_start3A_114 = arith.constant 0 : i32
    %dma_start3A_115 = arith.constant 0 : i32
    %dma_start3A_116 = tpu.memref_slice %arg24[%dma_start3A_114, %dma_start3A_115] : memref<144x144xf32, #tpu.memory_space<vmem_shared>> -> memref<144x144xf32, #tpu.memory_space<vmem_shared>>
    tpu.enqueue_indirect_dma source(%arg13 : memref<64x144xf32, #tpu.memory_space<vmem>>) target(%dma_start3A_116 : memref<144x144xf32, #tpu.memory_space<vmem_shared>>) offsets(%dma_start3A_113 : memref<64xi32, #tpu.memory_space<vmem>>) semaphore(%arg23 : memref<!tpu.dma_semaphore, #tpu.memory_space<semaphore_mem>>) {add = true}
    %dma_wait3A_117 = arith.constant 0 : i32
    %dma_wait3A_118 = tpu.memref_slice %arg8[%add3A_54, %dma_wait3A_117] : memref<5x64xi32, #tpu.memory_space<vmem>> -> memref<1x64xi32, #tpu.memory_space<vmem>>
    %dma_wait3A_119 = tpu.memref_squeeze %dma_wait3A_118 : memref<1x64xi32, #tpu.memory_space<vmem>> -> memref<64xi32, #tpu.memory_space<vmem>>
    %dma_wait3A_120 = arith.constant 0 : i32
    %dma_wait3A_121 = arith.constant 0 : i32
    %dma_wait3A_122 = tpu.memref_slice %arg24[%dma_wait3A_120, %dma_wait3A_121] : memref<144x144xf32, #tpu.memory_space<vmem_shared>> -> memref<144x144xf32, #tpu.memory_space<vmem_shared>>
    tpu.wait_indirect_dma semaphore(%arg19 : memref<!tpu.dma_semaphore, #tpu.memory_space<semaphore_mem>>) src(%arg9 : memref<64x144xf32, #tpu.memory_space<vmem>>) dst(%dma_wait3A_122 : memref<144x144xf32, #tpu.memory_space<vmem_shared>>)
    %dma_wait3A_123 = arith.constant 0 : i32
    %dma_wait3A_124 = tpu.memref_slice %arg8[%add3A_68, %dma_wait3A_123] : memref<5x64xi32, #tpu.memory_space<vmem>> -> memref<1x64xi32, #tpu.memory_space<vmem>>
    %dma_wait3A_125 = tpu.memref_squeeze %dma_wait3A_124 : memref<1x64xi32, #tpu.memory_space<vmem>> -> memref<64xi32, #tpu.memory_space<vmem>>
    %dma_wait3A_126 = arith.constant 0 : i32
    %dma_wait3A_127 = arith.constant 0 : i32
    %dma_wait3A_128 = tpu.memref_slice %arg24[%dma_wait3A_126, %dma_wait3A_127] : memref<144x144xf32, #tpu.memory_space<vmem_shared>> -> memref<144x144xf32, #tpu.memory_space<vmem_shared>>
    tpu.wait_indirect_dma semaphore(%arg20 : memref<!tpu.dma_semaphore, #tpu.memory_space<semaphore_mem>>) src(%arg10 : memref<64x144xf32, #tpu.memory_space<vmem>>) dst(%dma_wait3A_128 : memref<144x144xf32, #tpu.memory_space<vmem_shared>>)
    %dma_wait3A_129 = arith.constant 0 : i32
    %dma_wait3A_130 = tpu.memref_slice %arg8[%add3A_82, %dma_wait3A_129] : memref<5x64xi32, #tpu.memory_space<vmem>> -> memref<1x64xi32, #tpu.memory_space<vmem>>
    %dma_wait3A_131 = tpu.memref_squeeze %dma_wait3A_130 : memref<1x64xi32, #tpu.memory_space<vmem>> -> memref<64xi32, #tpu.memory_space<vmem>>
    %dma_wait3A_132 = arith.constant 0 : i32
    %dma_wait3A_133 = arith.constant 0 : i32
    %dma_wait3A_134 = tpu.memref_slice %arg24[%dma_wait3A_132, %dma_wait3A_133] : memref<144x144xf32, #tpu.memory_space<vmem_shared>> -> memref<144x144xf32, #tpu.memory_space<vmem_shared>>
    tpu.wait_indirect_dma semaphore(%arg21 : memref<!tpu.dma_semaphore, #tpu.memory_space<semaphore_mem>>) src(%arg11 : memref<64x144xf32, #tpu.memory_space<vmem>>) dst(%dma_wait3A_134 : memref<144x144xf32, #tpu.memory_space<vmem_shared>>)
    %dma_wait3A_135 = arith.constant 0 : i32
    %dma_wait3A_136 = tpu.memref_slice %arg8[%add3A_96, %dma_wait3A_135] : memref<5x64xi32, #tpu.memory_space<vmem>> -> memref<1x64xi32, #tpu.memory_space<vmem>>
    %dma_wait3A_137 = tpu.memref_squeeze %dma_wait3A_136 : memref<1x64xi32, #tpu.memory_space<vmem>> -> memref<64xi32, #tpu.memory_space<vmem>>
    %dma_wait3A_138 = arith.constant 0 : i32
    %dma_wait3A_139 = arith.constant 0 : i32
    %dma_wait3A_140 = tpu.memref_slice %arg24[%dma_wait3A_138, %dma_wait3A_139] : memref<144x144xf32, #tpu.memory_space<vmem_shared>> -> memref<144x144xf32, #tpu.memory_space<vmem_shared>>
    tpu.wait_indirect_dma semaphore(%arg22 : memref<!tpu.dma_semaphore, #tpu.memory_space<semaphore_mem>>) src(%arg12 : memref<64x144xf32, #tpu.memory_space<vmem>>) dst(%dma_wait3A_140 : memref<144x144xf32, #tpu.memory_space<vmem_shared>>)
    %dma_wait3A_141 = arith.constant 0 : i32
    %dma_wait3A_142 = tpu.memref_slice %arg8[%add3A_110, %dma_wait3A_141] : memref<5x64xi32, #tpu.memory_space<vmem>> -> memref<1x64xi32, #tpu.memory_space<vmem>>
    %dma_wait3A_143 = tpu.memref_squeeze %dma_wait3A_142 : memref<1x64xi32, #tpu.memory_space<vmem>> -> memref<64xi32, #tpu.memory_space<vmem>>
    %dma_wait3A_144 = arith.constant 0 : i32
    %dma_wait3A_145 = arith.constant 0 : i32
    %dma_wait3A_146 = tpu.memref_slice %arg24[%dma_wait3A_144, %dma_wait3A_145] : memref<144x144xf32, #tpu.memory_space<vmem_shared>> -> memref<144x144xf32, #tpu.memory_space<vmem_shared>>
    tpu.wait_indirect_dma semaphore(%arg23 : memref<!tpu.dma_semaphore, #tpu.memory_space<semaphore_mem>>) src(%arg13 : memref<64x144xf32, #tpu.memory_space<vmem>>) dst(%dma_wait3A_146 : memref<144x144xf32, #tpu.memory_space<vmem_shared>>)
    %scan3A_147 = arith.constant 1 : i32
    %scan3A_148 = arith.constant 1 : i32
    %barrier3A_149 = arith.constant 0 : index
    tpu.barrier barrier_id(%barrier3A_149)
    %mul3A_150 = arith.constant 9 : i32
    %mul3A_151 = arith.muli %arg1, %mul3A_150 : i32
    %mul3A_152 = arith.constant 9 : i32
    %mul3A_153 = arith.muli %arg1, %mul3A_152 : i32
    "tpu.region"() ({
      %run_scoped3A = tpu.sem_alloc : memref<!tpu.dma_semaphore, #tpu.memory_space<semaphore_mem>>
      %dma_start3A_154 = arith.constant 0 : i32
      %dma_start3A_155 = tpu.memref_slice %arg6[%arg0, %mul3A_153, %dma_start3A_154] : memref<2x144x144xf32, #tpu.memory_space<hbm>> -> memref<1x9x144xf32, #tpu.memory_space<hbm>>
      %dma_start3A_156 = tpu.memref_squeeze %dma_start3A_155 : memref<1x9x144xf32, #tpu.memory_space<hbm>> -> memref<9x144xf32, #tpu.memory_space<hbm>>
      %dma_start3A_157 = arith.constant 0 : i32
      %dma_start3A_158 = tpu.memref_slice %arg24[%mul3A_151, %dma_start3A_157] : memref<144x144xf32, #tpu.memory_space<vmem_shared>> -> memref<9x144xf32, #tpu.memory_space<vmem_shared>>
      tpu.enqueue_dma source(%dma_start3A_158 : memref<9x144xf32, #tpu.memory_space<vmem_shared>>) target(%dma_start3A_156 : memref<9x144xf32, #tpu.memory_space<hbm>>) target_semaphore(%run_scoped3A : memref<!tpu.dma_semaphore, #tpu.memory_space<semaphore_mem>>)
      %dma_wait3A_159 = arith.constant 0 : i32
      %dma_wait3A_160 = tpu.memref_slice %arg6[%arg0, %mul3A_153, %dma_wait3A_159] : memref<2x144x144xf32, #tpu.memory_space<hbm>> -> memref<1x9x144xf32, #tpu.memory_space<hbm>>
      %dma_wait3A_161 = tpu.memref_squeeze %dma_wait3A_160 : memref<1x9x144xf32, #tpu.memory_space<hbm>> -> memref<9x144xf32, #tpu.memory_space<hbm>>
      %dma_wait3A_162 = arith.constant 0 : i32
      %dma_wait3A_163 = tpu.memref_slice %arg24[%mul3A_151, %dma_wait3A_162] : memref<144x144xf32, #tpu.memory_space<vmem_shared>> -> memref<9x144xf32, #tpu.memory_space<vmem_shared>>
      tpu.wait_dma2 semaphore(%run_scoped3A : memref<!tpu.dma_semaphore, #tpu.memory_space<semaphore_mem>>) src(%dma_wait3A_163 : memref<9x144xf32, #tpu.memory_space<vmem_shared>>) dst(%dma_wait3A_161 : memref<9x144xf32, #tpu.memory_space<hbm>>)
      tpu.yield
    }) : () -> ()
    return
  }
}

#map = affine_map<(d0, d1) -> (0, 0)>
#map1 = affine_map<(d0, d1) -> (0, 0, 0, 0)>
#map2 = affine_map<(d0, d1) -> (0, 0, 0)>
module attributes {stable_mosaic.version = 14 : i64} {
  func.func @scatter_k(%arg0: i32, %arg1: i32, %arg2: memref<10016x128xf32, #tpu.memory_space<hbm>>, %arg3: memref<32x8x40x64xi32, #tpu.memory_space<hbm>>, %arg4: memref<32x8x40x64xi32, #tpu.memory_space<hbm>>, %arg5: memref<10016x128xf32, #tpu.memory_space<hbm>>, %arg6: memref<2x10016x128xf32, #tpu.memory_space<hbm>>, %arg7: memref<40x64xi32, #tpu.memory_space<vmem>>, %arg8: memref<40x64xi32, #tpu.memory_space<vmem>>, %arg9: memref<64x128xf32, #tpu.memory_space<vmem>>, %arg10: memref<64x128xf32, #tpu.memory_space<vmem>>, %arg11: memref<64x128xf32, #tpu.memory_space<vmem>>, %arg12: memref<64x128xf32, #tpu.memory_space<vmem>>, %arg13: memref<64x128xf32, #tpu.memory_space<vmem>>, %arg14: memref<!tpu.dma_semaphore, #tpu.memory_space<semaphore_mem>>, %arg15: memref<!tpu.dma_semaphore, #tpu.memory_space<semaphore_mem>>, %arg16: memref<!tpu.dma_semaphore, #tpu.memory_space<semaphore_mem>>, %arg17: memref<!tpu.dma_semaphore, #tpu.memory_space<semaphore_mem>>, %arg18: memref<!tpu.dma_semaphore, #tpu.memory_space<semaphore_mem>>, %arg19: memref<!tpu.dma_semaphore, #tpu.memory_space<semaphore_mem>>, %arg20: memref<!tpu.dma_semaphore, #tpu.memory_space<semaphore_mem>>, %arg21: memref<!tpu.dma_semaphore, #tpu.memory_space<semaphore_mem>>, %arg22: memref<!tpu.dma_semaphore, #tpu.memory_space<semaphore_mem>>, %arg23: memref<!tpu.dma_semaphore, #tpu.memory_space<semaphore_mem>>, %arg24: memref<10016x128xf32, #tpu.memory_space<vmem_shared>>) attributes {dimension_semantics = [#tpu.dimension_semantics<core_parallel>, #tpu.dimension_semantics<subcore_parallel>], iteration_bounds = array<i64: 2, 16>, scalar_prefetch = 0 : i64, scratch_operands = 18 : i64, tpu.core_type = #tpu.core_type<sc_vector_subcore>, window_params = [{transform_indices = #map}, {transform_indices = #map1}, {transform_indices = #map1}, {transform_indices = #map}, {transform_indices = #map2}]} {
    %mul3A = arith.constant 16 : i32
    %mul3A_0 = arith.muli %arg0, %mul3A : i32
    %add3A = arith.addi %mul3A_0, %arg1 : i32
    %mul3A_1 = arith.constant 626 : i32
    %mul3A_2 = arith.muli %arg1, %mul3A_1 : i32
    %mul3A_3 = arith.constant 626 : i32
    %mul3A_4 = arith.muli %arg1, %mul3A_3 : i32
    "tpu.region"() ({
      %run_scoped3A = tpu.sem_alloc : memref<!tpu.dma_semaphore, #tpu.memory_space<semaphore_mem>>
      %dma_start3A = arith.constant 0 : i32
      %dma_start3A_15 = tpu.memref_slice %arg24[%mul3A_4, %dma_start3A] : memref<10016x128xf32, #tpu.memory_space<vmem_shared>> -> memref<626x128xf32, #tpu.memory_space<vmem_shared>>
      %dma_start3A_16 = arith.constant 0 : i32
      %dma_start3A_17 = tpu.memref_slice %arg5[%mul3A_2, %dma_start3A_16] : memref<10016x128xf32, #tpu.memory_space<hbm>> -> memref<626x128xf32, #tpu.memory_space<hbm>>
      tpu.enqueue_dma source(%dma_start3A_17 : memref<626x128xf32, #tpu.memory_space<hbm>>) target(%dma_start3A_15 : memref<626x128xf32, #tpu.memory_space<vmem_shared>>) target_semaphore(%run_scoped3A : memref<!tpu.dma_semaphore, #tpu.memory_space<semaphore_mem>>)
      %dma_wait3A = arith.constant 0 : i32
      %dma_wait3A_18 = tpu.memref_slice %arg24[%mul3A_4, %dma_wait3A] : memref<10016x128xf32, #tpu.memory_space<vmem_shared>> -> memref<626x128xf32, #tpu.memory_space<vmem_shared>>
      %dma_wait3A_19 = arith.constant 0 : i32
      %dma_wait3A_20 = tpu.memref_slice %arg5[%mul3A_2, %dma_wait3A_19] : memref<10016x128xf32, #tpu.memory_space<hbm>> -> memref<626x128xf32, #tpu.memory_space<hbm>>
      tpu.wait_dma2 semaphore(%run_scoped3A : memref<!tpu.dma_semaphore, #tpu.memory_space<semaphore_mem>>) src(%dma_wait3A_20 : memref<626x128xf32, #tpu.memory_space<hbm>>) dst(%dma_wait3A_18 : memref<626x128xf32, #tpu.memory_space<vmem_shared>>)
      tpu.yield
    }) : () -> ()
    %barrier3A = arith.constant 0 : index
    tpu.barrier barrier_id(%barrier3A)
    %scan3A = arith.constant 0 : i32
    %scan3A_5 = arith.constant 0 : i32
    %scan3A_6 = arith.constant 8 : i32
    %scan3A_7 = arith.addi %scan3A_5, %scan3A_6 : i32
    %scan3A_8 = arith.constant 1 : i32
    scf.for %scan3A_15 = %scan3A_5 to %scan3A_7 step %scan3A_8  : i32 {
      "tpu.region"() ({
        %run_scoped3A = tpu.sem_alloc : memref<!tpu.dma_semaphore, #tpu.memory_space<semaphore_mem>>
        %dma_start3A = arith.constant 0 : i32
        %dma_start3A_21 = arith.constant 0 : i32
        %dma_start3A_22 = tpu.memref_slice %arg3[%add3A, %scan3A_15, %dma_start3A, %dma_start3A_21] : memref<32x8x40x64xi32, #tpu.memory_space<hbm>> -> memref<1x1x40x64xi32, #tpu.memory_space<hbm>>
        %dma_start3A_23 = tpu.memref_squeeze %dma_start3A_22 : memref<1x1x40x64xi32, #tpu.memory_space<hbm>> -> memref<40x64xi32, #tpu.memory_space<hbm>>
        %dma_start3A_24 = arith.constant 0 : i32
        %dma_start3A_25 = arith.constant 0 : i32
        %dma_start3A_26 = tpu.memref_slice %arg3[%add3A, %scan3A_15, %dma_start3A_24, %dma_start3A_25] : memref<32x8x40x64xi32, #tpu.memory_space<hbm>> -> memref<1x1x40x64xi32, #tpu.memory_space<hbm>>
        %dma_start3A_27 = tpu.memref_squeeze %dma_start3A_26 : memref<1x1x40x64xi32, #tpu.memory_space<hbm>> -> memref<40x64xi32, #tpu.memory_space<hbm>>
        tpu.enqueue_dma source(%dma_start3A_27 : memref<40x64xi32, #tpu.memory_space<hbm>>) target(%arg7 : memref<40x64xi32, #tpu.memory_space<vmem>>) target_semaphore(%run_scoped3A : memref<!tpu.dma_semaphore, #tpu.memory_space<semaphore_mem>>)
        %dma_wait3A = arith.constant 0 : i32
        %dma_wait3A_28 = arith.constant 0 : i32
        %dma_wait3A_29 = tpu.memref_slice %arg3[%add3A, %scan3A_15, %dma_wait3A, %dma_wait3A_28] : memref<32x8x40x64xi32, #tpu.memory_space<hbm>> -> memref<1x1x40x64xi32, #tpu.memory_space<hbm>>
        %dma_wait3A_30 = tpu.memref_squeeze %dma_wait3A_29 : memref<1x1x40x64xi32, #tpu.memory_space<hbm>> -> memref<40x64xi32, #tpu.memory_space<hbm>>
        %dma_wait3A_31 = arith.constant 0 : i32
        %dma_wait3A_32 = arith.constant 0 : i32
        %dma_wait3A_33 = tpu.memref_slice %arg3[%add3A, %scan3A_15, %dma_wait3A_31, %dma_wait3A_32] : memref<32x8x40x64xi32, #tpu.memory_space<hbm>> -> memref<1x1x40x64xi32, #tpu.memory_space<hbm>>
        %dma_wait3A_34 = tpu.memref_squeeze %dma_wait3A_33 : memref<1x1x40x64xi32, #tpu.memory_space<hbm>> -> memref<40x64xi32, #tpu.memory_space<hbm>>
        tpu.wait_dma2 semaphore(%run_scoped3A : memref<!tpu.dma_semaphore, #tpu.memory_space<semaphore_mem>>) src(%dma_wait3A_34 : memref<40x64xi32, #tpu.memory_space<hbm>>) dst(%arg7 : memref<40x64xi32, #tpu.memory_space<vmem>>)
        tpu.yield
      }) : () -> ()
      "tpu.region"() ({
        %run_scoped3A = tpu.sem_alloc : memref<!tpu.dma_semaphore, #tpu.memory_space<semaphore_mem>>
        %dma_start3A = arith.constant 0 : i32
        %dma_start3A_21 = arith.constant 0 : i32
        %dma_start3A_22 = tpu.memref_slice %arg4[%add3A, %scan3A_15, %dma_start3A, %dma_start3A_21] : memref<32x8x40x64xi32, #tpu.memory_space<hbm>> -> memref<1x1x40x64xi32, #tpu.memory_space<hbm>>
        %dma_start3A_23 = tpu.memref_squeeze %dma_start3A_22 : memref<1x1x40x64xi32, #tpu.memory_space<hbm>> -> memref<40x64xi32, #tpu.memory_space<hbm>>
        %dma_start3A_24 = arith.constant 0 : i32
        %dma_start3A_25 = arith.constant 0 : i32
        %dma_start3A_26 = tpu.memref_slice %arg4[%add3A, %scan3A_15, %dma_start3A_24, %dma_start3A_25] : memref<32x8x40x64xi32, #tpu.memory_space<hbm>> -> memref<1x1x40x64xi32, #tpu.memory_space<hbm>>
        %dma_start3A_27 = tpu.memref_squeeze %dma_start3A_26 : memref<1x1x40x64xi32, #tpu.memory_space<hbm>> -> memref<40x64xi32, #tpu.memory_space<hbm>>
        tpu.enqueue_dma source(%dma_start3A_27 : memref<40x64xi32, #tpu.memory_space<hbm>>) target(%arg8 : memref<40x64xi32, #tpu.memory_space<vmem>>) target_semaphore(%run_scoped3A : memref<!tpu.dma_semaphore, #tpu.memory_space<semaphore_mem>>)
        %dma_wait3A = arith.constant 0 : i32
        %dma_wait3A_28 = arith.constant 0 : i32
        %dma_wait3A_29 = tpu.memref_slice %arg4[%add3A, %scan3A_15, %dma_wait3A, %dma_wait3A_28] : memref<32x8x40x64xi32, #tpu.memory_space<hbm>> -> memref<1x1x40x64xi32, #tpu.memory_space<hbm>>
        %dma_wait3A_30 = tpu.memref_squeeze %dma_wait3A_29 : memref<1x1x40x64xi32, #tpu.memory_space<hbm>> -> memref<40x64xi32, #tpu.memory_space<hbm>>
        %dma_wait3A_31 = arith.constant 0 : i32
        %dma_wait3A_32 = arith.constant 0 : i32
        %dma_wait3A_33 = tpu.memref_slice %arg4[%add3A, %scan3A_15, %dma_wait3A_31, %dma_wait3A_32] : memref<32x8x40x64xi32, #tpu.memory_space<hbm>> -> memref<1x1x40x64xi32, #tpu.memory_space<hbm>>
        %dma_wait3A_34 = tpu.memref_squeeze %dma_wait3A_33 : memref<1x1x40x64xi32, #tpu.memory_space<hbm>> -> memref<40x64xi32, #tpu.memory_space<hbm>>
        tpu.wait_dma2 semaphore(%run_scoped3A : memref<!tpu.dma_semaphore, #tpu.memory_space<semaphore_mem>>) src(%dma_wait3A_34 : memref<40x64xi32, #tpu.memory_space<hbm>>) dst(%arg8 : memref<40x64xi32, #tpu.memory_space<vmem>>)
        tpu.yield
      }) : () -> ()
      %scan3A_16 = arith.constant 0 : i32
      %scan3A_17 = arith.constant 8 : i32
      %scan3A_18 = arith.addi %scan3A_16, %scan3A_17 : i32
      %scan3A_19 = arith.constant 1 : i32
      scf.for %scan3A_21 = %scan3A_16 to %scan3A_18 step %scan3A_19  : i32 {
        %mul3A_22 = arith.constant 5 : i32
        %mul3A_23 = arith.muli %scan3A_21, %mul3A_22 : i32
        %add3A_24 = arith.constant 0 : i32
        %add3A_25 = arith.addi %mul3A_23, %add3A_24 : i32
        %dma_start3A = arith.constant 0 : i32
        %dma_start3A_26 = tpu.memref_slice %arg7[%add3A_25, %dma_start3A] : memref<40x64xi32, #tpu.memory_space<vmem>> -> memref<1x64xi32, #tpu.memory_space<vmem>>
        %dma_start3A_27 = tpu.memref_squeeze %dma_start3A_26 : memref<1x64xi32, #tpu.memory_space<vmem>> -> memref<64xi32, #tpu.memory_space<vmem>>
        %dma_start3A_28 = arith.constant 0 : i32
        %dma_start3A_29 = arith.constant 0 : i32
        %dma_start3A_30 = tpu.memref_slice %arg2[%dma_start3A_28, %dma_start3A_29] : memref<10016x128xf32, #tpu.memory_space<hbm>> -> memref<10016x128xf32, #tpu.memory_space<hbm>>
        tpu.enqueue_indirect_dma source(%dma_start3A_30 : memref<10016x128xf32, #tpu.memory_space<hbm>>) target(%arg9 : memref<64x128xf32, #tpu.memory_space<vmem>>) offsets(%dma_start3A_27 : memref<64xi32, #tpu.memory_space<vmem>>) semaphore(%arg14 : memref<!tpu.dma_semaphore, #tpu.memory_space<semaphore_mem>>)
        %add3A_31 = arith.constant 1 : i32
        %add3A_32 = arith.addi %mul3A_23, %add3A_31 : i32
        %dma_start3A_33 = arith.constant 0 : i32
        %dma_start3A_34 = tpu.memref_slice %arg7[%add3A_32, %dma_start3A_33] : memref<40x64xi32, #tpu.memory_space<vmem>> -> memref<1x64xi32, #tpu.memory_space<vmem>>
        %dma_start3A_35 = tpu.memref_squeeze %dma_start3A_34 : memref<1x64xi32, #tpu.memory_space<vmem>> -> memref<64xi32, #tpu.memory_space<vmem>>
        %dma_start3A_36 = arith.constant 0 : i32
        %dma_start3A_37 = arith.constant 0 : i32
        %dma_start3A_38 = tpu.memref_slice %arg2[%dma_start3A_36, %dma_start3A_37] : memref<10016x128xf32, #tpu.memory_space<hbm>> -> memref<10016x128xf32, #tpu.memory_space<hbm>>
        tpu.enqueue_indirect_dma source(%dma_start3A_38 : memref<10016x128xf32, #tpu.memory_space<hbm>>) target(%arg10 : memref<64x128xf32, #tpu.memory_space<vmem>>) offsets(%dma_start3A_35 : memref<64xi32, #tpu.memory_space<vmem>>) semaphore(%arg15 : memref<!tpu.dma_semaphore, #tpu.memory_space<semaphore_mem>>)
        %add3A_39 = arith.constant 2 : i32
        %add3A_40 = arith.addi %mul3A_23, %add3A_39 : i32
        %dma_start3A_41 = arith.constant 0 : i32
        %dma_start3A_42 = tpu.memref_slice %arg7[%add3A_40, %dma_start3A_41] : memref<40x64xi32, #tpu.memory_space<vmem>> -> memref<1x64xi32, #tpu.memory_space<vmem>>
        %dma_start3A_43 = tpu.memref_squeeze %dma_start3A_42 : memref<1x64xi32, #tpu.memory_space<vmem>> -> memref<64xi32, #tpu.memory_space<vmem>>
        %dma_start3A_44 = arith.constant 0 : i32
        %dma_start3A_45 = arith.constant 0 : i32
        %dma_start3A_46 = tpu.memref_slice %arg2[%dma_start3A_44, %dma_start3A_45] : memref<10016x128xf32, #tpu.memory_space<hbm>> -> memref<10016x128xf32, #tpu.memory_space<hbm>>
        tpu.enqueue_indirect_dma source(%dma_start3A_46 : memref<10016x128xf32, #tpu.memory_space<hbm>>) target(%arg11 : memref<64x128xf32, #tpu.memory_space<vmem>>) offsets(%dma_start3A_43 : memref<64xi32, #tpu.memory_space<vmem>>) semaphore(%arg16 : memref<!tpu.dma_semaphore, #tpu.memory_space<semaphore_mem>>)
        %add3A_47 = arith.constant 3 : i32
        %add3A_48 = arith.addi %mul3A_23, %add3A_47 : i32
        %dma_start3A_49 = arith.constant 0 : i32
        %dma_start3A_50 = tpu.memref_slice %arg7[%add3A_48, %dma_start3A_49] : memref<40x64xi32, #tpu.memory_space<vmem>> -> memref<1x64xi32, #tpu.memory_space<vmem>>
        %dma_start3A_51 = tpu.memref_squeeze %dma_start3A_50 : memref<1x64xi32, #tpu.memory_space<vmem>> -> memref<64xi32, #tpu.memory_space<vmem>>
        %dma_start3A_52 = arith.constant 0 : i32
        %dma_start3A_53 = arith.constant 0 : i32
        %dma_start3A_54 = tpu.memref_slice %arg2[%dma_start3A_52, %dma_start3A_53] : memref<10016x128xf32, #tpu.memory_space<hbm>> -> memref<10016x128xf32, #tpu.memory_space<hbm>>
        tpu.enqueue_indirect_dma source(%dma_start3A_54 : memref<10016x128xf32, #tpu.memory_space<hbm>>) target(%arg12 : memref<64x128xf32, #tpu.memory_space<vmem>>) offsets(%dma_start3A_51 : memref<64xi32, #tpu.memory_space<vmem>>) semaphore(%arg17 : memref<!tpu.dma_semaphore, #tpu.memory_space<semaphore_mem>>)
        %add3A_55 = arith.constant 4 : i32
        %add3A_56 = arith.addi %mul3A_23, %add3A_55 : i32
        %dma_start3A_57 = arith.constant 0 : i32
        %dma_start3A_58 = tpu.memref_slice %arg7[%add3A_56, %dma_start3A_57] : memref<40x64xi32, #tpu.memory_space<vmem>> -> memref<1x64xi32, #tpu.memory_space<vmem>>
        %dma_start3A_59 = tpu.memref_squeeze %dma_start3A_58 : memref<1x64xi32, #tpu.memory_space<vmem>> -> memref<64xi32, #tpu.memory_space<vmem>>
        %dma_start3A_60 = arith.constant 0 : i32
        %dma_start3A_61 = arith.constant 0 : i32
        %dma_start3A_62 = tpu.memref_slice %arg2[%dma_start3A_60, %dma_start3A_61] : memref<10016x128xf32, #tpu.memory_space<hbm>> -> memref<10016x128xf32, #tpu.memory_space<hbm>>
        tpu.enqueue_indirect_dma source(%dma_start3A_62 : memref<10016x128xf32, #tpu.memory_space<hbm>>) target(%arg13 : memref<64x128xf32, #tpu.memory_space<vmem>>) offsets(%dma_start3A_59 : memref<64xi32, #tpu.memory_space<vmem>>) semaphore(%arg18 : memref<!tpu.dma_semaphore, #tpu.memory_space<semaphore_mem>>)
        %dma_wait3A = arith.constant 0 : i32
        %dma_wait3A_63 = tpu.memref_slice %arg7[%add3A_25, %dma_wait3A] : memref<40x64xi32, #tpu.memory_space<vmem>> -> memref<1x64xi32, #tpu.memory_space<vmem>>
        %dma_wait3A_64 = tpu.memref_squeeze %dma_wait3A_63 : memref<1x64xi32, #tpu.memory_space<vmem>> -> memref<64xi32, #tpu.memory_space<vmem>>
        %dma_wait3A_65 = arith.constant 0 : i32
        %dma_wait3A_66 = arith.constant 0 : i32
        %dma_wait3A_67 = tpu.memref_slice %arg2[%dma_wait3A_65, %dma_wait3A_66] : memref<10016x128xf32, #tpu.memory_space<hbm>> -> memref<10016x128xf32, #tpu.memory_space<hbm>>
        tpu.wait_indirect_dma semaphore(%arg14 : memref<!tpu.dma_semaphore, #tpu.memory_space<semaphore_mem>>) src(%dma_wait3A_67 : memref<10016x128xf32, #tpu.memory_space<hbm>>) dst(%arg9 : memref<64x128xf32, #tpu.memory_space<vmem>>)
        %add3A_68 = arith.constant 0 : i32
        %add3A_69 = arith.addi %mul3A_23, %add3A_68 : i32
        %dma_start3A_70 = arith.constant 0 : i32
        %dma_start3A_71 = tpu.memref_slice %arg8[%add3A_69, %dma_start3A_70] : memref<40x64xi32, #tpu.memory_space<vmem>> -> memref<1x64xi32, #tpu.memory_space<vmem>>
        %dma_start3A_72 = tpu.memref_squeeze %dma_start3A_71 : memref<1x64xi32, #tpu.memory_space<vmem>> -> memref<64xi32, #tpu.memory_space<vmem>>
        %dma_start3A_73 = arith.constant 0 : i32
        %dma_start3A_74 = arith.constant 0 : i32
        %dma_start3A_75 = tpu.memref_slice %arg24[%dma_start3A_73, %dma_start3A_74] : memref<10016x128xf32, #tpu.memory_space<vmem_shared>> -> memref<10016x128xf32, #tpu.memory_space<vmem_shared>>
        tpu.enqueue_indirect_dma source(%arg9 : memref<64x128xf32, #tpu.memory_space<vmem>>) target(%dma_start3A_75 : memref<10016x128xf32, #tpu.memory_space<vmem_shared>>) offsets(%dma_start3A_72 : memref<64xi32, #tpu.memory_space<vmem>>) semaphore(%arg19 : memref<!tpu.dma_semaphore, #tpu.memory_space<semaphore_mem>>) {add = true}
        %dma_wait3A_76 = arith.constant 0 : i32
        %dma_wait3A_77 = tpu.memref_slice %arg7[%add3A_32, %dma_wait3A_76] : memref<40x64xi32, #tpu.memory_space<vmem>> -> memref<1x64xi32, #tpu.memory_space<vmem>>
        %dma_wait3A_78 = tpu.memref_squeeze %dma_wait3A_77 : memref<1x64xi32, #tpu.memory_space<vmem>> -> memref<64xi32, #tpu.memory_space<vmem>>
        %dma_wait3A_79 = arith.constant 0 : i32
        %dma_wait3A_80 = arith.constant 0 : i32
        %dma_wait3A_81 = tpu.memref_slice %arg2[%dma_wait3A_79, %dma_wait3A_80] : memref<10016x128xf32, #tpu.memory_space<hbm>> -> memref<10016x128xf32, #tpu.memory_space<hbm>>
        tpu.wait_indirect_dma semaphore(%arg15 : memref<!tpu.dma_semaphore, #tpu.memory_space<semaphore_mem>>) src(%dma_wait3A_81 : memref<10016x128xf32, #tpu.memory_space<hbm>>) dst(%arg10 : memref<64x128xf32, #tpu.memory_space<vmem>>)
        %add3A_82 = arith.constant 1 : i32
        %add3A_83 = arith.addi %mul3A_23, %add3A_82 : i32
        %dma_start3A_84 = arith.constant 0 : i32
        %dma_start3A_85 = tpu.memref_slice %arg8[%add3A_83, %dma_start3A_84] : memref<40x64xi32, #tpu.memory_space<vmem>> -> memref<1x64xi32, #tpu.memory_space<vmem>>
        %dma_start3A_86 = tpu.memref_squeeze %dma_start3A_85 : memref<1x64xi32, #tpu.memory_space<vmem>> -> memref<64xi32, #tpu.memory_space<vmem>>
        %dma_start3A_87 = arith.constant 0 : i32
        %dma_start3A_88 = arith.constant 0 : i32
        %dma_start3A_89 = tpu.memref_slice %arg24[%dma_start3A_87, %dma_start3A_88] : memref<10016x128xf32, #tpu.memory_space<vmem_shared>> -> memref<10016x128xf32, #tpu.memory_space<vmem_shared>>
        tpu.enqueue_indirect_dma source(%arg10 : memref<64x128xf32, #tpu.memory_space<vmem>>) target(%dma_start3A_89 : memref<10016x128xf32, #tpu.memory_space<vmem_shared>>) offsets(%dma_start3A_86 : memref<64xi32, #tpu.memory_space<vmem>>) semaphore(%arg20 : memref<!tpu.dma_semaphore, #tpu.memory_space<semaphore_mem>>) {add = true}
        %dma_wait3A_90 = arith.constant 0 : i32
        %dma_wait3A_91 = tpu.memref_slice %arg7[%add3A_40, %dma_wait3A_90] : memref<40x64xi32, #tpu.memory_space<vmem>> -> memref<1x64xi32, #tpu.memory_space<vmem>>
        %dma_wait3A_92 = tpu.memref_squeeze %dma_wait3A_91 : memref<1x64xi32, #tpu.memory_space<vmem>> -> memref<64xi32, #tpu.memory_space<vmem>>
        %dma_wait3A_93 = arith.constant 0 : i32
        %dma_wait3A_94 = arith.constant 0 : i32
        %dma_wait3A_95 = tpu.memref_slice %arg2[%dma_wait3A_93, %dma_wait3A_94] : memref<10016x128xf32, #tpu.memory_space<hbm>> -> memref<10016x128xf32, #tpu.memory_space<hbm>>
        tpu.wait_indirect_dma semaphore(%arg16 : memref<!tpu.dma_semaphore, #tpu.memory_space<semaphore_mem>>) src(%dma_wait3A_95 : memref<10016x128xf32, #tpu.memory_space<hbm>>) dst(%arg11 : memref<64x128xf32, #tpu.memory_space<vmem>>)
        %add3A_96 = arith.constant 2 : i32
        %add3A_97 = arith.addi %mul3A_23, %add3A_96 : i32
        %dma_start3A_98 = arith.constant 0 : i32
        %dma_start3A_99 = tpu.memref_slice %arg8[%add3A_97, %dma_start3A_98] : memref<40x64xi32, #tpu.memory_space<vmem>> -> memref<1x64xi32, #tpu.memory_space<vmem>>
        %dma_start3A_100 = tpu.memref_squeeze %dma_start3A_99 : memref<1x64xi32, #tpu.memory_space<vmem>> -> memref<64xi32, #tpu.memory_space<vmem>>
        %dma_start3A_101 = arith.constant 0 : i32
        %dma_start3A_102 = arith.constant 0 : i32
        %dma_start3A_103 = tpu.memref_slice %arg24[%dma_start3A_101, %dma_start3A_102] : memref<10016x128xf32, #tpu.memory_space<vmem_shared>> -> memref<10016x128xf32, #tpu.memory_space<vmem_shared>>
        tpu.enqueue_indirect_dma source(%arg11 : memref<64x128xf32, #tpu.memory_space<vmem>>) target(%dma_start3A_103 : memref<10016x128xf32, #tpu.memory_space<vmem_shared>>) offsets(%dma_start3A_100 : memref<64xi32, #tpu.memory_space<vmem>>) semaphore(%arg21 : memref<!tpu.dma_semaphore, #tpu.memory_space<semaphore_mem>>) {add = true}
        %dma_wait3A_104 = arith.constant 0 : i32
        %dma_wait3A_105 = tpu.memref_slice %arg7[%add3A_48, %dma_wait3A_104] : memref<40x64xi32, #tpu.memory_space<vmem>> -> memref<1x64xi32, #tpu.memory_space<vmem>>
        %dma_wait3A_106 = tpu.memref_squeeze %dma_wait3A_105 : memref<1x64xi32, #tpu.memory_space<vmem>> -> memref<64xi32, #tpu.memory_space<vmem>>
        %dma_wait3A_107 = arith.constant 0 : i32
        %dma_wait3A_108 = arith.constant 0 : i32
        %dma_wait3A_109 = tpu.memref_slice %arg2[%dma_wait3A_107, %dma_wait3A_108] : memref<10016x128xf32, #tpu.memory_space<hbm>> -> memref<10016x128xf32, #tpu.memory_space<hbm>>
        tpu.wait_indirect_dma semaphore(%arg17 : memref<!tpu.dma_semaphore, #tpu.memory_space<semaphore_mem>>) src(%dma_wait3A_109 : memref<10016x128xf32, #tpu.memory_space<hbm>>) dst(%arg12 : memref<64x128xf32, #tpu.memory_space<vmem>>)
        %add3A_110 = arith.constant 3 : i32
        %add3A_111 = arith.addi %mul3A_23, %add3A_110 : i32
        %dma_start3A_112 = arith.constant 0 : i32
        %dma_start3A_113 = tpu.memref_slice %arg8[%add3A_111, %dma_start3A_112] : memref<40x64xi32, #tpu.memory_space<vmem>> -> memref<1x64xi32, #tpu.memory_space<vmem>>
        %dma_start3A_114 = tpu.memref_squeeze %dma_start3A_113 : memref<1x64xi32, #tpu.memory_space<vmem>> -> memref<64xi32, #tpu.memory_space<vmem>>
        %dma_start3A_115 = arith.constant 0 : i32
        %dma_start3A_116 = arith.constant 0 : i32
        %dma_start3A_117 = tpu.memref_slice %arg24[%dma_start3A_115, %dma_start3A_116] : memref<10016x128xf32, #tpu.memory_space<vmem_shared>> -> memref<10016x128xf32, #tpu.memory_space<vmem_shared>>
        tpu.enqueue_indirect_dma source(%arg12 : memref<64x128xf32, #tpu.memory_space<vmem>>) target(%dma_start3A_117 : memref<10016x128xf32, #tpu.memory_space<vmem_shared>>) offsets(%dma_start3A_114 : memref<64xi32, #tpu.memory_space<vmem>>) semaphore(%arg22 : memref<!tpu.dma_semaphore, #tpu.memory_space<semaphore_mem>>) {add = true}
        %dma_wait3A_118 = arith.constant 0 : i32
        %dma_wait3A_119 = tpu.memref_slice %arg7[%add3A_56, %dma_wait3A_118] : memref<40x64xi32, #tpu.memory_space<vmem>> -> memref<1x64xi32, #tpu.memory_space<vmem>>
        %dma_wait3A_120 = tpu.memref_squeeze %dma_wait3A_119 : memref<1x64xi32, #tpu.memory_space<vmem>> -> memref<64xi32, #tpu.memory_space<vmem>>
        %dma_wait3A_121 = arith.constant 0 : i32
        %dma_wait3A_122 = arith.constant 0 : i32
        %dma_wait3A_123 = tpu.memref_slice %arg2[%dma_wait3A_121, %dma_wait3A_122] : memref<10016x128xf32, #tpu.memory_space<hbm>> -> memref<10016x128xf32, #tpu.memory_space<hbm>>
        tpu.wait_indirect_dma semaphore(%arg18 : memref<!tpu.dma_semaphore, #tpu.memory_space<semaphore_mem>>) src(%dma_wait3A_123 : memref<10016x128xf32, #tpu.memory_space<hbm>>) dst(%arg13 : memref<64x128xf32, #tpu.memory_space<vmem>>)
        %add3A_124 = arith.constant 4 : i32
        %add3A_125 = arith.addi %mul3A_23, %add3A_124 : i32
        %dma_start3A_126 = arith.constant 0 : i32
        %dma_start3A_127 = tpu.memref_slice %arg8[%add3A_125, %dma_start3A_126] : memref<40x64xi32, #tpu.memory_space<vmem>> -> memref<1x64xi32, #tpu.memory_space<vmem>>
        %dma_start3A_128 = tpu.memref_squeeze %dma_start3A_127 : memref<1x64xi32, #tpu.memory_space<vmem>> -> memref<64xi32, #tpu.memory_space<vmem>>
        %dma_start3A_129 = arith.constant 0 : i32
        %dma_start3A_130 = arith.constant 0 : i32
        %dma_start3A_131 = tpu.memref_slice %arg24[%dma_start3A_129, %dma_start3A_130] : memref<10016x128xf32, #tpu.memory_space<vmem_shared>> -> memref<10016x128xf32, #tpu.memory_space<vmem_shared>>
        tpu.enqueue_indirect_dma source(%arg13 : memref<64x128xf32, #tpu.memory_space<vmem>>) target(%dma_start3A_131 : memref<10016x128xf32, #tpu.memory_space<vmem_shared>>) offsets(%dma_start3A_128 : memref<64xi32, #tpu.memory_space<vmem>>) semaphore(%arg23 : memref<!tpu.dma_semaphore, #tpu.memory_space<semaphore_mem>>) {add = true}
        %dma_wait3A_132 = arith.constant 0 : i32
        %dma_wait3A_133 = tpu.memref_slice %arg8[%add3A_69, %dma_wait3A_132] : memref<40x64xi32, #tpu.memory_space<vmem>> -> memref<1x64xi32, #tpu.memory_space<vmem>>
        %dma_wait3A_134 = tpu.memref_squeeze %dma_wait3A_133 : memref<1x64xi32, #tpu.memory_space<vmem>> -> memref<64xi32, #tpu.memory_space<vmem>>
        %dma_wait3A_135 = arith.constant 0 : i32
        %dma_wait3A_136 = arith.constant 0 : i32
        %dma_wait3A_137 = tpu.memref_slice %arg24[%dma_wait3A_135, %dma_wait3A_136] : memref<10016x128xf32, #tpu.memory_space<vmem_shared>> -> memref<10016x128xf32, #tpu.memory_space<vmem_shared>>
        tpu.wait_indirect_dma semaphore(%arg19 : memref<!tpu.dma_semaphore, #tpu.memory_space<semaphore_mem>>) src(%arg9 : memref<64x128xf32, #tpu.memory_space<vmem>>) dst(%dma_wait3A_137 : memref<10016x128xf32, #tpu.memory_space<vmem_shared>>)
        %dma_wait3A_138 = arith.constant 0 : i32
        %dma_wait3A_139 = tpu.memref_slice %arg8[%add3A_83, %dma_wait3A_138] : memref<40x64xi32, #tpu.memory_space<vmem>> -> memref<1x64xi32, #tpu.memory_space<vmem>>
        %dma_wait3A_140 = tpu.memref_squeeze %dma_wait3A_139 : memref<1x64xi32, #tpu.memory_space<vmem>> -> memref<64xi32, #tpu.memory_space<vmem>>
        %dma_wait3A_141 = arith.constant 0 : i32
        %dma_wait3A_142 = arith.constant 0 : i32
        %dma_wait3A_143 = tpu.memref_slice %arg24[%dma_wait3A_141, %dma_wait3A_142] : memref<10016x128xf32, #tpu.memory_space<vmem_shared>> -> memref<10016x128xf32, #tpu.memory_space<vmem_shared>>
        tpu.wait_indirect_dma semaphore(%arg20 : memref<!tpu.dma_semaphore, #tpu.memory_space<semaphore_mem>>) src(%arg10 : memref<64x128xf32, #tpu.memory_space<vmem>>) dst(%dma_wait3A_143 : memref<10016x128xf32, #tpu.memory_space<vmem_shared>>)
        %dma_wait3A_144 = arith.constant 0 : i32
        %dma_wait3A_145 = tpu.memref_slice %arg8[%add3A_97, %dma_wait3A_144] : memref<40x64xi32, #tpu.memory_space<vmem>> -> memref<1x64xi32, #tpu.memory_space<vmem>>
        %dma_wait3A_146 = tpu.memref_squeeze %dma_wait3A_145 : memref<1x64xi32, #tpu.memory_space<vmem>> -> memref<64xi32, #tpu.memory_space<vmem>>
        %dma_wait3A_147 = arith.constant 0 : i32
        %dma_wait3A_148 = arith.constant 0 : i32
        %dma_wait3A_149 = tpu.memref_slice %arg24[%dma_wait3A_147, %dma_wait3A_148] : memref<10016x128xf32, #tpu.memory_space<vmem_shared>> -> memref<10016x128xf32, #tpu.memory_space<vmem_shared>>
        tpu.wait_indirect_dma semaphore(%arg21 : memref<!tpu.dma_semaphore, #tpu.memory_space<semaphore_mem>>) src(%arg11 : memref<64x128xf32, #tpu.memory_space<vmem>>) dst(%dma_wait3A_149 : memref<10016x128xf32, #tpu.memory_space<vmem_shared>>)
        %dma_wait3A_150 = arith.constant 0 : i32
        %dma_wait3A_151 = tpu.memref_slice %arg8[%add3A_111, %dma_wait3A_150] : memref<40x64xi32, #tpu.memory_space<vmem>> -> memref<1x64xi32, #tpu.memory_space<vmem>>
        %dma_wait3A_152 = tpu.memref_squeeze %dma_wait3A_151 : memref<1x64xi32, #tpu.memory_space<vmem>> -> memref<64xi32, #tpu.memory_space<vmem>>
        %dma_wait3A_153 = arith.constant 0 : i32
        %dma_wait3A_154 = arith.constant 0 : i32
        %dma_wait3A_155 = tpu.memref_slice %arg24[%dma_wait3A_153, %dma_wait3A_154] : memref<10016x128xf32, #tpu.memory_space<vmem_shared>> -> memref<10016x128xf32, #tpu.memory_space<vmem_shared>>
        tpu.wait_indirect_dma semaphore(%arg22 : memref<!tpu.dma_semaphore, #tpu.memory_space<semaphore_mem>>) src(%arg12 : memref<64x128xf32, #tpu.memory_space<vmem>>) dst(%dma_wait3A_155 : memref<10016x128xf32, #tpu.memory_space<vmem_shared>>)
        %dma_wait3A_156 = arith.constant 0 : i32
        %dma_wait3A_157 = tpu.memref_slice %arg8[%add3A_125, %dma_wait3A_156] : memref<40x64xi32, #tpu.memory_space<vmem>> -> memref<1x64xi32, #tpu.memory_space<vmem>>
        %dma_wait3A_158 = tpu.memref_squeeze %dma_wait3A_157 : memref<1x64xi32, #tpu.memory_space<vmem>> -> memref<64xi32, #tpu.memory_space<vmem>>
        %dma_wait3A_159 = arith.constant 0 : i32
        %dma_wait3A_160 = arith.constant 0 : i32
        %dma_wait3A_161 = tpu.memref_slice %arg24[%dma_wait3A_159, %dma_wait3A_160] : memref<10016x128xf32, #tpu.memory_space<vmem_shared>> -> memref<10016x128xf32, #tpu.memory_space<vmem_shared>>
        tpu.wait_indirect_dma semaphore(%arg23 : memref<!tpu.dma_semaphore, #tpu.memory_space<semaphore_mem>>) src(%arg13 : memref<64x128xf32, #tpu.memory_space<vmem>>) dst(%dma_wait3A_161 : memref<10016x128xf32, #tpu.memory_space<vmem_shared>>)
      }
      %scan3A_20 = arith.constant 8 : i32
    }
    %scan3A_9 = arith.constant 8 : i32
    %barrier3A_10 = arith.constant 0 : index
    tpu.barrier barrier_id(%barrier3A_10)
    %mul3A_11 = arith.constant 626 : i32
    %mul3A_12 = arith.muli %arg1, %mul3A_11 : i32
    %mul3A_13 = arith.constant 626 : i32
    %mul3A_14 = arith.muli %arg1, %mul3A_13 : i32
    "tpu.region"() ({
      %run_scoped3A = tpu.sem_alloc : memref<!tpu.dma_semaphore, #tpu.memory_space<semaphore_mem>>
      %dma_start3A = arith.constant 0 : i32
      %dma_start3A_15 = tpu.memref_slice %arg6[%arg0, %mul3A_14, %dma_start3A] : memref<2x10016x128xf32, #tpu.memory_space<hbm>> -> memref<1x626x128xf32, #tpu.memory_space<hbm>>
      %dma_start3A_16 = tpu.memref_squeeze %dma_start3A_15 : memref<1x626x128xf32, #tpu.memory_space<hbm>> -> memref<626x128xf32, #tpu.memory_space<hbm>>
      %dma_start3A_17 = arith.constant 0 : i32
      %dma_start3A_18 = tpu.memref_slice %arg24[%mul3A_12, %dma_start3A_17] : memref<10016x128xf32, #tpu.memory_space<vmem_shared>> -> memref<626x128xf32, #tpu.memory_space<vmem_shared>>
      tpu.enqueue_dma source(%dma_start3A_18 : memref<626x128xf32, #tpu.memory_space<vmem_shared>>) target(%dma_start3A_16 : memref<626x128xf32, #tpu.memory_space<hbm>>) target_semaphore(%run_scoped3A : memref<!tpu.dma_semaphore, #tpu.memory_space<semaphore_mem>>)
      %dma_wait3A = arith.constant 0 : i32
      %dma_wait3A_19 = tpu.memref_slice %arg6[%arg0, %mul3A_14, %dma_wait3A] : memref<2x10016x128xf32, #tpu.memory_space<hbm>> -> memref<1x626x128xf32, #tpu.memory_space<hbm>>
      %dma_wait3A_20 = tpu.memref_squeeze %dma_wait3A_19 : memref<1x626x128xf32, #tpu.memory_space<hbm>> -> memref<626x128xf32, #tpu.memory_space<hbm>>
      %dma_wait3A_21 = arith.constant 0 : i32
      %dma_wait3A_22 = tpu.memref_slice %arg24[%mul3A_12, %dma_wait3A_21] : memref<10016x128xf32, #tpu.memory_space<vmem_shared>> -> memref<626x128xf32, #tpu.memory_space<vmem_shared>>
      tpu.wait_dma2 semaphore(%run_scoped3A : memref<!tpu.dma_semaphore, #tpu.memory_space<semaphore_mem>>) src(%dma_wait3A_22 : memref<626x128xf32, #tpu.memory_space<vmem_shared>>) dst(%dma_wait3A_20 : memref<626x128xf32, #tpu.memory_space<hbm>>)
      tpu.yield
    }) : () -> ()
    return
  }
}

#map = affine_map<(d0, d1) -> (0, 0)>
#map1 = affine_map<(d0, d1) -> (0, 0, 0, 0)>
#map2 = affine_map<(d0, d1) -> (0, 0, 0)>
module attributes {stable_mosaic.version = 14 : i64} {
  func.func @scatter_k(%arg0: i32, %arg1: i32, %arg2: memref<10016x48xf32, #tpu.memory_space<hbm>>, %arg3: memref<32x8x40x64xi32, #tpu.memory_space<hbm>>, %arg4: memref<32x8x40x64xi32, #tpu.memory_space<hbm>>, %arg5: memref<10016x48xf32, #tpu.memory_space<hbm>>, %arg6: memref<2x10016x48xf32, #tpu.memory_space<hbm>>, %arg7: memref<40x64xi32, #tpu.memory_space<vmem>>, %arg8: memref<40x64xi32, #tpu.memory_space<vmem>>, %arg9: memref<64x48xf32, #tpu.memory_space<vmem>>, %arg10: memref<64x48xf32, #tpu.memory_space<vmem>>, %arg11: memref<64x48xf32, #tpu.memory_space<vmem>>, %arg12: memref<64x48xf32, #tpu.memory_space<vmem>>, %arg13: memref<64x48xf32, #tpu.memory_space<vmem>>, %arg14: memref<!tpu.dma_semaphore, #tpu.memory_space<semaphore_mem>>, %arg15: memref<!tpu.dma_semaphore, #tpu.memory_space<semaphore_mem>>, %arg16: memref<!tpu.dma_semaphore, #tpu.memory_space<semaphore_mem>>, %arg17: memref<!tpu.dma_semaphore, #tpu.memory_space<semaphore_mem>>, %arg18: memref<!tpu.dma_semaphore, #tpu.memory_space<semaphore_mem>>, %arg19: memref<!tpu.dma_semaphore, #tpu.memory_space<semaphore_mem>>, %arg20: memref<!tpu.dma_semaphore, #tpu.memory_space<semaphore_mem>>, %arg21: memref<!tpu.dma_semaphore, #tpu.memory_space<semaphore_mem>>, %arg22: memref<!tpu.dma_semaphore, #tpu.memory_space<semaphore_mem>>, %arg23: memref<!tpu.dma_semaphore, #tpu.memory_space<semaphore_mem>>, %arg24: memref<10016x48xf32, #tpu.memory_space<vmem_shared>>) attributes {dimension_semantics = [#tpu.dimension_semantics<core_parallel>, #tpu.dimension_semantics<subcore_parallel>], iteration_bounds = array<i64: 2, 16>, scalar_prefetch = 0 : i64, scratch_operands = 18 : i64, tpu.core_type = #tpu.core_type<sc_vector_subcore>, window_params = [{transform_indices = #map}, {transform_indices = #map1}, {transform_indices = #map1}, {transform_indices = #map}, {transform_indices = #map2}]} {
    %mul3A = arith.constant 16 : i32
    %mul3A_0 = arith.muli %arg0, %mul3A : i32
    %add3A = arith.addi %mul3A_0, %arg1 : i32
    %mul3A_1 = arith.constant 626 : i32
    %mul3A_2 = arith.muli %arg1, %mul3A_1 : i32
    %mul3A_3 = arith.constant 626 : i32
    %mul3A_4 = arith.muli %arg1, %mul3A_3 : i32
    "tpu.region"() ({
      %run_scoped3A = tpu.sem_alloc : memref<!tpu.dma_semaphore, #tpu.memory_space<semaphore_mem>>
      %dma_start3A = arith.constant 0 : i32
      %dma_start3A_15 = tpu.memref_slice %arg24[%mul3A_4, %dma_start3A] : memref<10016x48xf32, #tpu.memory_space<vmem_shared>> -> memref<626x48xf32, #tpu.memory_space<vmem_shared>>
      %dma_start3A_16 = arith.constant 0 : i32
      %dma_start3A_17 = tpu.memref_slice %arg5[%mul3A_2, %dma_start3A_16] : memref<10016x48xf32, #tpu.memory_space<hbm>> -> memref<626x48xf32, #tpu.memory_space<hbm>>
      tpu.enqueue_dma source(%dma_start3A_17 : memref<626x48xf32, #tpu.memory_space<hbm>>) target(%dma_start3A_15 : memref<626x48xf32, #tpu.memory_space<vmem_shared>>) target_semaphore(%run_scoped3A : memref<!tpu.dma_semaphore, #tpu.memory_space<semaphore_mem>>)
      %dma_wait3A = arith.constant 0 : i32
      %dma_wait3A_18 = tpu.memref_slice %arg24[%mul3A_4, %dma_wait3A] : memref<10016x48xf32, #tpu.memory_space<vmem_shared>> -> memref<626x48xf32, #tpu.memory_space<vmem_shared>>
      %dma_wait3A_19 = arith.constant 0 : i32
      %dma_wait3A_20 = tpu.memref_slice %arg5[%mul3A_2, %dma_wait3A_19] : memref<10016x48xf32, #tpu.memory_space<hbm>> -> memref<626x48xf32, #tpu.memory_space<hbm>>
      tpu.wait_dma2 semaphore(%run_scoped3A : memref<!tpu.dma_semaphore, #tpu.memory_space<semaphore_mem>>) src(%dma_wait3A_20 : memref<626x48xf32, #tpu.memory_space<hbm>>) dst(%dma_wait3A_18 : memref<626x48xf32, #tpu.memory_space<vmem_shared>>)
      tpu.yield
    }) : () -> ()
    %barrier3A = arith.constant 0 : index
    tpu.barrier barrier_id(%barrier3A)
    %scan3A = arith.constant 0 : i32
    %scan3A_5 = arith.constant 0 : i32
    %scan3A_6 = arith.constant 8 : i32
    %scan3A_7 = arith.addi %scan3A_5, %scan3A_6 : i32
    %scan3A_8 = arith.constant 1 : i32
    scf.for %scan3A_15 = %scan3A_5 to %scan3A_7 step %scan3A_8  : i32 {
      "tpu.region"() ({
        %run_scoped3A = tpu.sem_alloc : memref<!tpu.dma_semaphore, #tpu.memory_space<semaphore_mem>>
        %dma_start3A = arith.constant 0 : i32
        %dma_start3A_21 = arith.constant 0 : i32
        %dma_start3A_22 = tpu.memref_slice %arg3[%add3A, %scan3A_15, %dma_start3A, %dma_start3A_21] : memref<32x8x40x64xi32, #tpu.memory_space<hbm>> -> memref<1x1x40x64xi32, #tpu.memory_space<hbm>>
        %dma_start3A_23 = tpu.memref_squeeze %dma_start3A_22 : memref<1x1x40x64xi32, #tpu.memory_space<hbm>> -> memref<40x64xi32, #tpu.memory_space<hbm>>
        %dma_start3A_24 = arith.constant 0 : i32
        %dma_start3A_25 = arith.constant 0 : i32
        %dma_start3A_26 = tpu.memref_slice %arg3[%add3A, %scan3A_15, %dma_start3A_24, %dma_start3A_25] : memref<32x8x40x64xi32, #tpu.memory_space<hbm>> -> memref<1x1x40x64xi32, #tpu.memory_space<hbm>>
        %dma_start3A_27 = tpu.memref_squeeze %dma_start3A_26 : memref<1x1x40x64xi32, #tpu.memory_space<hbm>> -> memref<40x64xi32, #tpu.memory_space<hbm>>
        tpu.enqueue_dma source(%dma_start3A_27 : memref<40x64xi32, #tpu.memory_space<hbm>>) target(%arg7 : memref<40x64xi32, #tpu.memory_space<vmem>>) target_semaphore(%run_scoped3A : memref<!tpu.dma_semaphore, #tpu.memory_space<semaphore_mem>>)
        %dma_wait3A = arith.constant 0 : i32
        %dma_wait3A_28 = arith.constant 0 : i32
        %dma_wait3A_29 = tpu.memref_slice %arg3[%add3A, %scan3A_15, %dma_wait3A, %dma_wait3A_28] : memref<32x8x40x64xi32, #tpu.memory_space<hbm>> -> memref<1x1x40x64xi32, #tpu.memory_space<hbm>>
        %dma_wait3A_30 = tpu.memref_squeeze %dma_wait3A_29 : memref<1x1x40x64xi32, #tpu.memory_space<hbm>> -> memref<40x64xi32, #tpu.memory_space<hbm>>
        %dma_wait3A_31 = arith.constant 0 : i32
        %dma_wait3A_32 = arith.constant 0 : i32
        %dma_wait3A_33 = tpu.memref_slice %arg3[%add3A, %scan3A_15, %dma_wait3A_31, %dma_wait3A_32] : memref<32x8x40x64xi32, #tpu.memory_space<hbm>> -> memref<1x1x40x64xi32, #tpu.memory_space<hbm>>
        %dma_wait3A_34 = tpu.memref_squeeze %dma_wait3A_33 : memref<1x1x40x64xi32, #tpu.memory_space<hbm>> -> memref<40x64xi32, #tpu.memory_space<hbm>>
        tpu.wait_dma2 semaphore(%run_scoped3A : memref<!tpu.dma_semaphore, #tpu.memory_space<semaphore_mem>>) src(%dma_wait3A_34 : memref<40x64xi32, #tpu.memory_space<hbm>>) dst(%arg7 : memref<40x64xi32, #tpu.memory_space<vmem>>)
        tpu.yield
      }) : () -> ()
      "tpu.region"() ({
        %run_scoped3A = tpu.sem_alloc : memref<!tpu.dma_semaphore, #tpu.memory_space<semaphore_mem>>
        %dma_start3A = arith.constant 0 : i32
        %dma_start3A_21 = arith.constant 0 : i32
        %dma_start3A_22 = tpu.memref_slice %arg4[%add3A, %scan3A_15, %dma_start3A, %dma_start3A_21] : memref<32x8x40x64xi32, #tpu.memory_space<hbm>> -> memref<1x1x40x64xi32, #tpu.memory_space<hbm>>
        %dma_start3A_23 = tpu.memref_squeeze %dma_start3A_22 : memref<1x1x40x64xi32, #tpu.memory_space<hbm>> -> memref<40x64xi32, #tpu.memory_space<hbm>>
        %dma_start3A_24 = arith.constant 0 : i32
        %dma_start3A_25 = arith.constant 0 : i32
        %dma_start3A_26 = tpu.memref_slice %arg4[%add3A, %scan3A_15, %dma_start3A_24, %dma_start3A_25] : memref<32x8x40x64xi32, #tpu.memory_space<hbm>> -> memref<1x1x40x64xi32, #tpu.memory_space<hbm>>
        %dma_start3A_27 = tpu.memref_squeeze %dma_start3A_26 : memref<1x1x40x64xi32, #tpu.memory_space<hbm>> -> memref<40x64xi32, #tpu.memory_space<hbm>>
        tpu.enqueue_dma source(%dma_start3A_27 : memref<40x64xi32, #tpu.memory_space<hbm>>) target(%arg8 : memref<40x64xi32, #tpu.memory_space<vmem>>) target_semaphore(%run_scoped3A : memref<!tpu.dma_semaphore, #tpu.memory_space<semaphore_mem>>)
        %dma_wait3A = arith.constant 0 : i32
        %dma_wait3A_28 = arith.constant 0 : i32
        %dma_wait3A_29 = tpu.memref_slice %arg4[%add3A, %scan3A_15, %dma_wait3A, %dma_wait3A_28] : memref<32x8x40x64xi32, #tpu.memory_space<hbm>> -> memref<1x1x40x64xi32, #tpu.memory_space<hbm>>
        %dma_wait3A_30 = tpu.memref_squeeze %dma_wait3A_29 : memref<1x1x40x64xi32, #tpu.memory_space<hbm>> -> memref<40x64xi32, #tpu.memory_space<hbm>>
        %dma_wait3A_31 = arith.constant 0 : i32
        %dma_wait3A_32 = arith.constant 0 : i32
        %dma_wait3A_33 = tpu.memref_slice %arg4[%add3A, %scan3A_15, %dma_wait3A_31, %dma_wait3A_32] : memref<32x8x40x64xi32, #tpu.memory_space<hbm>> -> memref<1x1x40x64xi32, #tpu.memory_space<hbm>>
        %dma_wait3A_34 = tpu.memref_squeeze %dma_wait3A_33 : memref<1x1x40x64xi32, #tpu.memory_space<hbm>> -> memref<40x64xi32, #tpu.memory_space<hbm>>
        tpu.wait_dma2 semaphore(%run_scoped3A : memref<!tpu.dma_semaphore, #tpu.memory_space<semaphore_mem>>) src(%dma_wait3A_34 : memref<40x64xi32, #tpu.memory_space<hbm>>) dst(%arg8 : memref<40x64xi32, #tpu.memory_space<vmem>>)
        tpu.yield
      }) : () -> ()
      %scan3A_16 = arith.constant 0 : i32
      %scan3A_17 = arith.constant 8 : i32
      %scan3A_18 = arith.addi %scan3A_16, %scan3A_17 : i32
      %scan3A_19 = arith.constant 1 : i32
      scf.for %scan3A_21 = %scan3A_16 to %scan3A_18 step %scan3A_19  : i32 {
        %mul3A_22 = arith.constant 5 : i32
        %mul3A_23 = arith.muli %scan3A_21, %mul3A_22 : i32
        %add3A_24 = arith.constant 0 : i32
        %add3A_25 = arith.addi %mul3A_23, %add3A_24 : i32
        %dma_start3A = arith.constant 0 : i32
        %dma_start3A_26 = tpu.memref_slice %arg7[%add3A_25, %dma_start3A] : memref<40x64xi32, #tpu.memory_space<vmem>> -> memref<1x64xi32, #tpu.memory_space<vmem>>
        %dma_start3A_27 = tpu.memref_squeeze %dma_start3A_26 : memref<1x64xi32, #tpu.memory_space<vmem>> -> memref<64xi32, #tpu.memory_space<vmem>>
        %dma_start3A_28 = arith.constant 0 : i32
        %dma_start3A_29 = arith.constant 0 : i32
        %dma_start3A_30 = tpu.memref_slice %arg2[%dma_start3A_28, %dma_start3A_29] : memref<10016x48xf32, #tpu.memory_space<hbm>> -> memref<10016x48xf32, #tpu.memory_space<hbm>>
        tpu.enqueue_indirect_dma source(%dma_start3A_30 : memref<10016x48xf32, #tpu.memory_space<hbm>>) target(%arg9 : memref<64x48xf32, #tpu.memory_space<vmem>>) offsets(%dma_start3A_27 : memref<64xi32, #tpu.memory_space<vmem>>) semaphore(%arg14 : memref<!tpu.dma_semaphore, #tpu.memory_space<semaphore_mem>>)
        %add3A_31 = arith.constant 1 : i32
        %add3A_32 = arith.addi %mul3A_23, %add3A_31 : i32
        %dma_start3A_33 = arith.constant 0 : i32
        %dma_start3A_34 = tpu.memref_slice %arg7[%add3A_32, %dma_start3A_33] : memref<40x64xi32, #tpu.memory_space<vmem>> -> memref<1x64xi32, #tpu.memory_space<vmem>>
        %dma_start3A_35 = tpu.memref_squeeze %dma_start3A_34 : memref<1x64xi32, #tpu.memory_space<vmem>> -> memref<64xi32, #tpu.memory_space<vmem>>
        %dma_start3A_36 = arith.constant 0 : i32
        %dma_start3A_37 = arith.constant 0 : i32
        %dma_start3A_38 = tpu.memref_slice %arg2[%dma_start3A_36, %dma_start3A_37] : memref<10016x48xf32, #tpu.memory_space<hbm>> -> memref<10016x48xf32, #tpu.memory_space<hbm>>
        tpu.enqueue_indirect_dma source(%dma_start3A_38 : memref<10016x48xf32, #tpu.memory_space<hbm>>) target(%arg10 : memref<64x48xf32, #tpu.memory_space<vmem>>) offsets(%dma_start3A_35 : memref<64xi32, #tpu.memory_space<vmem>>) semaphore(%arg15 : memref<!tpu.dma_semaphore, #tpu.memory_space<semaphore_mem>>)
        %add3A_39 = arith.constant 2 : i32
        %add3A_40 = arith.addi %mul3A_23, %add3A_39 : i32
        %dma_start3A_41 = arith.constant 0 : i32
        %dma_start3A_42 = tpu.memref_slice %arg7[%add3A_40, %dma_start3A_41] : memref<40x64xi32, #tpu.memory_space<vmem>> -> memref<1x64xi32, #tpu.memory_space<vmem>>
        %dma_start3A_43 = tpu.memref_squeeze %dma_start3A_42 : memref<1x64xi32, #tpu.memory_space<vmem>> -> memref<64xi32, #tpu.memory_space<vmem>>
        %dma_start3A_44 = arith.constant 0 : i32
        %dma_start3A_45 = arith.constant 0 : i32
        %dma_start3A_46 = tpu.memref_slice %arg2[%dma_start3A_44, %dma_start3A_45] : memref<10016x48xf32, #tpu.memory_space<hbm>> -> memref<10016x48xf32, #tpu.memory_space<hbm>>
        tpu.enqueue_indirect_dma source(%dma_start3A_46 : memref<10016x48xf32, #tpu.memory_space<hbm>>) target(%arg11 : memref<64x48xf32, #tpu.memory_space<vmem>>) offsets(%dma_start3A_43 : memref<64xi32, #tpu.memory_space<vmem>>) semaphore(%arg16 : memref<!tpu.dma_semaphore, #tpu.memory_space<semaphore_mem>>)
        %add3A_47 = arith.constant 3 : i32
        %add3A_48 = arith.addi %mul3A_23, %add3A_47 : i32
        %dma_start3A_49 = arith.constant 0 : i32
        %dma_start3A_50 = tpu.memref_slice %arg7[%add3A_48, %dma_start3A_49] : memref<40x64xi32, #tpu.memory_space<vmem>> -> memref<1x64xi32, #tpu.memory_space<vmem>>
        %dma_start3A_51 = tpu.memref_squeeze %dma_start3A_50 : memref<1x64xi32, #tpu.memory_space<vmem>> -> memref<64xi32, #tpu.memory_space<vmem>>
        %dma_start3A_52 = arith.constant 0 : i32
        %dma_start3A_53 = arith.constant 0 : i32
        %dma_start3A_54 = tpu.memref_slice %arg2[%dma_start3A_52, %dma_start3A_53] : memref<10016x48xf32, #tpu.memory_space<hbm>> -> memref<10016x48xf32, #tpu.memory_space<hbm>>
        tpu.enqueue_indirect_dma source(%dma_start3A_54 : memref<10016x48xf32, #tpu.memory_space<hbm>>) target(%arg12 : memref<64x48xf32, #tpu.memory_space<vmem>>) offsets(%dma_start3A_51 : memref<64xi32, #tpu.memory_space<vmem>>) semaphore(%arg17 : memref<!tpu.dma_semaphore, #tpu.memory_space<semaphore_mem>>)
        %add3A_55 = arith.constant 4 : i32
        %add3A_56 = arith.addi %mul3A_23, %add3A_55 : i32
        %dma_start3A_57 = arith.constant 0 : i32
        %dma_start3A_58 = tpu.memref_slice %arg7[%add3A_56, %dma_start3A_57] : memref<40x64xi32, #tpu.memory_space<vmem>> -> memref<1x64xi32, #tpu.memory_space<vmem>>
        %dma_start3A_59 = tpu.memref_squeeze %dma_start3A_58 : memref<1x64xi32, #tpu.memory_space<vmem>> -> memref<64xi32, #tpu.memory_space<vmem>>
        %dma_start3A_60 = arith.constant 0 : i32
        %dma_start3A_61 = arith.constant 0 : i32
        %dma_start3A_62 = tpu.memref_slice %arg2[%dma_start3A_60, %dma_start3A_61] : memref<10016x48xf32, #tpu.memory_space<hbm>> -> memref<10016x48xf32, #tpu.memory_space<hbm>>
        tpu.enqueue_indirect_dma source(%dma_start3A_62 : memref<10016x48xf32, #tpu.memory_space<hbm>>) target(%arg13 : memref<64x48xf32, #tpu.memory_space<vmem>>) offsets(%dma_start3A_59 : memref<64xi32, #tpu.memory_space<vmem>>) semaphore(%arg18 : memref<!tpu.dma_semaphore, #tpu.memory_space<semaphore_mem>>)
        %dma_wait3A = arith.constant 0 : i32
        %dma_wait3A_63 = tpu.memref_slice %arg7[%add3A_25, %dma_wait3A] : memref<40x64xi32, #tpu.memory_space<vmem>> -> memref<1x64xi32, #tpu.memory_space<vmem>>
        %dma_wait3A_64 = tpu.memref_squeeze %dma_wait3A_63 : memref<1x64xi32, #tpu.memory_space<vmem>> -> memref<64xi32, #tpu.memory_space<vmem>>
        %dma_wait3A_65 = arith.constant 0 : i32
        %dma_wait3A_66 = arith.constant 0 : i32
        %dma_wait3A_67 = tpu.memref_slice %arg2[%dma_wait3A_65, %dma_wait3A_66] : memref<10016x48xf32, #tpu.memory_space<hbm>> -> memref<10016x48xf32, #tpu.memory_space<hbm>>
        tpu.wait_indirect_dma semaphore(%arg14 : memref<!tpu.dma_semaphore, #tpu.memory_space<semaphore_mem>>) src(%dma_wait3A_67 : memref<10016x48xf32, #tpu.memory_space<hbm>>) dst(%arg9 : memref<64x48xf32, #tpu.memory_space<vmem>>)
        %add3A_68 = arith.constant 0 : i32
        %add3A_69 = arith.addi %mul3A_23, %add3A_68 : i32
        %dma_start3A_70 = arith.constant 0 : i32
        %dma_start3A_71 = tpu.memref_slice %arg8[%add3A_69, %dma_start3A_70] : memref<40x64xi32, #tpu.memory_space<vmem>> -> memref<1x64xi32, #tpu.memory_space<vmem>>
        %dma_start3A_72 = tpu.memref_squeeze %dma_start3A_71 : memref<1x64xi32, #tpu.memory_space<vmem>> -> memref<64xi32, #tpu.memory_space<vmem>>
        %dma_start3A_73 = arith.constant 0 : i32
        %dma_start3A_74 = arith.constant 0 : i32
        %dma_start3A_75 = tpu.memref_slice %arg24[%dma_start3A_73, %dma_start3A_74] : memref<10016x48xf32, #tpu.memory_space<vmem_shared>> -> memref<10016x48xf32, #tpu.memory_space<vmem_shared>>
        tpu.enqueue_indirect_dma source(%arg9 : memref<64x48xf32, #tpu.memory_space<vmem>>) target(%dma_start3A_75 : memref<10016x48xf32, #tpu.memory_space<vmem_shared>>) offsets(%dma_start3A_72 : memref<64xi32, #tpu.memory_space<vmem>>) semaphore(%arg19 : memref<!tpu.dma_semaphore, #tpu.memory_space<semaphore_mem>>) {add = true}
        %dma_wait3A_76 = arith.constant 0 : i32
        %dma_wait3A_77 = tpu.memref_slice %arg7[%add3A_32, %dma_wait3A_76] : memref<40x64xi32, #tpu.memory_space<vmem>> -> memref<1x64xi32, #tpu.memory_space<vmem>>
        %dma_wait3A_78 = tpu.memref_squeeze %dma_wait3A_77 : memref<1x64xi32, #tpu.memory_space<vmem>> -> memref<64xi32, #tpu.memory_space<vmem>>
        %dma_wait3A_79 = arith.constant 0 : i32
        %dma_wait3A_80 = arith.constant 0 : i32
        %dma_wait3A_81 = tpu.memref_slice %arg2[%dma_wait3A_79, %dma_wait3A_80] : memref<10016x48xf32, #tpu.memory_space<hbm>> -> memref<10016x48xf32, #tpu.memory_space<hbm>>
        tpu.wait_indirect_dma semaphore(%arg15 : memref<!tpu.dma_semaphore, #tpu.memory_space<semaphore_mem>>) src(%dma_wait3A_81 : memref<10016x48xf32, #tpu.memory_space<hbm>>) dst(%arg10 : memref<64x48xf32, #tpu.memory_space<vmem>>)
        %add3A_82 = arith.constant 1 : i32
        %add3A_83 = arith.addi %mul3A_23, %add3A_82 : i32
        %dma_start3A_84 = arith.constant 0 : i32
        %dma_start3A_85 = tpu.memref_slice %arg8[%add3A_83, %dma_start3A_84] : memref<40x64xi32, #tpu.memory_space<vmem>> -> memref<1x64xi32, #tpu.memory_space<vmem>>
        %dma_start3A_86 = tpu.memref_squeeze %dma_start3A_85 : memref<1x64xi32, #tpu.memory_space<vmem>> -> memref<64xi32, #tpu.memory_space<vmem>>
        %dma_start3A_87 = arith.constant 0 : i32
        %dma_start3A_88 = arith.constant 0 : i32
        %dma_start3A_89 = tpu.memref_slice %arg24[%dma_start3A_87, %dma_start3A_88] : memref<10016x48xf32, #tpu.memory_space<vmem_shared>> -> memref<10016x48xf32, #tpu.memory_space<vmem_shared>>
        tpu.enqueue_indirect_dma source(%arg10 : memref<64x48xf32, #tpu.memory_space<vmem>>) target(%dma_start3A_89 : memref<10016x48xf32, #tpu.memory_space<vmem_shared>>) offsets(%dma_start3A_86 : memref<64xi32, #tpu.memory_space<vmem>>) semaphore(%arg20 : memref<!tpu.dma_semaphore, #tpu.memory_space<semaphore_mem>>) {add = true}
        %dma_wait3A_90 = arith.constant 0 : i32
        %dma_wait3A_91 = tpu.memref_slice %arg7[%add3A_40, %dma_wait3A_90] : memref<40x64xi32, #tpu.memory_space<vmem>> -> memref<1x64xi32, #tpu.memory_space<vmem>>
        %dma_wait3A_92 = tpu.memref_squeeze %dma_wait3A_91 : memref<1x64xi32, #tpu.memory_space<vmem>> -> memref<64xi32, #tpu.memory_space<vmem>>
        %dma_wait3A_93 = arith.constant 0 : i32
        %dma_wait3A_94 = arith.constant 0 : i32
        %dma_wait3A_95 = tpu.memref_slice %arg2[%dma_wait3A_93, %dma_wait3A_94] : memref<10016x48xf32, #tpu.memory_space<hbm>> -> memref<10016x48xf32, #tpu.memory_space<hbm>>
        tpu.wait_indirect_dma semaphore(%arg16 : memref<!tpu.dma_semaphore, #tpu.memory_space<semaphore_mem>>) src(%dma_wait3A_95 : memref<10016x48xf32, #tpu.memory_space<hbm>>) dst(%arg11 : memref<64x48xf32, #tpu.memory_space<vmem>>)
        %add3A_96 = arith.constant 2 : i32
        %add3A_97 = arith.addi %mul3A_23, %add3A_96 : i32
        %dma_start3A_98 = arith.constant 0 : i32
        %dma_start3A_99 = tpu.memref_slice %arg8[%add3A_97, %dma_start3A_98] : memref<40x64xi32, #tpu.memory_space<vmem>> -> memref<1x64xi32, #tpu.memory_space<vmem>>
        %dma_start3A_100 = tpu.memref_squeeze %dma_start3A_99 : memref<1x64xi32, #tpu.memory_space<vmem>> -> memref<64xi32, #tpu.memory_space<vmem>>
        %dma_start3A_101 = arith.constant 0 : i32
        %dma_start3A_102 = arith.constant 0 : i32
        %dma_start3A_103 = tpu.memref_slice %arg24[%dma_start3A_101, %dma_start3A_102] : memref<10016x48xf32, #tpu.memory_space<vmem_shared>> -> memref<10016x48xf32, #tpu.memory_space<vmem_shared>>
        tpu.enqueue_indirect_dma source(%arg11 : memref<64x48xf32, #tpu.memory_space<vmem>>) target(%dma_start3A_103 : memref<10016x48xf32, #tpu.memory_space<vmem_shared>>) offsets(%dma_start3A_100 : memref<64xi32, #tpu.memory_space<vmem>>) semaphore(%arg21 : memref<!tpu.dma_semaphore, #tpu.memory_space<semaphore_mem>>) {add = true}
        %dma_wait3A_104 = arith.constant 0 : i32
        %dma_wait3A_105 = tpu.memref_slice %arg7[%add3A_48, %dma_wait3A_104] : memref<40x64xi32, #tpu.memory_space<vmem>> -> memref<1x64xi32, #tpu.memory_space<vmem>>
        %dma_wait3A_106 = tpu.memref_squeeze %dma_wait3A_105 : memref<1x64xi32, #tpu.memory_space<vmem>> -> memref<64xi32, #tpu.memory_space<vmem>>
        %dma_wait3A_107 = arith.constant 0 : i32
        %dma_wait3A_108 = arith.constant 0 : i32
        %dma_wait3A_109 = tpu.memref_slice %arg2[%dma_wait3A_107, %dma_wait3A_108] : memref<10016x48xf32, #tpu.memory_space<hbm>> -> memref<10016x48xf32, #tpu.memory_space<hbm>>
        tpu.wait_indirect_dma semaphore(%arg17 : memref<!tpu.dma_semaphore, #tpu.memory_space<semaphore_mem>>) src(%dma_wait3A_109 : memref<10016x48xf32, #tpu.memory_space<hbm>>) dst(%arg12 : memref<64x48xf32, #tpu.memory_space<vmem>>)
        %add3A_110 = arith.constant 3 : i32
        %add3A_111 = arith.addi %mul3A_23, %add3A_110 : i32
        %dma_start3A_112 = arith.constant 0 : i32
        %dma_start3A_113 = tpu.memref_slice %arg8[%add3A_111, %dma_start3A_112] : memref<40x64xi32, #tpu.memory_space<vmem>> -> memref<1x64xi32, #tpu.memory_space<vmem>>
        %dma_start3A_114 = tpu.memref_squeeze %dma_start3A_113 : memref<1x64xi32, #tpu.memory_space<vmem>> -> memref<64xi32, #tpu.memory_space<vmem>>
        %dma_start3A_115 = arith.constant 0 : i32
        %dma_start3A_116 = arith.constant 0 : i32
        %dma_start3A_117 = tpu.memref_slice %arg24[%dma_start3A_115, %dma_start3A_116] : memref<10016x48xf32, #tpu.memory_space<vmem_shared>> -> memref<10016x48xf32, #tpu.memory_space<vmem_shared>>
        tpu.enqueue_indirect_dma source(%arg12 : memref<64x48xf32, #tpu.memory_space<vmem>>) target(%dma_start3A_117 : memref<10016x48xf32, #tpu.memory_space<vmem_shared>>) offsets(%dma_start3A_114 : memref<64xi32, #tpu.memory_space<vmem>>) semaphore(%arg22 : memref<!tpu.dma_semaphore, #tpu.memory_space<semaphore_mem>>) {add = true}
        %dma_wait3A_118 = arith.constant 0 : i32
        %dma_wait3A_119 = tpu.memref_slice %arg7[%add3A_56, %dma_wait3A_118] : memref<40x64xi32, #tpu.memory_space<vmem>> -> memref<1x64xi32, #tpu.memory_space<vmem>>
        %dma_wait3A_120 = tpu.memref_squeeze %dma_wait3A_119 : memref<1x64xi32, #tpu.memory_space<vmem>> -> memref<64xi32, #tpu.memory_space<vmem>>
        %dma_wait3A_121 = arith.constant 0 : i32
        %dma_wait3A_122 = arith.constant 0 : i32
        %dma_wait3A_123 = tpu.memref_slice %arg2[%dma_wait3A_121, %dma_wait3A_122] : memref<10016x48xf32, #tpu.memory_space<hbm>> -> memref<10016x48xf32, #tpu.memory_space<hbm>>
        tpu.wait_indirect_dma semaphore(%arg18 : memref<!tpu.dma_semaphore, #tpu.memory_space<semaphore_mem>>) src(%dma_wait3A_123 : memref<10016x48xf32, #tpu.memory_space<hbm>>) dst(%arg13 : memref<64x48xf32, #tpu.memory_space<vmem>>)
        %add3A_124 = arith.constant 4 : i32
        %add3A_125 = arith.addi %mul3A_23, %add3A_124 : i32
        %dma_start3A_126 = arith.constant 0 : i32
        %dma_start3A_127 = tpu.memref_slice %arg8[%add3A_125, %dma_start3A_126] : memref<40x64xi32, #tpu.memory_space<vmem>> -> memref<1x64xi32, #tpu.memory_space<vmem>>
        %dma_start3A_128 = tpu.memref_squeeze %dma_start3A_127 : memref<1x64xi32, #tpu.memory_space<vmem>> -> memref<64xi32, #tpu.memory_space<vmem>>
        %dma_start3A_129 = arith.constant 0 : i32
        %dma_start3A_130 = arith.constant 0 : i32
        %dma_start3A_131 = tpu.memref_slice %arg24[%dma_start3A_129, %dma_start3A_130] : memref<10016x48xf32, #tpu.memory_space<vmem_shared>> -> memref<10016x48xf32, #tpu.memory_space<vmem_shared>>
        tpu.enqueue_indirect_dma source(%arg13 : memref<64x48xf32, #tpu.memory_space<vmem>>) target(%dma_start3A_131 : memref<10016x48xf32, #tpu.memory_space<vmem_shared>>) offsets(%dma_start3A_128 : memref<64xi32, #tpu.memory_space<vmem>>) semaphore(%arg23 : memref<!tpu.dma_semaphore, #tpu.memory_space<semaphore_mem>>) {add = true}
        %dma_wait3A_132 = arith.constant 0 : i32
        %dma_wait3A_133 = tpu.memref_slice %arg8[%add3A_69, %dma_wait3A_132] : memref<40x64xi32, #tpu.memory_space<vmem>> -> memref<1x64xi32, #tpu.memory_space<vmem>>
        %dma_wait3A_134 = tpu.memref_squeeze %dma_wait3A_133 : memref<1x64xi32, #tpu.memory_space<vmem>> -> memref<64xi32, #tpu.memory_space<vmem>>
        %dma_wait3A_135 = arith.constant 0 : i32
        %dma_wait3A_136 = arith.constant 0 : i32
        %dma_wait3A_137 = tpu.memref_slice %arg24[%dma_wait3A_135, %dma_wait3A_136] : memref<10016x48xf32, #tpu.memory_space<vmem_shared>> -> memref<10016x48xf32, #tpu.memory_space<vmem_shared>>
        tpu.wait_indirect_dma semaphore(%arg19 : memref<!tpu.dma_semaphore, #tpu.memory_space<semaphore_mem>>) src(%arg9 : memref<64x48xf32, #tpu.memory_space<vmem>>) dst(%dma_wait3A_137 : memref<10016x48xf32, #tpu.memory_space<vmem_shared>>)
        %dma_wait3A_138 = arith.constant 0 : i32
        %dma_wait3A_139 = tpu.memref_slice %arg8[%add3A_83, %dma_wait3A_138] : memref<40x64xi32, #tpu.memory_space<vmem>> -> memref<1x64xi32, #tpu.memory_space<vmem>>
        %dma_wait3A_140 = tpu.memref_squeeze %dma_wait3A_139 : memref<1x64xi32, #tpu.memory_space<vmem>> -> memref<64xi32, #tpu.memory_space<vmem>>
        %dma_wait3A_141 = arith.constant 0 : i32
        %dma_wait3A_142 = arith.constant 0 : i32
        %dma_wait3A_143 = tpu.memref_slice %arg24[%dma_wait3A_141, %dma_wait3A_142] : memref<10016x48xf32, #tpu.memory_space<vmem_shared>> -> memref<10016x48xf32, #tpu.memory_space<vmem_shared>>
        tpu.wait_indirect_dma semaphore(%arg20 : memref<!tpu.dma_semaphore, #tpu.memory_space<semaphore_mem>>) src(%arg10 : memref<64x48xf32, #tpu.memory_space<vmem>>) dst(%dma_wait3A_143 : memref<10016x48xf32, #tpu.memory_space<vmem_shared>>)
        %dma_wait3A_144 = arith.constant 0 : i32
        %dma_wait3A_145 = tpu.memref_slice %arg8[%add3A_97, %dma_wait3A_144] : memref<40x64xi32, #tpu.memory_space<vmem>> -> memref<1x64xi32, #tpu.memory_space<vmem>>
        %dma_wait3A_146 = tpu.memref_squeeze %dma_wait3A_145 : memref<1x64xi32, #tpu.memory_space<vmem>> -> memref<64xi32, #tpu.memory_space<vmem>>
        %dma_wait3A_147 = arith.constant 0 : i32
        %dma_wait3A_148 = arith.constant 0 : i32
        %dma_wait3A_149 = tpu.memref_slice %arg24[%dma_wait3A_147, %dma_wait3A_148] : memref<10016x48xf32, #tpu.memory_space<vmem_shared>> -> memref<10016x48xf32, #tpu.memory_space<vmem_shared>>
        tpu.wait_indirect_dma semaphore(%arg21 : memref<!tpu.dma_semaphore, #tpu.memory_space<semaphore_mem>>) src(%arg11 : memref<64x48xf32, #tpu.memory_space<vmem>>) dst(%dma_wait3A_149 : memref<10016x48xf32, #tpu.memory_space<vmem_shared>>)
        %dma_wait3A_150 = arith.constant 0 : i32
        %dma_wait3A_151 = tpu.memref_slice %arg8[%add3A_111, %dma_wait3A_150] : memref<40x64xi32, #tpu.memory_space<vmem>> -> memref<1x64xi32, #tpu.memory_space<vmem>>
        %dma_wait3A_152 = tpu.memref_squeeze %dma_wait3A_151 : memref<1x64xi32, #tpu.memory_space<vmem>> -> memref<64xi32, #tpu.memory_space<vmem>>
        %dma_wait3A_153 = arith.constant 0 : i32
        %dma_wait3A_154 = arith.constant 0 : i32
        %dma_wait3A_155 = tpu.memref_slice %arg24[%dma_wait3A_153, %dma_wait3A_154] : memref<10016x48xf32, #tpu.memory_space<vmem_shared>> -> memref<10016x48xf32, #tpu.memory_space<vmem_shared>>
        tpu.wait_indirect_dma semaphore(%arg22 : memref<!tpu.dma_semaphore, #tpu.memory_space<semaphore_mem>>) src(%arg12 : memref<64x48xf32, #tpu.memory_space<vmem>>) dst(%dma_wait3A_155 : memref<10016x48xf32, #tpu.memory_space<vmem_shared>>)
        %dma_wait3A_156 = arith.constant 0 : i32
        %dma_wait3A_157 = tpu.memref_slice %arg8[%add3A_125, %dma_wait3A_156] : memref<40x64xi32, #tpu.memory_space<vmem>> -> memref<1x64xi32, #tpu.memory_space<vmem>>
        %dma_wait3A_158 = tpu.memref_squeeze %dma_wait3A_157 : memref<1x64xi32, #tpu.memory_space<vmem>> -> memref<64xi32, #tpu.memory_space<vmem>>
        %dma_wait3A_159 = arith.constant 0 : i32
        %dma_wait3A_160 = arith.constant 0 : i32
        %dma_wait3A_161 = tpu.memref_slice %arg24[%dma_wait3A_159, %dma_wait3A_160] : memref<10016x48xf32, #tpu.memory_space<vmem_shared>> -> memref<10016x48xf32, #tpu.memory_space<vmem_shared>>
        tpu.wait_indirect_dma semaphore(%arg23 : memref<!tpu.dma_semaphore, #tpu.memory_space<semaphore_mem>>) src(%arg13 : memref<64x48xf32, #tpu.memory_space<vmem>>) dst(%dma_wait3A_161 : memref<10016x48xf32, #tpu.memory_space<vmem_shared>>)
      }
      %scan3A_20 = arith.constant 8 : i32
    }
    %scan3A_9 = arith.constant 8 : i32
    %barrier3A_10 = arith.constant 0 : index
    tpu.barrier barrier_id(%barrier3A_10)
    %mul3A_11 = arith.constant 626 : i32
    %mul3A_12 = arith.muli %arg1, %mul3A_11 : i32
    %mul3A_13 = arith.constant 626 : i32
    %mul3A_14 = arith.muli %arg1, %mul3A_13 : i32
    "tpu.region"() ({
      %run_scoped3A = tpu.sem_alloc : memref<!tpu.dma_semaphore, #tpu.memory_space<semaphore_mem>>
      %dma_start3A = arith.constant 0 : i32
      %dma_start3A_15 = tpu.memref_slice %arg6[%arg0, %mul3A_14, %dma_start3A] : memref<2x10016x48xf32, #tpu.memory_space<hbm>> -> memref<1x626x48xf32, #tpu.memory_space<hbm>>
      %dma_start3A_16 = tpu.memref_squeeze %dma_start3A_15 : memref<1x626x48xf32, #tpu.memory_space<hbm>> -> memref<626x48xf32, #tpu.memory_space<hbm>>
      %dma_start3A_17 = arith.constant 0 : i32
      %dma_start3A_18 = tpu.memref_slice %arg24[%mul3A_12, %dma_start3A_17] : memref<10016x48xf32, #tpu.memory_space<vmem_shared>> -> memref<626x48xf32, #tpu.memory_space<vmem_shared>>
      tpu.enqueue_dma source(%dma_start3A_18 : memref<626x48xf32, #tpu.memory_space<vmem_shared>>) target(%dma_start3A_16 : memref<626x48xf32, #tpu.memory_space<hbm>>) target_semaphore(%run_scoped3A : memref<!tpu.dma_semaphore, #tpu.memory_space<semaphore_mem>>)
      %dma_wait3A = arith.constant 0 : i32
      %dma_wait3A_19 = tpu.memref_slice %arg6[%arg0, %mul3A_14, %dma_wait3A] : memref<2x10016x48xf32, #tpu.memory_space<hbm>> -> memref<1x626x48xf32, #tpu.memory_space<hbm>>
      %dma_wait3A_20 = tpu.memref_squeeze %dma_wait3A_19 : memref<1x626x48xf32, #tpu.memory_space<hbm>> -> memref<626x48xf32, #tpu.memory_space<hbm>>
      %dma_wait3A_21 = arith.constant 0 : i32
      %dma_wait3A_22 = tpu.memref_slice %arg24[%mul3A_12, %dma_wait3A_21] : memref<10016x48xf32, #tpu.memory_space<vmem_shared>> -> memref<626x48xf32, #tpu.memory_space<vmem_shared>>
      tpu.wait_dma2 semaphore(%run_scoped3A : memref<!tpu.dma_semaphore, #tpu.memory_space<semaphore_mem>>) src(%dma_wait3A_22 : memref<626x48xf32, #tpu.memory_space<vmem_shared>>) dst(%dma_wait3A_20 : memref<626x48xf32, #tpu.memory_space<hbm>>)
      tpu.yield
    }) : () -> ()
    return
  }
}

module attributes {stable_mosaic.version = 14 : i64} {
  func.func @body(%arg0: i32, %arg1: memref<2x2504x48xf32, #tpu.memory_space<vmem>>, %arg2: memref<2504x48xf32, #tpu.memory_space<vmem>>, %arg3: memref<48x128xf32, #tpu.memory_space<vmem>>, %arg4: memref<48x128xf32, #tpu.memory_space<vmem>>, %arg5: memref<48x128xf32, #tpu.memory_space<vmem>>, %arg6: memref<2504x128xf32, #tpu.memory_space<vmem>>, %arg7: memref<2504x1xf32, #tpu.memory_space<vmem>>) attributes {dimension_semantics = [#tpu.dimension_semantics<arbitrary>], iteration_bounds = array<i64: 4>, scalar_prefetch = 0 : i64, scratch_operands = 0 : i64, tpu.core_type = #tpu.core_type<tc>, window_params = [{transform_indices = @transform_0, window_bounds = array<i64: 2, 2504, 48>}, {transform_indices = @transform_1, window_bounds = array<i64: 2504, 48>}, {pipeline_mode = #tpu.pipeline_mode<synchronous>, transform_indices = @transform_2, window_bounds = array<i64: 48, 128>}, {pipeline_mode = #tpu.pipeline_mode<synchronous>, transform_indices = @transform_3, window_bounds = array<i64: 48, 128>}, {pipeline_mode = #tpu.pipeline_mode<synchronous>, transform_indices = @transform_4, window_bounds = array<i64: 48, 128>}, {transform_indices = @transform_5, window_bounds = array<i64: 2504, 128>}, {transform_indices = @transform_6, window_bounds = array<i64: 2504, 1>}]} {
    %get3A = arith.constant 0 : index
    %get3A_0 = arith.constant 0 : index
    %get3A_1 = arith.constant 0 : index
    %get3A_2 = vector.load %arg1[%get3A, %get3A_0, %get3A_1] : memref<2x2504x48xf32, #tpu.memory_space<vmem>>, vector<1x2504x48xf32>
    %get3A_3 = vector.shape_cast %get3A_2 : vector<1x2504x48xf32> to vector<2504x48xf32>
    %get3A_4 = arith.constant 1 : index
    %get3A_5 = arith.constant 0 : index
    %get3A_6 = arith.constant 0 : index
    %get3A_7 = vector.load %arg1[%get3A_4, %get3A_5, %get3A_6] : memref<2x2504x48xf32, #tpu.memory_space<vmem>>, vector<1x2504x48xf32>
    %get3A_8 = vector.shape_cast %get3A_7 : vector<1x2504x48xf32> to vector<2504x48xf32>
    %add3A = arith.addf %get3A_3, %get3A_8 : vector<2504x48xf32>
    %get3A_9 = arith.constant 0 : index
    %get3A_10 = arith.constant 0 : index
    %get3A_11 = vector.load %arg2[%get3A_9, %get3A_10] : memref<2504x48xf32, #tpu.memory_space<vmem>>, vector<2504x48xf32>
    %slice3A = vector.extract_strided_slice %add3A {offsets = [0, 37], sizes = [2504, 1], strides = [1, 1]} : vector<2504x48xf32> to vector<2504x1xf32>
    %get3A_12 = arith.constant 0 : index
    %get3A_13 = arith.constant 0 : index
    %get3A_14 = vector.load %arg3[%get3A_12, %get3A_13] : memref<48x128xf32, #tpu.memory_space<vmem>>, vector<48x128xf32>
    %dot_general3A = arith.constant dense<0.000000e+00> : vector<2504x128xf32>
    %dot_general3A_15 = tpu.matmul %add3A, %get3A_14, %dot_general3A {dimension_numbers = #tpu.dot_dimension_numbers<[1], [0], [0], [1], [0, 0, 1, 1], [], []>, transpose_lhs_hint = false} : vector<2504x48xf32>, vector<48x128xf32>, vector<2504x128xf32> -> vector<2504x128xf32>
    %get3A_16 = arith.constant 0 : index
    %get3A_17 = arith.constant 0 : index
    %get3A_18 = vector.load %arg4[%get3A_16, %get3A_17] : memref<48x128xf32, #tpu.memory_space<vmem>>, vector<48x128xf32>
    %dot_general3A_19 = arith.constant dense<0.000000e+00> : vector<2504x128xf32>
    %dot_general3A_20 = tpu.matmul %get3A_11, %get3A_18, %dot_general3A_19 {dimension_numbers = #tpu.dot_dimension_numbers<[1], [0], [0], [1], [0, 0, 1, 1], [], []>, transpose_lhs_hint = false} : vector<2504x48xf32>, vector<48x128xf32>, vector<2504x128xf32> -> vector<2504x128xf32>
    %get3A_21 = arith.constant 0 : index
    %get3A_22 = arith.constant 0 : index
    %get3A_23 = vector.load %arg5[%get3A_21, %get3A_22] : memref<48x128xf32, #tpu.memory_space<vmem>>, vector<48x128xf32>
    %dot_general3A_24 = arith.constant dense<0.000000e+00> : vector<2504x128xf32>
    %dot_general3A_25 = tpu.matmul %get3A_11, %get3A_23, %dot_general3A_24 {dimension_numbers = #tpu.dot_dimension_numbers<[1], [0], [0], [1], [0, 0, 1, 1], [], []>, transpose_lhs_hint = false} : vector<2504x48xf32>, vector<48x128xf32>, vector<2504x128xf32> -> vector<2504x128xf32>
    %mul3A = vector.broadcast %slice3A : vector<2504x1xf32> to vector<2504x128xf32>
    %mul3A_26 = arith.mulf %mul3A, %dot_general3A_20 : vector<2504x128xf32>
    %sub3A = arith.subf %dot_general3A_15, %mul3A_26 : vector<2504x128xf32>
    %add3A_27 = arith.addf %sub3A, %dot_general3A_25 : vector<2504x128xf32>
    %max3A = arith.constant 0.000000e+00 : f32
    %max3A_28 = vector.broadcast %max3A : f32 to vector<2504x128xf32>
    %max3A_29 = arith.maximumf %add3A_27, %max3A_28 : vector<2504x128xf32>
    %swap3A = arith.constant 0 : index
    %swap3A_30 = arith.constant 0 : index
    %swap3A_31 = vector.load %arg6[%swap3A, %swap3A_30] : memref<2504x128xf32, #tpu.memory_space<vmem>>, vector<2504x128xf32>
    tpu.vector_store %arg6[%swap3A, %swap3A_30], %max3A_29 {strides = array<i32>} : memref<2504x128xf32, #tpu.memory_space<vmem>>, vector<2504x128xf32>,
    %swap3A_32 = arith.constant 0 : index
    %swap3A_33 = arith.constant 0 : index
    %swap3A_34 = vector.load %arg7[%swap3A_32, %swap3A_33] : memref<2504x1xf32, #tpu.memory_space<vmem>>, vector<2504x1xf32>
    tpu.vector_store %arg7[%swap3A_32, %swap3A_33], %slice3A {strides = array<i32>} : memref<2504x1xf32, #tpu.memory_space<vmem>>, vector<2504x1xf32>,
    return
  }
  func.func @transform_0(%arg0: i32) -> (i32, i32, i32) {
    %c0_i32 = arith.constant 0 : i32
    %c0_i32_0 = arith.constant 0 : i32
    %c0_i32_1 = arith.constant 0 : i32
    return %c0_i32, %arg0, %c0_i32_0 : i32, i32, i32
  }
  func.func @transform_1(%arg0: i32) -> (i32, i32) {
    %c0_i32 = arith.constant 0 : i32
    %c0_i32_0 = arith.constant 0 : i32
    return %arg0, %c0_i32 : i32, i32
  }
  func.func @transform_2(%arg0: i32) -> (i32, i32) {
    %c0_i32 = arith.constant 0 : i32
    %c0_i32_0 = arith.constant 0 : i32
    %c0_i32_1 = arith.constant 0 : i32
    return %c0_i32, %c0_i32_0 : i32, i32
  }
  func.func @transform_3(%arg0: i32) -> (i32, i32) {
    %c0_i32 = arith.constant 0 : i32
    %c0_i32_0 = arith.constant 0 : i32
    %c0_i32_1 = arith.constant 0 : i32
    return %c0_i32, %c0_i32_0 : i32, i32
  }
  func.func @transform_4(%arg0: i32) -> (i32, i32) {
    %c0_i32 = arith.constant 0 : i32
    %c0_i32_0 = arith.constant 0 : i32
    %c0_i32_1 = arith.constant 0 : i32
    return %c0_i32, %c0_i32_0 : i32, i32
  }
  func.func @transform_5(%arg0: i32) -> (i32, i32) {
    %c0_i32 = arith.constant 0 : i32
    %c0_i32_0 = arith.constant 0 : i32
    return %arg0, %c0_i32 : i32, i32
  }
  func.func @transform_6(%arg0: i32) -> (i32, i32) {
    %c0_i32 = arith.constant 0 : i32
    %c0_i32_0 = arith.constant 0 : i32
    return %arg0, %c0_i32 : i32, i32
  }
}

module attributes {stable_mosaic.version = 14 : i64} {
  func.func @body(%arg0: i32, %arg1: memref<2x2504x128xf32, #tpu.memory_space<vmem>>, %arg2: memref<2504x128xf32, #tpu.memory_space<vmem>>, %arg3: memref<2504x1xf32, #tpu.memory_space<vmem>>, %arg4: memref<128x128xf32, #tpu.memory_space<vmem>>, %arg5: memref<1x128xf32, #tpu.memory_space<vmem>>, %arg6: memref<128x128xf32, #tpu.memory_space<vmem>>, %arg7: memref<128x128xf32, #tpu.memory_space<vmem>>, %arg8: memref<1x128xf32, #tpu.memory_space<vmem>>, %arg9: memref<2504x128xf32, #tpu.memory_space<vmem>>) attributes {dimension_semantics = [#tpu.dimension_semantics<arbitrary>], iteration_bounds = array<i64: 4>, scalar_prefetch = 0 : i64, scratch_operands = 0 : i64, tpu.core_type = #tpu.core_type<tc>, window_params = [{transform_indices = @transform_0, window_bounds = array<i64: 2, 2504, 128>}, {transform_indices = @transform_1, window_bounds = array<i64: 2504, 128>}, {transform_indices = @transform_2, window_bounds = array<i64: 2504, 1>}, {pipeline_mode = #tpu.pipeline_mode<synchronous>, transform_indices = @transform_3, window_bounds = array<i64: 128, 128>}, {pipeline_mode = #tpu.pipeline_mode<synchronous>, transform_indices = @transform_4, window_bounds = array<i64: 1, 128>}, {pipeline_mode = #tpu.pipeline_mode<synchronous>, transform_indices = @transform_5, window_bounds = array<i64: 128, 128>}, {pipeline_mode = #tpu.pipeline_mode<synchronous>, transform_indices = @transform_6, window_bounds = array<i64: 128, 128>}, {pipeline_mode = #tpu.pipeline_mode<synchronous>, transform_indices = @transform_7, window_bounds = array<i64: 1, 128>}, {transform_indices = @transform_8, window_bounds = array<i64: 2504, 128>}]} {
    %get3A = arith.constant 0 : index
    %get3A_0 = arith.constant 0 : index
    %get3A_1 = arith.constant 0 : index
    %get3A_2 = vector.load %arg1[%get3A, %get3A_0, %get3A_1] : memref<2x2504x128xf32, #tpu.memory_space<vmem>>, vector<1x2504x128xf32>
    %get3A_3 = vector.shape_cast %get3A_2 : vector<1x2504x128xf32> to vector<2504x128xf32>
    %get3A_4 = arith.constant 1 : index
    %get3A_5 = arith.constant 0 : index
    %get3A_6 = arith.constant 0 : index
    %get3A_7 = vector.load %arg1[%get3A_4, %get3A_5, %get3A_6] : memref<2x2504x128xf32, #tpu.memory_space<vmem>>, vector<1x2504x128xf32>
    %get3A_8 = vector.shape_cast %get3A_7 : vector<1x2504x128xf32> to vector<2504x128xf32>
    %add3A = arith.addf %get3A_3, %get3A_8 : vector<2504x128xf32>
    %get3A_9 = arith.constant 0 : index
    %get3A_10 = arith.constant 0 : index
    %get3A_11 = vector.load %arg2[%get3A_9, %get3A_10] : memref<2504x128xf32, #tpu.memory_space<vmem>>, vector<2504x128xf32>
    %get3A_12 = arith.constant 0 : index
    %get3A_13 = arith.constant 0 : index
    %get3A_14 = vector.load %arg3[%get3A_12, %get3A_13] : memref<2504x1xf32, #tpu.memory_space<vmem>>, vector<2504x1xf32>
    %get3A_15 = arith.constant 0 : index
    %get3A_16 = arith.constant 0 : index
    %get3A_17 = vector.load %arg4[%get3A_15, %get3A_16] : memref<128x128xf32, #tpu.memory_space<vmem>>, vector<128x128xf32>
    %dot_general3A = arith.constant dense<0.000000e+00> : vector<2504x128xf32>
    %dot_general3A_18 = tpu.matmul %add3A, %get3A_17, %dot_general3A {dimension_numbers = #tpu.dot_dimension_numbers<[1], [0], [0], [1], [0, 0, 1, 1], [], []>, transpose_lhs_hint = false} : vector<2504x128xf32>, vector<128x128xf32>, vector<2504x128xf32> -> vector<2504x128xf32>
    %get3A_19 = arith.constant 0 : index
    %get3A_20 = arith.constant 0 : index
    %get3A_21 = vector.load %arg6[%get3A_19, %get3A_20] : memref<128x128xf32, #tpu.memory_space<vmem>>, vector<128x128xf32>
    %dot_general3A_22 = arith.constant dense<0.000000e+00> : vector<2504x128xf32>
    %dot_general3A_23 = tpu.matmul %get3A_11, %get3A_21, %dot_general3A_22 {dimension_numbers = #tpu.dot_dimension_numbers<[1], [0], [0], [1], [0, 0, 1, 1], [], []>, transpose_lhs_hint = false} : vector<2504x128xf32>, vector<128x128xf32>, vector<2504x128xf32> -> vector<2504x128xf32>
    %get3A_24 = arith.constant 0 : index
    %get3A_25 = arith.constant 0 : index
    %get3A_26 = vector.load %arg7[%get3A_24, %get3A_25] : memref<128x128xf32, #tpu.memory_space<vmem>>, vector<128x128xf32>
    %dot_general3A_27 = arith.constant dense<0.000000e+00> : vector<2504x128xf32>
    %dot_general3A_28 = tpu.matmul %get3A_11, %get3A_26, %dot_general3A_27 {dimension_numbers = #tpu.dot_dimension_numbers<[1], [0], [0], [1], [0, 0, 1, 1], [], []>, transpose_lhs_hint = false} : vector<2504x128xf32>, vector<128x128xf32>, vector<2504x128xf32> -> vector<2504x128xf32>
    %get3A_29 = arith.constant 0 : index
    %get3A_30 = arith.constant 0 : index
    %get3A_31 = vector.load %arg5[%get3A_29, %get3A_30] : memref<1x128xf32, #tpu.memory_space<vmem>>, vector<1x128xf32>
    %sub3A = vector.broadcast %get3A_31 : vector<1x128xf32> to vector<2504x128xf32>
    %sub3A_32 = arith.subf %sub3A, %dot_general3A_23 : vector<2504x128xf32>
    %mul3A = vector.broadcast %get3A_14 : vector<2504x1xf32> to vector<2504x128xf32>
    %mul3A_33 = arith.mulf %mul3A, %sub3A_32 : vector<2504x128xf32>
    %add3A_34 = arith.addf %dot_general3A_18, %mul3A_33 : vector<2504x128xf32>
    %add3A_35 = arith.addf %add3A_34, %dot_general3A_28 : vector<2504x128xf32>
    %get3A_36 = arith.constant 0 : index
    %get3A_37 = arith.constant 0 : index
    %get3A_38 = vector.load %arg8[%get3A_36, %get3A_37] : memref<1x128xf32, #tpu.memory_space<vmem>>, vector<1x128xf32>
    %add3A_39 = vector.broadcast %get3A_38 : vector<1x128xf32> to vector<2504x128xf32>
    %add3A_40 = arith.addf %add3A_35, %add3A_39 : vector<2504x128xf32>
    %max3A = arith.constant 0.000000e+00 : f32
    %max3A_41 = vector.broadcast %max3A : f32 to vector<2504x128xf32>
    %max3A_42 = arith.maximumf %add3A_40, %max3A_41 : vector<2504x128xf32>
    %swap3A = arith.constant 0 : index
    %swap3A_43 = arith.constant 0 : index
    %swap3A_44 = vector.load %arg9[%swap3A, %swap3A_43] : memref<2504x128xf32, #tpu.memory_space<vmem>>, vector<2504x128xf32>
    tpu.vector_store %arg9[%swap3A, %swap3A_43], %max3A_42 {strides = array<i32>} : memref<2504x128xf32, #tpu.memory_space<vmem>>, vector<2504x128xf32>,
    return
  }
  func.func @transform_0(%arg0: i32) -> (i32, i32, i32) {
    %c0_i32 = arith.constant 0 : i32
    %c0_i32_0 = arith.constant 0 : i32
    %c0_i32_1 = arith.constant 0 : i32
    return %c0_i32, %arg0, %c0_i32_0 : i32, i32, i32
  }
  func.func @transform_1(%arg0: i32) -> (i32, i32) {
    %c0_i32 = arith.constant 0 : i32
    %c0_i32_0 = arith.constant 0 : i32
    return %arg0, %c0_i32 : i32, i32
  }
  func.func @transform_2(%arg0: i32) -> (i32, i32) {
    %c0_i32 = arith.constant 0 : i32
    %c0_i32_0 = arith.constant 0 : i32
    return %arg0, %c0_i32 : i32, i32
  }
  func.func @transform_3(%arg0: i32) -> (i32, i32) {
    %c0_i32 = arith.constant 0 : i32
    %c0_i32_0 = arith.constant 0 : i32
    %c0_i32_1 = arith.constant 0 : i32
    return %c0_i32, %c0_i32_0 : i32, i32
  }
  func.func @transform_4(%arg0: i32) -> (i32, i32) {
    %c0_i32 = arith.constant 0 : i32
    %c0_i32_0 = arith.constant 0 : i32
    %c0_i32_1 = arith.constant 0 : i32
    return %c0_i32, %c0_i32_0 : i32, i32
  }
  func.func @transform_5(%arg0: i32) -> (i32, i32) {
    %c0_i32 = arith.constant 0 : i32
    %c0_i32_0 = arith.constant 0 : i32
    %c0_i32_1 = arith.constant 0 : i32
    return %c0_i32, %c0_i32_0 : i32, i32
  }
  func.func @transform_6(%arg0: i32) -> (i32, i32) {
    %c0_i32 = arith.constant 0 : i32
    %c0_i32_0 = arith.constant 0 : i32
    %c0_i32_1 = arith.constant 0 : i32
    return %c0_i32, %c0_i32_0 : i32, i32
  }
  func.func @transform_7(%arg0: i32) -> (i32, i32) {
    %c0_i32 = arith.constant 0 : i32
    %c0_i32_0 = arith.constant 0 : i32
    %c0_i32_1 = arith.constant 0 : i32
    return %c0_i32, %c0_i32_0 : i32, i32
  }
  func.func @transform_8(%arg0: i32) -> (i32, i32) {
    %c0_i32 = arith.constant 0 : i32
    %c0_i32_0 = arith.constant 0 : i32
    return %arg0, %c0_i32 : i32, i32
  }
}

module attributes {stable_mosaic.version = 14 : i64} {
  func.func @body(%arg0: i32, %arg1: memref<2x2504x128xf32, #tpu.memory_space<vmem>>, %arg2: memref<2504x128xf32, #tpu.memory_space<vmem>>, %arg3: memref<2504x1xf32, #tpu.memory_space<vmem>>, %arg4: memref<128x128xf32, #tpu.memory_space<vmem>>, %arg5: memref<1x128xf32, #tpu.memory_space<vmem>>, %arg6: memref<128x128xf32, #tpu.memory_space<vmem>>, %arg7: memref<128x128xf32, #tpu.memory_space<vmem>>, %arg8: memref<1x128xf32, #tpu.memory_space<vmem>>, %arg9: memref<2504x144xf32, #tpu.memory_space<vmem>>) attributes {dimension_semantics = [#tpu.dimension_semantics<arbitrary>], iteration_bounds = array<i64: 4>, scalar_prefetch = 0 : i64, scratch_operands = 0 : i64, tpu.core_type = #tpu.core_type<tc>, window_params = [{transform_indices = @transform_0, window_bounds = array<i64: 2, 2504, 128>}, {transform_indices = @transform_1, window_bounds = array<i64: 2504, 128>}, {transform_indices = @transform_2, window_bounds = array<i64: 2504, 1>}, {pipeline_mode = #tpu.pipeline_mode<synchronous>, transform_indices = @transform_3, window_bounds = array<i64: 128, 128>}, {pipeline_mode = #tpu.pipeline_mode<synchronous>, transform_indices = @transform_4, window_bounds = array<i64: 1, 128>}, {pipeline_mode = #tpu.pipeline_mode<synchronous>, transform_indices = @transform_5, window_bounds = array<i64: 128, 128>}, {pipeline_mode = #tpu.pipeline_mode<synchronous>, transform_indices = @transform_6, window_bounds = array<i64: 128, 128>}, {pipeline_mode = #tpu.pipeline_mode<synchronous>, transform_indices = @transform_7, window_bounds = array<i64: 1, 128>}, {transform_indices = @transform_8, window_bounds = array<i64: 2504, 144>}]} {
    %get3A = arith.constant 0 : index
    %get3A_0 = arith.constant 0 : index
    %get3A_1 = arith.constant 0 : index
    %get3A_2 = vector.load %arg1[%get3A, %get3A_0, %get3A_1] : memref<2x2504x128xf32, #tpu.memory_space<vmem>>, vector<1x2504x128xf32>
    %get3A_3 = vector.shape_cast %get3A_2 : vector<1x2504x128xf32> to vector<2504x128xf32>
    %get3A_4 = arith.constant 1 : index
    %get3A_5 = arith.constant 0 : index
    %get3A_6 = arith.constant 0 : index
    %get3A_7 = vector.load %arg1[%get3A_4, %get3A_5, %get3A_6] : memref<2x2504x128xf32, #tpu.memory_space<vmem>>, vector<1x2504x128xf32>
    %get3A_8 = vector.shape_cast %get3A_7 : vector<1x2504x128xf32> to vector<2504x128xf32>
    %add3A = arith.addf %get3A_3, %get3A_8 : vector<2504x128xf32>
    %get3A_9 = arith.constant 0 : index
    %get3A_10 = arith.constant 0 : index
    %get3A_11 = vector.load %arg2[%get3A_9, %get3A_10] : memref<2504x128xf32, #tpu.memory_space<vmem>>, vector<2504x128xf32>
    %get3A_12 = arith.constant 0 : index
    %get3A_13 = arith.constant 0 : index
    %get3A_14 = vector.load %arg3[%get3A_12, %get3A_13] : memref<2504x1xf32, #tpu.memory_space<vmem>>, vector<2504x1xf32>
    %get3A_15 = arith.constant 0 : index
    %get3A_16 = arith.constant 0 : index
    %get3A_17 = vector.load %arg4[%get3A_15, %get3A_16] : memref<128x128xf32, #tpu.memory_space<vmem>>, vector<128x128xf32>
    %dot_general3A = arith.constant dense<0.000000e+00> : vector<2504x128xf32>
    %dot_general3A_18 = tpu.matmul %add3A, %get3A_17, %dot_general3A {dimension_numbers = #tpu.dot_dimension_numbers<[1], [0], [0], [1], [0, 0, 1, 1], [], []>, transpose_lhs_hint = false} : vector<2504x128xf32>, vector<128x128xf32>, vector<2504x128xf32> -> vector<2504x128xf32>
    %get3A_19 = arith.constant 0 : index
    %get3A_20 = arith.constant 0 : index
    %get3A_21 = vector.load %arg6[%get3A_19, %get3A_20] : memref<128x128xf32, #tpu.memory_space<vmem>>, vector<128x128xf32>
    %dot_general3A_22 = arith.constant dense<0.000000e+00> : vector<2504x128xf32>
    %dot_general3A_23 = tpu.matmul %get3A_11, %get3A_21, %dot_general3A_22 {dimension_numbers = #tpu.dot_dimension_numbers<[1], [0], [0], [1], [0, 0, 1, 1], [], []>, transpose_lhs_hint = false} : vector<2504x128xf32>, vector<128x128xf32>, vector<2504x128xf32> -> vector<2504x128xf32>
    %get3A_24 = arith.constant 0 : index
    %get3A_25 = arith.constant 0 : index
    %get3A_26 = vector.load %arg7[%get3A_24, %get3A_25] : memref<128x128xf32, #tpu.memory_space<vmem>>, vector<128x128xf32>
    %dot_general3A_27 = arith.constant dense<0.000000e+00> : vector<2504x128xf32>
    %dot_general3A_28 = tpu.matmul %get3A_11, %get3A_26, %dot_general3A_27 {dimension_numbers = #tpu.dot_dimension_numbers<[1], [0], [0], [1], [0, 0, 1, 1], [], []>, transpose_lhs_hint = false} : vector<2504x128xf32>, vector<128x128xf32>, vector<2504x128xf32> -> vector<2504x128xf32>
    %get3A_29 = arith.constant 0 : index
    %get3A_30 = arith.constant 0 : index
    %get3A_31 = vector.load %arg5[%get3A_29, %get3A_30] : memref<1x128xf32, #tpu.memory_space<vmem>>, vector<1x128xf32>
    %sub3A = vector.broadcast %get3A_31 : vector<1x128xf32> to vector<2504x128xf32>
    %sub3A_32 = arith.subf %sub3A, %dot_general3A_23 : vector<2504x128xf32>
    %mul3A = vector.broadcast %get3A_14 : vector<2504x1xf32> to vector<2504x128xf32>
    %mul3A_33 = arith.mulf %mul3A, %sub3A_32 : vector<2504x128xf32>
    %add3A_34 = arith.addf %dot_general3A_18, %mul3A_33 : vector<2504x128xf32>
    %add3A_35 = arith.addf %add3A_34, %dot_general3A_28 : vector<2504x128xf32>
    %get3A_36 = arith.constant 0 : index
    %get3A_37 = arith.constant 0 : index
    %get3A_38 = vector.load %arg8[%get3A_36, %get3A_37] : memref<1x128xf32, #tpu.memory_space<vmem>>, vector<1x128xf32>
    %add3A_39 = vector.broadcast %get3A_38 : vector<1x128xf32> to vector<2504x128xf32>
    %add3A_40 = arith.addf %add3A_35, %add3A_39 : vector<2504x128xf32>
    %max3A = arith.constant 0.000000e+00 : f32
    %max3A_41 = vector.broadcast %max3A : f32 to vector<2504x128xf32>
    %max3A_42 = arith.maximumf %add3A_40, %max3A_41 : vector<2504x128xf32>
    %swap3A = arith.constant 0 : index
    %swap3A_43 = arith.constant 0 : index
    %swap3A_44 = vector.load %arg9[%swap3A, %swap3A_43] : memref<2504x144xf32, #tpu.memory_space<vmem>>, vector<2504x128xf32>
    tpu.vector_store %arg9[%swap3A, %swap3A_43], %max3A_42 {strides = array<i32>} : memref<2504x144xf32, #tpu.memory_space<vmem>>, vector<2504x128xf32>,
    %iota3A = tpu.iota {dimensions = array<i32: 1>} : vector<2504x16xi32>
    %eq3A = arith.constant 0 : i32
    %eq3A_45 = vector.broadcast %eq3A : i32 to vector<2504x16xi32>
    %eq3A_46 = arith.cmpi eq, %iota3A, %eq3A_45 : vector<2504x16xi32>
    %jit3A = arith.constant 1.000000e+00 : f32
    %jit3A_47 = arith.constant 0.000000e+00 : f32
    %broadcast_in_dim3A = vector.broadcast %jit3A : f32 to vector<2504x16xf32>
    %broadcast_in_dim3A_48 = vector.broadcast %jit3A_47 : f32 to vector<2504x16xf32>
    %select_n3A = arith.select %eq3A_46, %broadcast_in_dim3A, %broadcast_in_dim3A_48 : vector<2504x16xi1>, vector<2504x16xf32>
    %swap3A_49 = arith.constant 0 : index
    %swap3A_50 = arith.constant 128 : index
    %swap3A_51 = vector.load %arg9[%swap3A_49, %swap3A_50] : memref<2504x144xf32, #tpu.memory_space<vmem>>, vector<2504x16xf32>
    tpu.vector_store %arg9[%swap3A_49, %swap3A_50], %select_n3A {strides = array<i32>} : memref<2504x144xf32, #tpu.memory_space<vmem>>, vector<2504x16xf32>,
    return
  }
  func.func @transform_0(%arg0: i32) -> (i32, i32, i32) {
    %c0_i32 = arith.constant 0 : i32
    %c0_i32_0 = arith.constant 0 : i32
    %c0_i32_1 = arith.constant 0 : i32
    return %c0_i32, %arg0, %c0_i32_0 : i32, i32, i32
  }
  func.func @transform_1(%arg0: i32) -> (i32, i32) {
    %c0_i32 = arith.constant 0 : i32
    %c0_i32_0 = arith.constant 0 : i32
    return %arg0, %c0_i32 : i32, i32
  }
  func.func @transform_2(%arg0: i32) -> (i32, i32) {
    %c0_i32 = arith.constant 0 : i32
    %c0_i32_0 = arith.constant 0 : i32
    return %arg0, %c0_i32 : i32, i32
  }
  func.func @transform_3(%arg0: i32) -> (i32, i32) {
    %c0_i32 = arith.constant 0 : i32
    %c0_i32_0 = arith.constant 0 : i32
    %c0_i32_1 = arith.constant 0 : i32
    return %c0_i32, %c0_i32_0 : i32, i32
  }
  func.func @transform_4(%arg0: i32) -> (i32, i32) {
    %c0_i32 = arith.constant 0 : i32
    %c0_i32_0 = arith.constant 0 : i32
    %c0_i32_1 = arith.constant 0 : i32
    return %c0_i32, %c0_i32_0 : i32, i32
  }
  func.func @transform_5(%arg0: i32) -> (i32, i32) {
    %c0_i32 = arith.constant 0 : i32
    %c0_i32_0 = arith.constant 0 : i32
    %c0_i32_1 = arith.constant 0 : i32
    return %c0_i32, %c0_i32_0 : i32, i32
  }
  func.func @transform_6(%arg0: i32) -> (i32, i32) {
    %c0_i32 = arith.constant 0 : i32
    %c0_i32_0 = arith.constant 0 : i32
    %c0_i32_1 = arith.constant 0 : i32
    return %c0_i32, %c0_i32_0 : i32, i32
  }
  func.func @transform_7(%arg0: i32) -> (i32, i32) {
    %c0_i32 = arith.constant 0 : i32
    %c0_i32_0 = arith.constant 0 : i32
    %c0_i32_1 = arith.constant 0 : i32
    return %c0_i32, %c0_i32_0 : i32, i32
  }
  func.func @transform_8(%arg0: i32) -> (i32, i32) {
    %c0_i32 = arith.constant 0 : i32
    %c0_i32_0 = arith.constant 0 : i32
    return %arg0, %c0_i32 : i32, i32
  }
}

module attributes {stable_mosaic.version = 14 : i64} {
  func.func @body(%arg0: memref<2x144x144xf32, #tpu.memory_space<vmem>>, %arg1: memref<128x128xf32, #tpu.memory_space<vmem>>, %arg2: memref<1x128xf32, #tpu.memory_space<vmem>>, %arg3: memref<128x128xf32, #tpu.memory_space<vmem>>, %arg4: memref<1x128xf32, #tpu.memory_space<vmem>>, %arg5: memref<128x128xf32, #tpu.memory_space<vmem>>) attributes {dimension_semantics = [], scalar_prefetch = 0 : i64, scratch_operands = 0 : i64, tpu.core_type = #tpu.core_type<tc>} {
    %get3A = arith.constant 0 : index
    %get3A_0 = arith.constant 0 : index
    %get3A_1 = arith.constant 0 : index
    %get3A_2 = vector.load %arg0[%get3A, %get3A_0, %get3A_1] : memref<2x144x144xf32, #tpu.memory_space<vmem>>, vector<1x144x144xf32>
    %get3A_3 = vector.shape_cast %get3A_2 : vector<1x144x144xf32> to vector<144x144xf32>
    %get3A_4 = arith.constant 1 : index
    %get3A_5 = arith.constant 0 : index
    %get3A_6 = arith.constant 0 : index
    %get3A_7 = vector.load %arg0[%get3A_4, %get3A_5, %get3A_6] : memref<2x144x144xf32, #tpu.memory_space<vmem>>, vector<1x144x144xf32>
    %get3A_8 = vector.shape_cast %get3A_7 : vector<1x144x144xf32> to vector<144x144xf32>
    %slice3A = vector.extract_strided_slice %get3A_3 {offsets = [0, 0], sizes = [128, 128], strides = [1, 1]} : vector<144x144xf32> to vector<128x128xf32>
    %slice3A_9 = vector.extract_strided_slice %get3A_8 {offsets = [0, 0], sizes = [128, 128], strides = [1, 1]} : vector<144x144xf32> to vector<128x128xf32>
    %add3A = arith.addf %slice3A, %slice3A_9 : vector<128x128xf32>
    %slice3A_10 = vector.extract_strided_slice %get3A_3 {offsets = [0, 128], sizes = [128, 1], strides = [1, 1]} : vector<144x144xf32> to vector<128x1xf32>
    %slice3A_11 = vector.extract_strided_slice %get3A_8 {offsets = [0, 128], sizes = [128, 1], strides = [1, 1]} : vector<144x144xf32> to vector<128x1xf32>
    %add3A_12 = arith.addf %slice3A_10, %slice3A_11 : vector<128x1xf32>
    %max3A = arith.constant 1.000000e+00 : f32
    %max3A_13 = vector.broadcast %max3A : f32 to vector<128x1xf32>
    %max3A_14 = arith.maximumf %add3A_12, %max3A_13 : vector<128x1xf32>
    %div3A = vector.broadcast %max3A_14 : vector<128x1xf32> to vector<128x128xf32>
    %div3A_15 = arith.divf %add3A, %div3A : vector<128x128xf32>
    %get3A_16 = arith.constant 0 : index
    %get3A_17 = arith.constant 0 : index
    %get3A_18 = vector.load %arg1[%get3A_16, %get3A_17] : memref<128x128xf32, #tpu.memory_space<vmem>>, vector<128x128xf32>
    %dot_general3A = arith.constant dense<0.000000e+00> : vector<128x128xf32>
    %dot_general3A_19 = tpu.matmul %div3A_15, %get3A_18, %dot_general3A {dimension_numbers = #tpu.dot_dimension_numbers<[1], [0], [0], [1], [0, 0, 1, 1], [], []>, transpose_lhs_hint = false} : vector<128x128xf32>, vector<128x128xf32>, vector<128x128xf32> -> vector<128x128xf32>
    %get3A_20 = arith.constant 0 : index
    %get3A_21 = arith.constant 0 : index
    %get3A_22 = vector.load %arg2[%get3A_20, %get3A_21] : memref<1x128xf32, #tpu.memory_space<vmem>>, vector<1x128xf32>
    %add3A_23 = vector.broadcast %get3A_22 : vector<1x128xf32> to vector<128x128xf32>
    %add3A_24 = arith.addf %dot_general3A_19, %add3A_23 : vector<128x128xf32>
    %max3A_25 = arith.constant 0.000000e+00 : f32
    %max3A_26 = vector.broadcast %max3A_25 : f32 to vector<128x128xf32>
    %max3A_27 = arith.maximumf %add3A_24, %max3A_26 : vector<128x128xf32>
    %get3A_28 = arith.constant 0 : index
    %get3A_29 = arith.constant 0 : index
    %get3A_30 = vector.load %arg3[%get3A_28, %get3A_29] : memref<128x128xf32, #tpu.memory_space<vmem>>, vector<128x128xf32>
    %dot_general3A_31 = arith.constant dense<0.000000e+00> : vector<128x128xf32>
    %dot_general3A_32 = tpu.matmul %max3A_27, %get3A_30, %dot_general3A_31 {dimension_numbers = #tpu.dot_dimension_numbers<[1], [0], [0], [1], [0, 0, 1, 1], [], []>, transpose_lhs_hint = false} : vector<128x128xf32>, vector<128x128xf32>, vector<128x128xf32> -> vector<128x128xf32>
    %get3A_33 = arith.constant 0 : index
    %get3A_34 = arith.constant 0 : index
    %get3A_35 = vector.load %arg4[%get3A_33, %get3A_34] : memref<1x128xf32, #tpu.memory_space<vmem>>, vector<1x128xf32>
    %add3A_36 = vector.broadcast %get3A_35 : vector<1x128xf32> to vector<128x128xf32>
    %add3A_37 = arith.addf %dot_general3A_32, %add3A_36 : vector<128x128xf32>
    %swap3A = arith.constant 0 : index
    %swap3A_38 = arith.constant 0 : index
    %swap3A_39 = vector.load %arg5[%swap3A, %swap3A_38] : memref<128x128xf32, #tpu.memory_space<vmem>>, vector<128x128xf32>
    tpu.vector_store %arg5[%swap3A, %swap3A_38], %add3A_37 {strides = array<i32>} : memref<128x128xf32, #tpu.memory_space<vmem>>, vector<128x128xf32>,
    return
  }
}

</mosaic_0001>

<sc_bundles>
// kernel: kernel.10.cloned.1.call-start
scs
__scs_entry_jumppad:
0x0: {  	(pc) =	sbr.rel $0x88, $3  }
0x1: {  	(tag) =	ssettag $0x0;
	lr =	simm.s32 $0x1  }
0x2: {  	[smem:$0x3F8B] =	sst lr;
	_ =	strace $0xD0000000  }
0x3: {  	_ = 	snop  }
0x4: {  	_ = 	snop  }
0x5: {  	_ = 	snop  }
0x6: {  	_ = 	snop  }
0x7: {  	_ = 	snop  }
__scs_overlays_trampoline_lowered:
0x8: {  	[smem:$0x3F9A] =	sst s0  }
0x9: {  	[smem:$0x3F9B] =	sst s1  }
0xa: {  	[smem:$0x3F9C] =	sst s2  }
0xb: {  	[smem:$0x3F9D] =	sst s3  }
0xc: {  	[smem:$0x3F9E] =	sst s4  }
0xd: {  	[smem:$0x3F9F] =	sst s5  }
0xe: {  	[smem:$0x3FA0] =	sst s6  }
0xf: {  	[smem:$0x3FA1] =	sst s7  }
0x10: {  	[smem:$0x3FA2] =	sst s8  }
0x11: {  	[smem:$0x3FA3] =	sst s9;
	s0 =	simm.s32 @!p0 $0x0  }
0x12: {  	s1 =	sld [smem:$0x3F89];
	s0 =	simm.s32 @p0 $0x1  }
0x13: {  	[smem:$0x3FA4] =	sst s0;
	s0 =	simm.s32 @!p1 $0x0  }
0x14: {  	s2 =	sld [smem:$0x3F88];
	s0 =	simm.s32 @p1 $0x1  }
0x15: {  	[smem:$0x3FA5] =	sst s0;
	s0 =	simm.s32 @!p2 $0x0  }
0x16: {  	s3 =	sld [smem:$0x3FDB];
	s0 =	simm.s32 @p2 $0x1  }
0x17: {  	s4 =	simm.s32 $0x1BF5;
	[smem:$0x3FA7] =	sst s0  }
0x18: {  	s0 =	sld [smem:$0x3F8A];
	_ =	swait.ge [sflag:s4], $0x0  }
0x19: {  	s7 =	sld [smem:$0x3F8B]  }
0x1a: {  	s8 =	sadd.s32 $0xFFFFE003, lr  }
0x1b: {  	s9 =	sadd.s32 $0xFFFFFEF7, lr;
	s5 =	simm.s32 $0xFFFFFFFF;
	p2 =	slt.u32 s8, $0xFFFFF086  }
0x1c: {  	p1 =	slt.u32 s9, $0xF7A;
	s5 =	simm.s32 @!p2 $0x0  }
0x1d: {  	s5 =	simm.s32 @p1 $0x1;
	p0 =	seq.s32 s7, s2  }
0x1e: {  	s7 =	smul.u32 @!p0 $0xF7A, s2;
	p2 =	seq.s32 @!p0 s5, $0x0  }
0x1f: {  	s9 =	smul.u32 $0xF7A, s1;
	s8 =	simm.s32 @!p0 $0x1BF5;
	p2 =	por !p2, p0  }
0x20: {  	[sflag:s8] =	ssyncset.s32 @!p0 $0xFFFFF086;
	s6 =	sadd.s32 @!p0 s3, s7;
	s7 =	simm.s32 @!p0 $0x108  }
0x21: {  	s3 =	sadd.s32 s3, s9;
	s6 =	sadd.s32 @!p0 $0x88, s6;
	s7 =	simm.s32 @p2 $0x1082  }
0x22: {  	[simem:s7], [sflag:s8] =	dma.local @!p0 [hbm:s6], $0xF7A  }
0x23: {  	s9 =	sor.u32 $0xD0000000, s2;
	s6 =	simm.s32 $0x108;
	_ =	swait.ge @!p0 [sflag:s8], $0x0  }
0x24: {  	s3 =	sadd.s32 $0x88, s3;
	s6 =	simm.s32 @!p1 $0x1082;
	[sflag:s4] =	ssyncset.s32 $0xFFFFF086  }
0x25: {  	[simem:s6], [sflag:s4] =	dma.local [hbm:s3], $0xF7A  }
0x26: {  	[smem:$0x3F8B] =	sst s1;
	(tag) =	ssettag s2;
	_ =	strace s9  }
0x27: {  	s1 =	sld [smem:$0x3F9B]  }
0x28: {  	s2 =	sld [smem:$0x3F9C]  }
0x29: {  	s4 =	sld [smem:$0x3F9E]  }
0x2a: {  	p0 =	seq.s32 s5, $0x0;
	s5 =	sld [smem:$0x3F9F]  }
0x2b: {  	s6 =	sld [smem:$0x3FA0]  }
0x2c: {  	s7 =	sld [smem:$0x3FA1]  }
0x2d: {  	s3 =	simm.s32 $0x108;
	s8 =	sld [smem:$0x3FA2]  }
0x2e: {  	s3 =	simm.s32 @!p0 $0x1082;
	s9 =	sld [smem:$0x3FA3]  }
0x2f: {  	lr =	sadd.s32 s0, s3;
	s0 =	sld [smem:$0x3F9A]  }
0x30: {  	s3 =	sld [smem:$0x3F9D]  }
0x31: {  	[smem:$0x3FA6] =	sst s10  }
0x32: {  	s10 =	sld [smem:$0x3FA4];
	_ =	sdelay $0x3  }
0x33: {  	p0 =	seq.s32 s10, $0x1;
	s10 =	sld [smem:$0x3FA6];
	_ =	sdelay $0x3  }
0x34: {  	[smem:$0x3FA6] =	sst s10  }
0x35: {  	s10 =	sld [smem:$0x3FA5];
	_ =	sdelay $0x3  }
0x36: {  	p1 =	seq.s32 s10, $0x1;
	s10 =	sld [smem:$0x3FA6];
	_ =	sdelay $0x3  }
0x37: {  	[smem:$0x3FA6] =	sst s10  }
0x38: {  	s10 =	sld [smem:$0x3FA7]  }
0x39: {  	_ = 	snop;
	(pc) =	sbr.ind lr, $3  }
0x3a: {  	_ = 	snop  }
0x3b: {  	_ = 	snop  }
0x3c: {  	p2 =	seq.s32 s10, $0x1;
	s10 =	sld [smem:$0x3FA6]  }
0x3d: {  	_ =	shalt  }
0x3e: {  	_ =	shalt  }
0x3f: {  	_ =	shalt  }
0x40: {  	_ =	shalt  }
0x41: {  	_ =	shalt  }
0x42: {  	_ =	shalt  }
0x43: {  	_ =	shalt  }
0x44: {  	_ =	shalt  }
0x45: {  	_ =	shalt  }
0x46: {  	_ =	shalt  }
0x47: {  	_ =	shalt  }
0x48: {  	_ =	shalt  }
0x49: {  	_ =	shalt  }
0x4a: {  	_ =	shalt  }
0x4b: {  	_ =	shalt  }
0x4c: {  	_ =	shalt  }
0x4d: {  	_ =	shalt  }
0x4e: {  	_ =	shalt  }
0x4f: {  	_ =	shalt  }
0x50: {  	_ =	shalt  }
0x51: {  	_ =	shalt  }
0x52: {  	_ =	shalt  }
0x53: {  	_ =	shalt  }
0x54: {  	_ =	shalt  }
0x55: {  	_ =	shalt  }
0x56: {  	_ =	shalt  }
0x57: {  	_ =	shalt  }
0x58: {  	_ =	shalt  }
0x59: {  	_ =	shalt  }
0x5a: {  	_ =	shalt  }
0x5b: {  	_ =	shalt  }
0x5c: {  	_ =	shalt  }
0x5d: {  	_ =	shalt  }
0x5e: {  	_ =	shalt  }
0x5f: {  	_ =	shalt  }
0x60: {  	_ =	shalt  }
0x61: {  	_ =	shalt  }
0x62: {  	_ =	shalt  }
0x63: {  	_ =	shalt  }
0x64: {  	_ =	shalt  }
0x65: {  	_ =	shalt  }
0x66: {  	_ =	shalt  }
0x67: {  	_ =	shalt  }
0x68: {  	_ =	shalt  }
0x69: {  	_ =	shalt  }
0x6a: {  	_ =	shalt  }
0x6b: {  	_ =	shalt  }
0x6c: {  	_ =	shalt  }
0x6d: {  	_ =	shalt  }
0x6e: {  	_ =	shalt  }
0x6f: {  	_ =	shalt  }
0x70: {  	_ =	shalt  }
0x71: {  	_ =	shalt  }
0x72: {  	_ =	shalt  }
0x73: {  	_ =	shalt  }
0x74: {  	_ =	shalt  }
0x75: {  	_ =	shalt  }
0x76: {  	_ =	shalt  }
0x77: {  	_ =	shalt  }
0x78: {  	_ =	shalt  }
0x79: {  	_ =	shalt  }
0x7a: {  	_ =	shalt  }
0x7b: {  	_ =	shalt  }
0x7c: {  	_ =	shalt  }
0x7d: {  	_ =	shalt  }
0x7e: {  	_ =	shalt  }
0x7f: {  	_ =	shalt  }
0x80: {  	_ =	shalt  }
0x81: {  	_ =	shalt  }
0x82: {  	_ =	shalt  }
0x83: {  	_ =	shalt  }
0x84: {  	_ =	shalt  }
0x85: {  	_ =	shalt  }
0x86: {  	_ =	shalt  }
0x87: {  	_ =	shalt  }
.Lfunc_end0:
.L_simem_size_0:
called_computation_lowered:
.L_overlay_start_0:
0x88: {  	s2 =	sld [smem:$0x3FD9]  }
0x89: {  	s3 =	sld [smem:$0x3FFE];
	_ =	sdelay $0x1  }
0x8a: {  	s1 =	srdreg.scid  }
0x8b: {  	s0 =	sand.u32 $0x1, s1  }
0x8c: {  	s16 =	sshll.u32 s0, $0xA;
	s2 =	sadd.s32 s3, s2  }
0x8d: {  	s2 =	sadd.s32 s2, s16  }
0x8e: {  	[smem:$0x3FB2] =	sst s2  }
0x8f: {  	_ = 	snop  }
0x90: {  	(tm) =	ssettm $0x1  }
0x91: {  	s17 =	sld [smem:$0x3FFB];
	_ =	sdelay $0x3  }
0x92: {  	_ =	strace s17  }
0x93: {  	s2 =	sld [smem:$0x3FFC];
	_ =	sdelay $0x3  }
0x94: {  	_ =	strace s2  }
0x95: {  	s2 =	sld [smem:$0x3FFD];
	_ =	sdelay $0x3  }
0x96: {  	_ =	strace s2  }
0x97: {  	_ =	strace $0x8FFFFFFF  }
0x98: {  	s18 =	sld [smem:$0x3FDB];
	_ =	sdelay $0x1  }
0x99: {  	s19 =	simm.s32 $_scs_section_size  }
0x9a: {  	s4 =	simm.s32 $_size__tile_overlayer_lowered;
	s5 =	simm.s32 $_tile_overlayer_lowered  }
0x9b: {  	s22 =	simm.s32 $0x1BFF;
	s21 =	sshll.u32 s5, $0x1;
	s2 =	sadd.s32 s19, s18  }
0x9c: {  	s6 =	simm.s32 $0x0;
	s20 =	sshll.u32 s4, $0x1;
	s4 =	sadd.s32 s21, s2  }
0x9d: {  	[timem:s6], [sflag:s22] =	dma.local [hbm:s4], s20  }
0x9e: {  	_ =	swait.ge [sflag:s22], s20  }
0x9f: {  	s3 =	ssub.s32 $0x0, s20;
	[sflag:s22] =	ssyncset.done $0x0  }
0xa0: {  	[sflag:s22] =	ssyncadd.s32 s3;
	_ =	sdelay $0x1  }
0xa1: {  	s23 =	simm.s32 $0x1B8B  }
0xa2: {  	_ =	swait.ge [sflag:s23], $0x1  }
0xa3: {  	[sflag:s23] =	ssyncset.done $0x0  }
0xa4: {  	s25 =	simm.s32 $0x1B8E;
	s24 =	sld [smem:$0x3FFE];
	[sflag:s23] =	ssyncadd.s32 $0xFFFFFFFF  }
0xa5: {  	s26 =	simm.s32 $execute0_lowered;
	[smem:$0x3FD2] =	sst s25  }
0xa6: {  	s4 =	sshll.u32 s26, $0x1;
	_ =	strace $0x80000046;
	[dreg:$0x1] =	wrdreg $0xFFFFFFFF  }
0xa7: {  	s28 =	simm.s32 $_size_execute0_lowered;
	s2 =	sadd.s32 s2, s4;
	[dreg:$0x0] =	wrdreg $0x0  }
0xa8: {  	s4 =	sshll.u32 s28, $0x1;
	[dreg:$0x2] =	wrdreg s2  }
0xa9: {  	[dreg:$0x3] =	wrdreg s4  }
0xaa: {  	[dreg:$0x4] =	wrdreg $0xC0  }
0xab: {  	_ =	task [dreg:s6], $0x5FFFF  }
0xac: {  	[dreg:$0x1] =	wrdreg $0xFFFFFFFF  }
0xad: {  	[dreg:$0x0] =	wrdreg $0x60  }
0xae: {  	[dreg:$0x2] =	wrdreg s24  }
0xaf: {  	[dreg:$0x3] =	wrdreg $0x50000  }
0xb0: {  	[dreg:$0x4] =	wrdreg $0x9  }
0xb1: {  	_ =	task.clear_ibuf [dreg:s6], $0x5FFFF;
	_ =	strace $0x90000046  }
0xb2: {  	s29 =	simm.s32 $0x9;
	_ =	strace $0x80000048  }
0xb3: {  	_ =	swait.ge [sflag:s29], $0x1  }
0xb4: {  	[sflag:s29] =	ssyncadd.s32 $0xFFFFFFFF  }
0xb5: {  	_ =	strace $0x90000048  }
0xb6: {  	_ =	sfence  }
0xb7: {  	s30 =	sld [smem:$0x0];
	_ =	sdelay $0x2  }
0xb8: {  	s31 =	sshll.u32 s1, $0xD;
	s1 =	sshrl.u32 s1, $0x2  }
0xb9: {  	s3 =	sand.u32 $0x4000, s31;
	s1 =	sadd.s32 s1, s30  }
0xba: {  	s0 =	sor.u32 s3, s0;
	s1 =	sshll.u32 s1, $0x11  }
0xbb: {  	s0 =	sor.u32 s1, s0  }
0xbc: {  	s0 =	sadd.s32 $0x8F2B, s0  }
0xbd: {  	[sflag:s0] =	ssyncadd.remote.s32 $0x1  }
0xbe: {  	_ =	sfence.sel $0xFFFF  }
0xbf: {  	[dreg:$0x0] =	wrdreg $0xFFFFFFFF;
	(pc) =	sbr.abs _section_cstart, $3  }
0xc0: {  	[dreg:$0x1] =	wrdreg $0xFFFFFFFF  }
0xc1: {  	_ =	task.clear_ibuf [dreg:s6], $0x2FFFF;
	_ =	strace $0x9FFFFFFF  }
0xc2: {  	(tm) =	ssettm $0x7FFFFFFF  }
0xc3: {  	_ =	shalt  }
tec
execute0_lowered:
.L_overlay_start_1:
0x0: {  	(tag) =	ssettag $0x1  }
0x1: {  	s0 =	rddreg [dreg:$0x0]  }
0x2: {  	s2 =	rddreg [dreg:$0x1];
	s3 =	simm.s32 $0x0;
	s12 =	stileid.u32  }
0x3: {  	s1 =	srdreg.scid;
	s13 =	simm.s32 $0xB;
	s14 =	simm.s32 $0xA00  }
0x4: {  	s15 =	simm.s32 $0x40;
	s16 =	simm.s32 $0x1400;
	s17 =	simm.s32 $0x2000  }
0x5: {  	s18 =	simm.s32 $0x2C00;
	s19 =	simm.s32 $0x3800;
	s20 =	simm.s32 $0x4400  }
0x6: {  	s21 =	simm.s32 $0x1;
	s22 =	simm.s32 $0x2;
	s23 =	simm.s32 $0x3  }
0x7: {  	s24 =	simm.s32 $0x4;
	s28 =	simm.s32 $0x7;
	s29 =	simm.s32 $0x8  }
0x8: {  	s30 =	simm.s32 $0x9;
	s31 =	simm.s32 $0xA;
	[smem:$0x7FF] =	sst s3  }
0x9: {  	s7 =	smul.u32 $0x7560, s12;
	s1 =	sand.u32 $0x1, s1;
	s4 =	sadd.s32 $0x5000, s0  }
0xa: {  	s5 =	sadd.s32 $0x27C00, s0;
	s6 =	sadd.s32 $0x13C00, s0;
	s25 =	sshll.u32 s12, $0x6  }
0xb: {  	_ =	strace $0x80000047;
	s8 =	smul.u32 $0x75600, s1;
	s10 =	ssub.s32 $0x2, s1  }
0xc: {  	s1 =	sshll.u32 s1, $0x4;
	s9 =	sshrl.u32 s7, $0x3;
	s11 =	sshrl.u32 s10, $0x1  }
0xd: {  	s1 =	sor.u32 s12, s1;
	s8 =	sadd.s32 s7, s8;
	s9 =	sadd.s32 s9, s0  }
0xe: {  	s10 =	ssub.s32 s10, s11;
	s7 =	sadd.s32 s7, s2;
	s8 =	sshrl.u32 s8, $0x3  }
0xf: {  	s9 =	sadd.s32 $0x3BC00, s9;
	s26 =	smax.u32 s10, $0x1;
	s12 =	sshrl.u32 s7, $0x3  }
0x10: {  	s0 =	sadd.s32 s8, s0;
	[dreg:$0x3] =	wrdreg s9;
	s8 =	sor.u32 $0x1C0B, s25  }
0x11: {  	s9 =	smul.u32 $0x5000, s1;
	[dreg:$0x5] =	wrdreg s26;
	s0 =	sadd.s32 $0x4A800, s0  }
0x12: {  	s25 =	simm.s32 $0x5;
	s26 =	simm.s32 $0x6;
	[dreg:$0x4] =	wrdreg s0  }
.LBB2_1:
0x13: {  	s0 =	rddreg [dreg:$0x3]  }
0x14: {  	[spmem:s12], [sflag:s8] =	dma.local [hbm:s0], $0xEAC  }
0x15: {  	_ =	swait.ge [sflag:s13], $0xEAC  }
0x16: {  	[sflag:s13] =	ssyncset.done $0x0  }
0x17: {  	[sflag:s13] =	ssyncadd.s32 $0xFFFFF154  }
0x18: {  	s0 =	simm.s32 $0x0;
	[bflag:$0x0] =	sbarrier.arrive $0xFFFF  }
.LBB2_2:
0x19: {  	s1 =	smul.u32 $0xA00, s0;
	_ =	sdelay $0x1  }
0x1a: {  	s1 =	sadd.s32 s9, s1  }
0x1b: {  	s1 =	sshrl.u32 s1, $0x3  }
0x1c: {  	s10 =	simm.s32 $0x0;
	s7 =	sadd.s32 s5, s1  }
0x1d: {  	[tilespmem:s10], [sflag:$0xB] =	stream.linear.gather [hbm4b:s7+s10], $0xA00, $0x38;
	[tilespmem:$0xC560] =	vst v63  }
0x1e: {  	_ =	swait.ge [sflag:s13], $0xA00  }
0x1f: {  	[sflag:s13] =	ssyncset.done $0x0  }
0x20: {  	s1 =	sadd.s32 s6, s1;
	[sflag:s13] =	ssyncadd.s32 $0xFFFFF600  }
0x21: {  	[tilespmem:s14], [sflag:$0xB] =	stream.linear.gather [hbm4b:s1+s10], $0xA00, $0x38;
	[tilespmem:$0xC560] =	vst v63  }
0x22: {  	_ =	swait.ge [sflag:s13], $0xA00  }
0x23: {  	[sflag:s13] =	ssyncset.done $0x0  }
0x24: {  	s11 =	simm.s32 $0x0;
	[sflag:s13] =	ssyncadd.s32 $0xFFFFF600  }
0x25: {  	[tilespmem:s16], [sflag:$0x1] =	stream.indirect.gather [hbm4b:s4+s15], $0x30, s11, s15, $0xb8;
	[tilespmem:$0xC560] =	vst v63  }
0x26: {  	s7 =	simm.s32 $0x40  }
0x27: {  	[tilespmem:s17], [sflag:$0x2] =	stream.indirect.gather [hbm4b:s4+s15], $0x30, s7, s15, $0xb8;
	[tilespmem:$0xC560] =	vst v63  }
0x28: {  	s10 =	simm.s32 $0x80  }
0x29: {  	[tilespmem:s18], [sflag:$0x3] =	stream.indirect.gather [hbm4b:s4+s15], $0x30, s10, s15, $0xb8;
	[tilespmem:$0xC560] =	vst v63  }
0x2a: {  	s11 =	simm.s32 $0xC0  }
0x2b: {  	[tilespmem:s19], [sflag:$0x4] =	stream.indirect.gather [hbm4b:s4+s15], $0x30, s11, s15, $0xb8;
	[tilespmem:$0xC560] =	vst v63  }
0x2c: {  	s7 =	simm.s32 $0x100  }
0x2d: {  	[tilespmem:s20], [sflag:$0x5] =	stream.indirect.gather [hbm4b:s4+s15], $0x30, s7, s15, $0xb8;
	[tilespmem:$0xC560] =	vst v63  }
0x2e: {  	_ =	swait.ge [sflag:s21], $0xC00  }
0x2f: {  	[sflag:s21] =	ssyncset.done $0x0  }
0x30: {  	s10 =	simm.s32 $0xA00;
	[sflag:s21] =	ssyncadd.s32 $0xFFFFF400  }
0x31: {  	[spmem:s2] =	stream.indirect.scatter.add.f32 [tilespmem:s16], [sflag:$0x6], $0x30, s10, s15, $0xb8;
	[tilespmem:$0xC560] =	vst v63  }
0x32: {  	_ =	swait.ge [sflag:s22], $0xC00  }
0x33: {  	[sflag:s22] =	ssyncset.done $0x0  }
0x34: {  	s11 =	simm.s32 $0xA40;
	[sflag:s22] =	ssyncadd.s32 $0xFFFFF400  }
0x35: {  	[spmem:s2] =	stream.indirect.scatter.add.f32 [tilespmem:s17], [sflag:$0x7], $0x30, s11, s15, $0xb8;
	[tilespmem:$0xC560] =	vst v63  }
0x36: {  	_ =	swait.ge [sflag:s23], $0xC00  }
0x37: {  	[sflag:s23] =	ssyncset.done $0x0  }
0x38: {  	s7 =	simm.s32 $0xA80;
	[sflag:s23] =	ssyncadd.s32 $0xFFFFF400  }
0x39: {  	[spmem:s2] =	stream.indirect.scatter.add.f32 [tilespmem:s18], [sflag:$0x8], $0x30, s7, s15, $0xb8;
	[tilespmem:$0xC560] =	vst v63  }
0x3a: {  	_ =	swait.ge [sflag:s24], $0xC00  }
0x3b: {  	[sflag:s24] =	ssyncset.done $0x0  }
0x3c: {  	s10 =	simm.s32 $0xAC0;
	[sflag:s24] =	ssyncadd.s32 $0xFFFFF400  }
0x3d: {  	[spmem:s2] =	stream.indirect.scatter.add.f32 [tilespmem:s19], [sflag:$0x9], $0x30, s10, s15, $0xb8;
	[tilespmem:$0xC560] =	vst v63  }
0x3e: {  	_ =	swait.ge [sflag:s25], $0xC00  }
0x3f: {  	[sflag:s25] =	ssyncset.done $0x0  }
0x40: {  	s11 =	simm.s32 $0xB00;
	[sflag:s25] =	ssyncadd.s32 $0xFFFFF400  }
0x41: {  	[spmem:s2] =	stream.indirect.scatter.add.f32 [tilespmem:s20], [sflag:$0xA], $0x30, s11, s15, $0xb8;
	[tilespmem:$0xC560] =	vst v63  }
0x42: {  	_ =	swait.ge [sflag:s26], $0xC00  }
0x43: {  	[sflag:s26] =	ssyncset.done $0x0  }
0x44: {  	[sflag:s26] =	ssyncadd.s32 $0xFFFFF400  }
0x45: {  	_ =	swait.ge [sflag:s28], $0xC00  }
0x46: {  	[sflag:s28] =	ssyncset.done $0x0  }
0x47: {  	[sflag:s28] =	ssyncadd.s32 $0xFFFFF400  }
0x48: {  	_ =	swait.ge [sflag:s29], $0xC00  }
0x49: {  	[sflag:s29] =	ssyncset.done $0x0  }
0x4a: {  	[sflag:s29] =	ssyncadd.s32 $0xFFFFF400  }
0x4b: {  	_ =	swait.ge [sflag:s30], $0xC00  }
0x4c: {  	[sflag:s30] =	ssyncset.done $0x0  }
0x4d: {  	[sflag:s30] =	ssyncadd.s32 $0xFFFFF400  }
0x4e: {  	_ =	swait.ge [sflag:s31], $0xC00  }
0x4f: {  	s1 =	simm.s32 $0x500;
	s7 =	simm.s32 $0xA00;
	[sflag:s31] =	ssyncset.done $0x0  }
.LBB2_3:
0x50: {  	s10 =	sshra.s32 s1, $0x2  }
0x51: {  	[sflag:s31] =	ssyncadd.s32 $0xFFFFF400;
	s1 =	smov.u32 s7;
	s11 =	sadd.s32 $0x500, s7  }
0x52: {  	[tilespmem:s16], [sflag:$0x1] =	stream.indirect.gather [hbm4b:s4+s15], $0x30, s10, s15, $0xb8;
	[tilespmem:$0xC560] =	vst v63  }
0x53: {  	p0 =	sne.s32 s7, $0x2300;
	s7 =	sadd.s32 $0x40, s10  }
0x54: {  	[tilespmem:s17], [sflag:$0x2] =	stream.indirect.gather [hbm4b:s4+s15], $0x30, s7, s15, $0xb8;
	[tilespmem:$0xC560] =	vst v63  }
0x55: {  	s7 =	sadd.s32 $0x80, s10  }
0x56: {  	[tilespmem:s18], [sflag:$0x3] =	stream.indirect.gather [hbm4b:s4+s15], $0x30, s7, s15, $0xb8;
	[tilespmem:$0xC560] =	vst v63  }
0x57: {  	s7 =	sadd.s32 $0xC0, s10  }
0x58: {  	[tilespmem:s19], [sflag:$0x4] =	stream.indirect.gather [hbm4b:s4+s15], $0x30, s7, s15, $0xb8;
	[tilespmem:$0xC560] =	vst v63  }
0x59: {  	s7 =	sadd.s32 $0x100, s10  }
0x5a: {  	[tilespmem:s20], [sflag:$0x5] =	stream.indirect.gather [hbm4b:s4+s15], $0x30, s7, s15, $0xb8;
	[tilespmem:$0xC560] =	vst v63  }
0x5b: {  	_ =	swait.ge [sflag:s21], $0xC00  }
0x5c: {  	[sflag:s21] =	ssyncset.done $0x0  }
0x5d: {  	s7 =	sadd.s32 $0xA00, s10;
	[sflag:s21] =	ssyncadd.s32 $0xFFFFF400  }
0x5e: {  	[spmem:s2] =	stream.indirect.scatter.add.f32 [tilespmem:s16], [sflag:$0x6], $0x30, s7, s15, $0xb8;
	[tilespmem:$0xC560] =	vst v63  }
0x5f: {  	_ =	swait.ge [sflag:s22], $0xC00  }
0x60: {  	[sflag:s22] =	ssyncset.done $0x0  }
0x61: {  	s7 =	sadd.s32 $0xA40, s10;
	[sflag:s22] =	ssyncadd.s32 $0xFFFFF400  }
0x62: {  	[spmem:s2] =	stream.indirect.scatter.add.f32 [tilespmem:s17], [sflag:$0x7], $0x30, s7, s15, $0xb8;
	[tilespmem:$0xC560] =	vst v63  }
0x63: {  	_ =	swait.ge [sflag:s23], $0xC00  }
0x64: {  	[sflag:s23] =	ssyncset.done $0x0  }
0x65: {  	s7 =	sadd.s32 $0xA80, s10;
	[sflag:s23] =	ssyncadd.s32 $0xFFFFF400  }
0x66: {  	[spmem:s2] =	stream.indirect.scatter.add.f32 [tilespmem:s18], [sflag:$0x8], $0x30, s7, s15, $0xb8;
	[tilespmem:$0xC560] =	vst v63  }
0x67: {  	_ =	swait.ge [sflag:s24], $0xC00  }
0x68: {  	[sflag:s24] =	ssyncset.done $0x0  }
0x69: {  	s7 =	sadd.s32 $0xAC0, s10;
	[sflag:s24] =	ssyncadd.s32 $0xFFFFF400  }
0x6a: {  	[spmem:s2] =	stream.indirect.scatter.add.f32 [tilespmem:s19], [sflag:$0x9], $0x30, s7, s15, $0xb8;
	[tilespmem:$0xC560] =	vst v63  }
0x6b: {  	_ =	swait.ge [sflag:s25], $0xC00  }
0x6c: {  	[sflag:s25] =	ssyncset.done $0x0  }
0x6d: {  	s7 =	sadd.s32 $0xB00, s10;
	[sflag:s25] =	ssyncadd.s32 $0xFFFFF400  }
0x6e: {  	[spmem:s2] =	stream.indirect.scatter.add.f32 [tilespmem:s20], [sflag:$0xA], $0x30, s7, s15, $0xb8;
	[tilespmem:$0xC560] =	vst v63  }
0x6f: {  	_ =	swait.ge [sflag:s26], $0xC00  }
0x70: {  	[sflag:s26] =	ssyncset.done $0x0  }
0x71: {  	[sflag:s26] =	ssyncadd.s32 $0xFFFFF400  }
0x72: {  	_ =	swait.ge [sflag:s28], $0xC00  }
0x73: {  	[sflag:s28] =	ssyncset.done $0x0  }
0x74: {  	[sflag:s28] =	ssyncadd.s32 $0xFFFFF400  }
0x75: {  	_ =	swait.ge [sflag:s29], $0xC00  }
0x76: {  	[sflag:s29] =	ssyncset.done $0x0  }
0x77: {  	[sflag:s29] =	ssyncadd.s32 $0xFFFFF400  }
.Ltmp0:
0x78: {  	_ =	swait.ge [sflag:s30], $0xC00;
	(pc) =	sbr.rel @p0 .LBB2_3-.Ltmp0, $4  }
0x79: {  	[sflag:s30] =	ssyncset.done $0x0  }
0x7a: {  	[sflag:s30] =	ssyncadd.s32 $0xFFFFF400  }
0x7b: {  	_ =	swait.ge [sflag:s31], $0xC00  }
0x7c: {  	s7 =	smov.u32 s11;
	[sflag:s31] =	ssyncset.done $0x0  }
0x7d: {  	s1 =	sshra.s32 s1, $0x2;
	[sflag:s31] =	ssyncadd.s32 $0xFFFFF400  }
0x7e: {  	[tilespmem:s16], [sflag:$0x1] =	stream.indirect.gather [hbm4b:s4+s15], $0x30, s1, s15, $0xb8;
	[tilespmem:$0xC560] =	vst v63  }
0x7f: {  	s7 =	sadd.s32 $0x40, s1  }
0x80: {  	[tilespmem:s17], [sflag:$0x2] =	stream.indirect.gather [hbm4b:s4+s15], $0x30, s7, s15, $0xb8;
	[tilespmem:$0xC560] =	vst v63  }
0x81: {  	s11 =	sadd.s32 $0x80, s1  }
0x82: {  	[tilespmem:s18], [sflag:$0x3] =	stream.indirect.gather [hbm4b:s4+s15], $0x30, s11, s15, $0xb8;
	[tilespmem:$0xC560] =	vst v63  }
0x83: {  	s10 =	sadd.s32 $0xC0, s1  }
0x84: {  	[tilespmem:s19], [sflag:$0x4] =	stream.indirect.gather [hbm4b:s4+s15], $0x30, s10, s15, $0xb8;
	[tilespmem:$0xC560] =	vst v63  }
0x85: {  	s11 =	sadd.s32 $0x100, s1  }
0x86: {  	[tilespmem:s20], [sflag:$0x5] =	stream.indirect.gather [hbm4b:s4+s15], $0x30, s11, s15, $0xb8;
	[tilespmem:$0xC560] =	vst v63  }
0x87: {  	_ =	swait.ge [sflag:s21], $0xC00  }
0x88: {  	[sflag:s21] =	ssyncset.done $0x0  }
0x89: {  	s10 =	sadd.s32 $0xA00, s1;
	[sflag:s21] =	ssyncadd.s32 $0xFFFFF400  }
0x8a: {  	[spmem:s2] =	stream.indirect.scatter.add.f32 [tilespmem:s16], [sflag:$0x6], $0x30, s10, s15, $0xb8;
	[tilespmem:$0xC560] =	vst v63  }
0x8b: {  	_ =	swait.ge [sflag:s22], $0xC00  }
0x8c: {  	[sflag:s22] =	ssyncset.done $0x0  }
0x8d: {  	s11 =	sadd.s32 $0xA40, s1;
	[sflag:s22] =	ssyncadd.s32 $0xFFFFF400  }
0x8e: {  	[spmem:s2] =	stream.indirect.scatter.add.f32 [tilespmem:s17], [sflag:$0x7], $0x30, s11, s15, $0xb8;
	[tilespmem:$0xC560] =	vst v63  }
0x8f: {  	_ =	swait.ge [sflag:s23], $0xC00  }
0x90: {  	[sflag:s23] =	ssyncset.done $0x0  }
0x91: {  	s10 =	sadd.s32 $0xA80, s1;
	[sflag:s23] =	ssyncadd.s32 $0xFFFFF400  }
0x92: {  	[spmem:s2] =	stream.indirect.scatter.add.f32 [tilespmem:s18], [sflag:$0x8], $0x30, s10, s15, $0xb8;
	[tilespmem:$0xC560] =	vst v63  }
0x93: {  	_ =	swait.ge [sflag:s24], $0xC00  }
0x94: {  	[sflag:s24] =	ssyncset.done $0x0  }
0x95: {  	s11 =	sadd.s32 $0xAC0, s1;
	[sflag:s24] =	ssyncadd.s32 $0xFFFFF400  }
0x96: {  	[spmem:s2] =	stream.indirect.scatter.add.f32 [tilespmem:s19], [sflag:$0x9], $0x30, s11, s15, $0xb8;
	[tilespmem:$0xC560] =	vst v63  }
0x97: {  	_ =	swait.ge [sflag:s25], $0xC00  }
0x98: {  	[sflag:s25] =	ssyncset.done $0x0  }
0x99: {  	s1 =	sadd.s32 $0xB00, s1;
	[sflag:s25] =	ssyncadd.s32 $0xFFFFF400  }
0x9a: {  	[spmem:s2] =	stream.indirect.scatter.add.f32 [tilespmem:s20], [sflag:$0xA], $0x30, s1, s15, $0xb8;
	[tilespmem:$0xC560] =	vst v63  }
0x9b: {  	_ =	swait.ge [sflag:s26], $0xC00  }
0x9c: {  	[sflag:s26] =	ssyncset.done $0x0  }
0x9d: {  	[sflag:s26] =	ssyncadd.s32 $0xFFFFF400  }
0x9e: {  	_ =	swait.ge [sflag:s28], $0xC00  }
0x9f: {  	[sflag:s28] =	ssyncset.done $0x0  }
0xa0: {  	[sflag:s28] =	ssyncadd.s32 $0xFFFFF400  }
0xa1: {  	_ =	swait.ge [sflag:s29], $0xC00  }
0xa2: {  	[sflag:s29] =	ssyncset.done $0x0  }
0xa3: {  	s0 =	sadd.s32 $0x1, s0;
	[sflag:s29] =	ssyncadd.s32 $0xFFFFF400  }
0xa4: {  	p0 =	sne.s32 s0, $0x8;
	_ =	swait.ge [sflag:s30], $0xC00  }
.Ltmp1:
0xa5: {  	[sflag:s30] =	ssyncset.done $0x0;
	(pc) =	sbr.rel @p0 .LBB2_2-.Ltmp1, $4  }
0xa6: {  	[sflag:s30] =	ssyncadd.s32 $0xFFFFF400  }
0xa7: {  	_ =	swait.ge [sflag:s31], $0xC00  }
0xa8: {  	[sflag:s31] =	ssyncset.done $0x0  }
0xa9: {  	[sflag:s31] =	ssyncadd.s32 $0xFFFFF400  }
0xaa: {  	[bflag:$0x0] =	sbarrier.arrive $0xFFFF  }
0xab: {  	s0 =	rddreg [dreg:$0x4]  }
0xac: {  	[hbm:s0], [sflag:s8] =	dma.local [spmem:s12], $0xEAC  }
0xad: {  	_ =	swait.ge [sflag:s13], $0xEAC  }
0xae: {  	s3 =	sadd.s32 $0x1, s3;
	s11 =	rddreg [dreg:$0x5]  }
0xaf: {  	p0 =	sne.s32 s3, s11  }
.Ltmp2:
0xb0: {  	_ = 	snop;
	(pc) =	sbr.rel @p0 .LBB2_1-.Ltmp2, $3  }
0xb1: {  	_ =	sdelay $0x1  }
0xb2: {  	[sflag:s13] =	ssyncset.done $0x0  }
0xb3: {  	[sflag:s13] =	ssyncadd.s32 $0xFFFFF154  }
0xb4: {  	_ =	sfence.sel $0x180000  }
0xb5: {  	[bflag:$0x0] =	sbarrier.arrive $0xFFFF  }
0xb6: {  	_ =	strace $0x90000047  }
0xb7: {  	s0 =	stileid.u32;
	[bflag:$0x2] =	sbarrier.arrive $0xFFFF  }
0xb8: {  	p0 =	sne.s32 s0, $0x0;
	s0 =	rddreg [dreg:$0x2]  }
0xb9: {  	s0 =	sadd.s32 @!p0 $0x100000, s0  }
0xba: {  	[sflag:s0] =	ssyncadd.tile.s32 @!p0 $0x1;
	_ =	shalt  }
.Lfunc_end2:
_tile_overlayer_lowered:
.L_overlay_start_2:
0xbb: {  	(tag) =	ssettag $0x2  }
0xbc: {  	s0 =	rddreg [dreg:$0x0];
	s2 =	stileid.u32  }
0xbd: {  	s1 =	rddreg [dreg:$0x1];
	p0 =	sne.s32 s2, $0x0  }
0xbe: {  	s3 =	rddreg [dreg:$0x2];
	[bflag:$0x3] =	sbarrier.arrive $0xFFFF;
	s2 =	simm.s32 @!p0 $0x1C0B  }
0xbf: {  	[timem:s3], [sflag:s2] =	dma.local @!p0 [hbm:s0], s1  }
0xc0: {  	s0 =	simm.s32 @!p0 $0xB  }
0xc1: {  	_ =	swait.ge @!p0 [sflag:s0], s1  }
0xc2: {  	s1 =	ssub.s32 @!p0 $0x0, s1;
	[sflag:s0] =	ssyncset.done @!p0 $0x0  }
0xc3: {  	[sflag:s0] =	ssyncadd.s32 @!p0 s1  }
0xc4: {  	[bflag:$0x3] =	sbarrier.arrive $0xFFFF  }
0xc5: {  	_ =	shalt  }

// kernel: kernel.13.cloned.1.call-start
scs
__scs_entry_jumppad:
0x0: {  	(pc) =	sbr.rel $0x88, $3  }
0x1: {  	(tag) =	ssettag $0x0;
	lr =	simm.s32 $0x1  }
0x2: {  	[smem:$0x3F8B] =	sst lr;
	_ =	strace $0xD0000000  }
0x3: {  	_ = 	snop  }
0x4: {  	_ = 	snop  }
0x5: {  	_ = 	snop  }
0x6: {  	_ = 	snop  }
0x7: {  	_ = 	snop  }
__scs_overlays_trampoline_lowered:
0x8: {  	[smem:$0x3F9A] =	sst s0  }
0x9: {  	[smem:$0x3F9B] =	sst s1  }
0xa: {  	[smem:$0x3F9C] =	sst s2  }
0xb: {  	[smem:$0x3F9D] =	sst s3  }
0xc: {  	[smem:$0x3F9E] =	sst s4  }
0xd: {  	[smem:$0x3F9F] =	sst s5  }
0xe: {  	[smem:$0x3FA0] =	sst s6  }
0xf: {  	[smem:$0x3FA1] =	sst s7  }
0x10: {  	[smem:$0x3FA2] =	sst s8  }
0x11: {  	[smem:$0x3FA3] =	sst s9;
	s0 =	simm.s32 @!p0 $0x0  }
0x12: {  	s1 =	sld [smem:$0x3F89];
	s0 =	simm.s32 @p0 $0x1  }
0x13: {  	[smem:$0x3FA4] =	sst s0;
	s0 =	simm.s32 @!p1 $0x0  }
0x14: {  	s2 =	sld [smem:$0x3F88];
	s0 =	simm.s32 @p1 $0x1  }
0x15: {  	[smem:$0x3FA5] =	sst s0;
	s0 =	simm.s32 @!p2 $0x0  }
0x16: {  	s3 =	sld [smem:$0x3FDB];
	s0 =	simm.s32 @p2 $0x1  }
0x17: {  	s4 =	simm.s32 $0x1BF5;
	[smem:$0x3FA7] =	sst s0  }
0x18: {  	s0 =	sld [smem:$0x3F8A];
	_ =	swait.ge [sflag:s4], $0x0  }
0x19: {  	s7 =	sld [smem:$0x3F8B]  }
0x1a: {  	s8 =	sadd.s32 $0xFFFFE003, lr  }
0x1b: {  	s9 =	sadd.s32 $0xFFFFFEF7, lr;
	s5 =	simm.s32 $0xFFFFFFFF;
	p2 =	slt.u32 s8, $0xFFFFF086  }
0x1c: {  	p1 =	slt.u32 s9, $0xF7A;
	s5 =	simm.s32 @!p2 $0x0  }
0x1d: {  	s5 =	simm.s32 @p1 $0x1;
	p0 =	seq.s32 s7, s2  }
0x1e: {  	s7 =	smul.u32 @!p0 $0xF7A, s2;
	p2 =	seq.s32 @!p0 s5, $0x0  }
0x1f: {  	s9 =	smul.u32 $0xF7A, s1;
	s8 =	simm.s32 @!p0 $0x1BF5;
	p2 =	por !p2, p0  }
0x20: {  	[sflag:s8] =	ssyncset.s32 @!p0 $0xFFFFF086;
	s6 =	sadd.s32 @!p0 s3, s7;
	s7 =	simm.s32 @!p0 $0x108  }
0x21: {  	s3 =	sadd.s32 s3, s9;
	s6 =	sadd.s32 @!p0 $0x88, s6;
	s7 =	simm.s32 @p2 $0x1082  }
0x22: {  	[simem:s7], [sflag:s8] =	dma.local @!p0 [hbm:s6], $0xF7A  }
0x23: {  	s9 =	sor.u32 $0xD0000000, s2;
	s6 =	simm.s32 $0x108;
	_ =	swait.ge @!p0 [sflag:s8], $0x0  }
0x24: {  	s3 =	sadd.s32 $0x88, s3;
	s6 =	simm.s32 @!p1 $0x1082;
	[sflag:s4] =	ssyncset.s32 $0xFFFFF086  }
0x25: {  	[simem:s6], [sflag:s4] =	dma.local [hbm:s3], $0xF7A  }
0x26: {  	[smem:$0x3F8B] =	sst s1;
	(tag) =	ssettag s2;
	_ =	strace s9  }
0x27: {  	s1 =	sld [smem:$0x3F9B]  }
0x28: {  	s2 =	sld [smem:$0x3F9C]  }
0x29: {  	s4 =	sld [smem:$0x3F9E]  }
0x2a: {  	p0 =	seq.s32 s5, $0x0;
	s5 =	sld [smem:$0x3F9F]  }
0x2b: {  	s6 =	sld [smem:$0x3FA0]  }
0x2c: {  	s7 =	sld [smem:$0x3FA1]  }
0x2d: {  	s3 =	simm.s32 $0x108;
	s8 =	sld [smem:$0x3FA2]  }
0x2e: {  	s3 =	simm.s32 @!p0 $0x1082;
	s9 =	sld [smem:$0x3FA3]  }
0x2f: {  	lr =	sadd.s32 s0, s3;
	s0 =	sld [smem:$0x3F9A]  }
0x30: {  	s3 =	sld [smem:$0x3F9D]  }
0x31: {  	[smem:$0x3FA6] =	sst s10  }
0x32: {  	s10 =	sld [smem:$0x3FA4];
	_ =	sdelay $0x3  }
0x33: {  	p0 =	seq.s32 s10, $0x1;
	s10 =	sld [smem:$0x3FA6];
	_ =	sdelay $0x3  }
0x34: {  	[smem:$0x3FA6] =	sst s10  }
0x35: {  	s10 =	sld [smem:$0x3FA5];
	_ =	sdelay $0x3  }
0x36: {  	p1 =	seq.s32 s10, $0x1;
	s10 =	sld [smem:$0x3FA6];
	_ =	sdelay $0x3  }
0x37: {  	[smem:$0x3FA6] =	sst s10  }
0x38: {  	s10 =	sld [smem:$0x3FA7]  }
0x39: {  	_ = 	snop;
	(pc) =	sbr.ind lr, $3  }
0x3a: {  	_ = 	snop  }
0x3b: {  	_ = 	snop  }
0x3c: {  	p2 =	seq.s32 s10, $0x1;
	s10 =	sld [smem:$0x3FA6]  }
0x3d: {  	_ =	shalt  }
0x3e: {  	_ =	shalt  }
0x3f: {  	_ =	shalt  }
0x40: {  	_ =	shalt  }
0x41: {  	_ =	shalt  }
0x42: {  	_ =	shalt  }
0x43: {  	_ =	shalt  }
0x44: {  	_ =	shalt  }
0x45: {  	_ =	shalt  }
0x46: {  	_ =	shalt  }
0x47: {  	_ =	shalt  }
0x48: {  	_ =	shalt  }
0x49: {  	_ =	shalt  }
0x4a: {  	_ =	shalt  }
0x4b: {  	_ =	shalt  }
0x4c: {  	_ =	shalt  }
0x4d: {  	_ =	shalt  }
0x4e: {  	_ =	shalt  }
0x4f: {  	_ =	shalt  }
0x50: {  	_ =	shalt  }
0x51: {  	_ =	shalt  }
0x52: {  	_ =	shalt  }
0x53: {  	_ =	shalt  }
0x54: {  	_ =	shalt  }
0x55: {  	_ =	shalt  }
0x56: {  	_ =	shalt  }
0x57: {  	_ =	shalt  }
0x58: {  	_ =	shalt  }
0x59: {  	_ =	shalt  }
0x5a: {  	_ =	shalt  }
0x5b: {  	_ =	shalt  }
0x5c: {  	_ =	shalt  }
0x5d: {  	_ =	shalt  }
0x5e: {  	_ =	shalt  }
0x5f: {  	_ =	shalt  }
0x60: {  	_ =	shalt  }
0x61: {  	_ =	shalt  }
0x62: {  	_ =	shalt  }
0x63: {  	_ =	shalt  }
0x64: {  	_ =	shalt  }
0x65: {  	_ =	shalt  }
0x66: {  	_ =	shalt  }
0x67: {  	_ =	shalt  }
0x68: {  	_ =	shalt  }
0x69: {  	_ =	shalt  }
0x6a: {  	_ =	shalt  }
0x6b: {  	_ =	shalt  }
0x6c: {  	_ =	shalt  }
0x6d: {  	_ =	shalt  }
0x6e: {  	_ =	shalt  }
0x6f: {  	_ =	shalt  }
0x70: {  	_ =	shalt  }
0x71: {  	_ =	shalt  }
0x72: {  	_ =	shalt  }
0x73: {  	_ =	shalt  }
0x74: {  	_ =	shalt  }
0x75: {  	_ =	shalt  }
0x76: {  	_ =	shalt  }
0x77: {  	_ =	shalt  }
0x78: {  	_ =	shalt  }
0x79: {  	_ =	shalt  }
0x7a: {  	_ =	shalt  }
0x7b: {  	_ =	shalt  }
0x7c: {  	_ =	shalt  }
0x7d: {  	_ =	shalt  }
0x7e: {  	_ =	shalt  }
0x7f: {  	_ =	shalt  }
0x80: {  	_ =	shalt  }
0x81: {  	_ =	shalt  }
0x82: {  	_ =	shalt  }
0x83: {  	_ =	shalt  }
0x84: {  	_ =	shalt  }
0x85: {  	_ =	shalt  }
0x86: {  	_ =	shalt  }
0x87: {  	_ =	shalt  }
.Lfunc_end0:
.L_simem_size_0:
called_computation.1_lowered:
.L_overlay_start_0:
0x88: {  	s2 =	sld [smem:$0x3FD9]  }
0x89: {  	s3 =	sld [smem:$0x3FFE];
	_ =	sdelay $0x1  }
0x8a: {  	s1 =	srdreg.scid  }
0x8b: {  	s0 =	sand.u32 $0x1, s1  }
0x8c: {  	s16 =	sshll.u32 s0, $0xA;
	s2 =	sadd.s32 s3, s2  }
0x8d: {  	s2 =	sadd.s32 s2, s16  }
0x8e: {  	[smem:$0x3FB2] =	sst s2  }
0x8f: {  	_ = 	snop  }
0x90: {  	(tm) =	ssettm $0x1  }
0x91: {  	s17 =	sld [smem:$0x3FFB];
	_ =	sdelay $0x3  }
0x92: {  	_ =	strace s17  }
0x93: {  	s2 =	sld [smem:$0x3FFC];
	_ =	sdelay $0x3  }
0x94: {  	_ =	strace s2  }
0x95: {  	s2 =	sld [smem:$0x3FFD];
	_ =	sdelay $0x3  }
0x96: {  	_ =	strace s2  }
0x97: {  	_ =	strace $0x8FFFFFFF  }
0x98: {  	s18 =	sld [smem:$0x3FDB];
	_ =	sdelay $0x1  }
0x99: {  	s19 =	simm.s32 $_scs_section_size  }
0x9a: {  	s4 =	simm.s32 $_size__tile_overlayer_lowered;
	s5 =	simm.s32 $_tile_overlayer_lowered  }
0x9b: {  	s22 =	simm.s32 $0x1BFF;
	s21 =	sshll.u32 s5, $0x1;
	s2 =	sadd.s32 s19, s18  }
0x9c: {  	s6 =	simm.s32 $0x0;
	s20 =	sshll.u32 s4, $0x1;
	s4 =	sadd.s32 s21, s2  }
0x9d: {  	[timem:s6], [sflag:s22] =	dma.local [hbm:s4], s20  }
0x9e: {  	_ =	swait.ge [sflag:s22], s20  }
0x9f: {  	s3 =	ssub.s32 $0x0, s20;
	[sflag:s22] =	ssyncset.done $0x0  }
0xa0: {  	[sflag:s22] =	ssyncadd.s32 s3;
	_ =	sdelay $0x1  }
0xa1: {  	s23 =	simm.s32 $0x1B8B  }
0xa2: {  	_ =	swait.ge [sflag:s23], $0x1  }
0xa3: {  	[sflag:s23] =	ssyncset.done $0x0  }
0xa4: {  	s25 =	simm.s32 $0x1B8E;
	s24 =	sld [smem:$0x3FFE];
	[sflag:s23] =	ssyncadd.s32 $0xFFFFFFFF  }
0xa5: {  	s26 =	simm.s32 $execute0_lowered;
	[smem:$0x3FD2] =	sst s25  }
0xa6: {  	s4 =	sshll.u32 s26, $0x1;
	_ =	strace $0x80000049;
	[dreg:$0x1] =	wrdreg $0xFFFFFFFF  }
0xa7: {  	s28 =	simm.s32 $_size_execute0_lowered;
	s2 =	sadd.s32 s2, s4;
	[dreg:$0x0] =	wrdreg $0x0  }
0xa8: {  	s4 =	sshll.u32 s28, $0x1;
	[dreg:$0x2] =	wrdreg s2  }
0xa9: {  	[dreg:$0x3] =	wrdreg s4  }
0xaa: {  	[dreg:$0x4] =	wrdreg $0xC0  }
0xab: {  	_ =	task [dreg:s6], $0x5FFFF  }
0xac: {  	[dreg:$0x1] =	wrdreg $0xFFFFFFFF  }
0xad: {  	[dreg:$0x0] =	wrdreg $0x60  }
0xae: {  	[dreg:$0x2] =	wrdreg s24  }
0xaf: {  	[dreg:$0x3] =	wrdreg $0xB4000  }
0xb0: {  	[dreg:$0x4] =	wrdreg $0x9  }
0xb1: {  	_ =	task.clear_ibuf [dreg:s6], $0x5FFFF;
	_ =	strace $0x90000049  }
0xb2: {  	s29 =	simm.s32 $0x9;
	_ =	strace $0x8000004B  }
0xb3: {  	_ =	swait.ge [sflag:s29], $0x1  }
0xb4: {  	[sflag:s29] =	ssyncadd.s32 $0xFFFFFFFF  }
0xb5: {  	_ =	strace $0x9000004B  }
0xb6: {  	_ =	sfence  }
0xb7: {  	s30 =	sld [smem:$0x0];
	_ =	sdelay $0x2  }
0xb8: {  	s31 =	sshll.u32 s1, $0xD;
	s1 =	sshrl.u32 s1, $0x2  }
0xb9: {  	s3 =	sand.u32 $0x4000, s31;
	s1 =	sadd.s32 s1, s30  }
0xba: {  	s0 =	sor.u32 s3, s0;
	s1 =	sshll.u32 s1, $0x11  }
0xbb: {  	s0 =	sor.u32 s1, s0  }
0xbc: {  	s0 =	sadd.s32 $0x8F2B, s0  }
0xbd: {  	[sflag:s0] =	ssyncadd.remote.s32 $0x1  }
0xbe: {  	_ =	sfence.sel $0xFFFF  }
0xbf: {  	[dreg:$0x0] =	wrdreg $0xFFFFFFFF;
	(pc) =	sbr.abs _section_cstart, $3  }
0xc0: {  	[dreg:$0x1] =	wrdreg $0xFFFFFFFF  }
0xc1: {  	_ =	task.clear_ibuf [dreg:s6], $0x2FFFF;
	_ =	strace $0x9FFFFFFF  }
0xc2: {  	(tm) =	ssettm $0x7FFFFFFF  }
0xc3: {  	_ =	shalt  }
tec
execute0_lowered:
.L_overlay_start_1:
0x0: {  	(tag) =	ssettag $0x1  }
0x1: {  	s0 =	rddreg [dreg:$0x0]  }
0x2: {  	s2 =	rddreg [dreg:$0x1];
	s3 =	simm.s32 $0x0;
	s12 =	stileid.u32  }
0x3: {  	s1 =	srdreg.scid;
	s13 =	simm.s32 $0xB;
	s14 =	simm.s32 $0xA00  }
0x4: {  	s15 =	simm.s32 $0x40;
	s16 =	simm.s32 $0x1400;
	s17 =	simm.s32 $0x3400  }
0x5: {  	s18 =	simm.s32 $0x5400;
	s19 =	simm.s32 $0x7400;
	s20 =	simm.s32 $0x9400  }
0x6: {  	s21 =	simm.s32 $0x1;
	s22 =	simm.s32 $0x2;
	s23 =	simm.s32 $0x3  }
0x7: {  	s24 =	simm.s32 $0x4;
	s28 =	simm.s32 $0x7;
	s29 =	simm.s32 $0x8  }
0x8: {  	s30 =	simm.s32 $0x9;
	s31 =	simm.s32 $0xA;
	[smem:$0x7FF] =	sst s3  }
0x9: {  	s7 =	smul.u32 $0x13900, s12;
	s1 =	sand.u32 $0x1, s1;
	s4 =	sadd.s32 $0x3BC00, s0  }
0xa: {  	s5 =	sadd.s32 $0x27C00, s0;
	s6 =	sadd.s32 $0x13C00, s0;
	s25 =	sshll.u32 s12, $0x6  }
0xb: {  	_ =	strace $0x8000004A;
	s8 =	smul.u32 $0x139000, s1;
	s10 =	ssub.s32 $0x2, s1  }
0xc: {  	s1 =	sshll.u32 s1, $0x4;
	s9 =	sshrl.u32 s7, $0x3;
	s11 =	sshrl.u32 s10, $0x1  }
0xd: {  	s1 =	sor.u32 s12, s1;
	s8 =	sadd.s32 s7, s8;
	s9 =	sadd.s32 s9, s0  }
0xe: {  	s10 =	ssub.s32 s10, s11;
	s7 =	sadd.s32 s7, s2;
	s8 =	sshrl.u32 s8, $0x3  }
0xf: {  	s9 =	sadd.s32 $0x62E00, s9;
	s26 =	smax.u32 s10, $0x1;
	s12 =	sshrl.u32 s7, $0x3  }
0x10: {  	s0 =	sadd.s32 s8, s0;
	[dreg:$0x3] =	wrdreg s9;
	s8 =	sor.u32 $0x1C0B, s25  }
0x11: {  	s9 =	smul.u32 $0x5000, s1;
	[dreg:$0x5] =	wrdreg s26;
	s0 =	sadd.s32 $0x8A000, s0  }
0x12: {  	s25 =	simm.s32 $0x5;
	s26 =	simm.s32 $0x6;
	[dreg:$0x4] =	wrdreg s0  }
.LBB2_1:
0x13: {  	s0 =	rddreg [dreg:$0x3]  }
0x14: {  	[spmem:s12], [sflag:s8] =	dma.local [hbm:s0], $0x2720  }
0x15: {  	_ =	swait.ge [sflag:s13], $0x2720  }
0x16: {  	[sflag:s13] =	ssyncset.done $0x0  }
0x17: {  	[sflag:s13] =	ssyncadd.s32 $0xFFFFD8E0  }
0x18: {  	s0 =	simm.s32 $0x0;
	[bflag:$0x0] =	sbarrier.arrive $0xFFFF  }
.LBB2_2:
0x19: {  	s1 =	smul.u32 $0xA00, s0;
	_ =	sdelay $0x1  }
0x1a: {  	s1 =	sadd.s32 s9, s1  }
0x1b: {  	s1 =	sshrl.u32 s1, $0x3  }
0x1c: {  	s10 =	simm.s32 $0x0;
	s7 =	sadd.s32 s5, s1  }
0x1d: {  	[tilespmem:s10], [sflag:$0xB] =	stream.linear.gather [hbm4b:s7+s10], $0xA00, $0x38;
	[tilespmem:$0x1ED00] =	vst v63  }
0x1e: {  	_ =	swait.ge [sflag:s13], $0xA00  }
0x1f: {  	[sflag:s13] =	ssyncset.done $0x0  }
0x20: {  	s1 =	sadd.s32 s6, s1;
	[sflag:s13] =	ssyncadd.s32 $0xFFFFF600  }
0x21: {  	[tilespmem:s14], [sflag:$0xB] =	stream.linear.gather [hbm4b:s1+s10], $0xA00, $0x38;
	[tilespmem:$0x1ED00] =	vst v63  }
0x22: {  	_ =	swait.ge [sflag:s13], $0xA00  }
0x23: {  	[sflag:s13] =	ssyncset.done $0x0  }
0x24: {  	s11 =	simm.s32 $0x0;
	[sflag:s13] =	ssyncadd.s32 $0xFFFFF600  }
0x25: {  	[tilespmem:s16], [sflag:$0x1] =	stream.indirect.gather [hbm4b:s4+s15], $0x80, s11, s15, $0xb8;
	[tilespmem:$0x1ED00] =	vst v63  }
0x26: {  	s7 =	simm.s32 $0x40  }
0x27: {  	[tilespmem:s17], [sflag:$0x2] =	stream.indirect.gather [hbm4b:s4+s15], $0x80, s7, s15, $0xb8;
	[tilespmem:$0x1ED00] =	vst v63  }
0x28: {  	s10 =	simm.s32 $0x80  }
0x29: {  	[tilespmem:s18], [sflag:$0x3] =	stream.indirect.gather [hbm4b:s4+s15], $0x80, s10, s15, $0xb8;
	[tilespmem:$0x1ED00] =	vst v63  }
0x2a: {  	s11 =	simm.s32 $0xC0  }
0x2b: {  	[tilespmem:s19], [sflag:$0x4] =	stream.indirect.gather [hbm4b:s4+s15], $0x80, s11, s15, $0xb8;
	[tilespmem:$0x1ED00] =	vst v63  }
0x2c: {  	s7 =	simm.s32 $0x100  }
0x2d: {  	[tilespmem:s20], [sflag:$0x5] =	stream.indirect.gather [hbm4b:s4+s15], $0x80, s7, s15, $0xb8;
	[tilespmem:$0x1ED00] =	vst v63  }
0x2e: {  	_ =	swait.ge [sflag:s21], $0x2000  }
0x2f: {  	[sflag:s21] =	ssyncset.done $0x0  }
0x30: {  	s10 =	simm.s32 $0xA00;
	[sflag:s21] =	ssyncadd.s32 $0xFFFFE000  }
0x31: {  	[spmem:s2] =	stream.indirect.scatter.add.f32 [tilespmem:s16], [sflag:$0x6], $0x80, s10, s15, $0xb8;
	[tilespmem:$0x1ED00] =	vst v63  }
0x32: {  	_ =	swait.ge [sflag:s22], $0x2000  }
0x33: {  	[sflag:s22] =	ssyncset.done $0x0  }
0x34: {  	s11 =	simm.s32 $0xA40;
	[sflag:s22] =	ssyncadd.s32 $0xFFFFE000  }
0x35: {  	[spmem:s2] =	stream.indirect.scatter.add.f32 [tilespmem:s17], [sflag:$0x7], $0x80, s11, s15, $0xb8;
	[tilespmem:$0x1ED00] =	vst v63  }
0x36: {  	_ =	swait.ge [sflag:s23], $0x2000  }
0x37: {  	[sflag:s23] =	ssyncset.done $0x0  }
0x38: {  	s7 =	simm.s32 $0xA80;
	[sflag:s23] =	ssyncadd.s32 $0xFFFFE000  }
0x39: {  	[spmem:s2] =	stream.indirect.scatter.add.f32 [tilespmem:s18], [sflag:$0x8], $0x80, s7, s15, $0xb8;
	[tilespmem:$0x1ED00] =	vst v63  }
0x3a: {  	_ =	swait.ge [sflag:s24], $0x2000  }
0x3b: {  	[sflag:s24] =	ssyncset.done $0x0  }
0x3c: {  	s10 =	simm.s32 $0xAC0;
	[sflag:s24] =	ssyncadd.s32 $0xFFFFE000  }
0x3d: {  	[spmem:s2] =	stream.indirect.scatter.add.f32 [tilespmem:s19], [sflag:$0x9], $0x80, s10, s15, $0xb8;
	[tilespmem:$0x1ED00] =	vst v63  }
0x3e: {  	_ =	swait.ge [sflag:s25], $0x2000  }
0x3f: {  	[sflag:s25] =	ssyncset.done $0x0  }
0x40: {  	s11 =	simm.s32 $0xB00;
	[sflag:s25] =	ssyncadd.s32 $0xFFFFE000  }
0x41: {  	[spmem:s2] =	stream.indirect.scatter.add.f32 [tilespmem:s20], [sflag:$0xA], $0x80, s11, s15, $0xb8;
	[tilespmem:$0x1ED00] =	vst v63  }
0x42: {  	_ =	swait.ge [sflag:s26], $0x2000  }
0x43: {  	[sflag:s26] =	ssyncset.done $0x0  }
0x44: {  	[sflag:s26] =	ssyncadd.s32 $0xFFFFE000  }
0x45: {  	_ =	swait.ge [sflag:s28], $0x2000  }
0x46: {  	[sflag:s28] =	ssyncset.done $0x0  }
0x47: {  	[sflag:s28] =	ssyncadd.s32 $0xFFFFE000  }
0x48: {  	_ =	swait.ge [sflag:s29], $0x2000  }
0x49: {  	[sflag:s29] =	ssyncset.done $0x0  }
0x4a: {  	[sflag:s29] =	ssyncadd.s32 $0xFFFFE000  }
0x4b: {  	_ =	swait.ge [sflag:s30], $0x2000  }
0x4c: {  	[sflag:s30] =	ssyncset.done $0x0  }
0x4d: {  	[sflag:s30] =	ssyncadd.s32 $0xFFFFE000  }
0x4e: {  	_ =	swait.ge [sflag:s31], $0x2000  }
0x4f: {  	s1 =	simm.s32 $0x500;
	s7 =	simm.s32 $0xA00;
	[sflag:s31] =	ssyncset.done $0x0  }
.LBB2_3:
0x50: {  	s10 =	sshra.s32 s1, $0x2  }
0x51: {  	[sflag:s31] =	ssyncadd.s32 $0xFFFFE000;
	s1 =	smov.u32 s7;
	s11 =	sadd.s32 $0x500, s7  }
0x52: {  	[tilespmem:s16], [sflag:$0x1] =	stream.indirect.gather [hbm4b:s4+s15], $0x80, s10, s15, $0xb8;
	[tilespmem:$0x1ED00] =	vst v63  }
0x53: {  	p0 =	sne.s32 s7, $0x2300;
	s7 =	sadd.s32 $0x40, s10  }
0x54: {  	[tilespmem:s17], [sflag:$0x2] =	stream.indirect.gather [hbm4b:s4+s15], $0x80, s7, s15, $0xb8;
	[tilespmem:$0x1ED00] =	vst v63  }
0x55: {  	s7 =	sadd.s32 $0x80, s10  }
0x56: {  	[tilespmem:s18], [sflag:$0x3] =	stream.indirect.gather [hbm4b:s4+s15], $0x80, s7, s15, $0xb8;
	[tilespmem:$0x1ED00] =	vst v63  }
0x57: {  	s7 =	sadd.s32 $0xC0, s10  }
0x58: {  	[tilespmem:s19], [sflag:$0x4] =	stream.indirect.gather [hbm4b:s4+s15], $0x80, s7, s15, $0xb8;
	[tilespmem:$0x1ED00] =	vst v63  }
0x59: {  	s7 =	sadd.s32 $0x100, s10  }
0x5a: {  	[tilespmem:s20], [sflag:$0x5] =	stream.indirect.gather [hbm4b:s4+s15], $0x80, s7, s15, $0xb8;
	[tilespmem:$0x1ED00] =	vst v63  }
0x5b: {  	_ =	swait.ge [sflag:s21], $0x2000  }
0x5c: {  	[sflag:s21] =	ssyncset.done $0x0  }
0x5d: {  	s7 =	sadd.s32 $0xA00, s10;
	[sflag:s21] =	ssyncadd.s32 $0xFFFFE000  }
0x5e: {  	[spmem:s2] =	stream.indirect.scatter.add.f32 [tilespmem:s16], [sflag:$0x6], $0x80, s7, s15, $0xb8;
	[tilespmem:$0x1ED00] =	vst v63  }
0x5f: {  	_ =	swait.ge [sflag:s22], $0x2000  }
0x60: {  	[sflag:s22] =	ssyncset.done $0x0  }
0x61: {  	s7 =	sadd.s32 $0xA40, s10;
	[sflag:s22] =	ssyncadd.s32 $0xFFFFE000  }
0x62: {  	[spmem:s2] =	stream.indirect.scatter.add.f32 [tilespmem:s17], [sflag:$0x7], $0x80, s7, s15, $0xb8;
	[tilespmem:$0x1ED00] =	vst v63  }
0x63: {  	_ =	swait.ge [sflag:s23], $0x2000  }
0x64: {  	[sflag:s23] =	ssyncset.done $0x0  }
0x65: {  	s7 =	sadd.s32 $0xA80, s10;
	[sflag:s23] =	ssyncadd.s32 $0xFFFFE000  }
0x66: {  	[spmem:s2] =	stream.indirect.scatter.add.f32 [tilespmem:s18], [sflag:$0x8], $0x80, s7, s15, $0xb8;
	[tilespmem:$0x1ED00] =	vst v63  }
0x67: {  	_ =	swait.ge [sflag:s24], $0x2000  }
0x68: {  	[sflag:s24] =	ssyncset.done $0x0  }
0x69: {  	s7 =	sadd.s32 $0xAC0, s10;
	[sflag:s24] =	ssyncadd.s32 $0xFFFFE000  }
0x6a: {  	[spmem:s2] =	stream.indirect.scatter.add.f32 [tilespmem:s19], [sflag:$0x9], $0x80, s7, s15, $0xb8;
	[tilespmem:$0x1ED00] =	vst v63  }
0x6b: {  	_ =	swait.ge [sflag:s25], $0x2000  }
0x6c: {  	[sflag:s25] =	ssyncset.done $0x0  }
0x6d: {  	s7 =	sadd.s32 $0xB00, s10;
	[sflag:s25] =	ssyncadd.s32 $0xFFFFE000  }
0x6e: {  	[spmem:s2] =	stream.indirect.scatter.add.f32 [tilespmem:s20], [sflag:$0xA], $0x80, s7, s15, $0xb8;
	[tilespmem:$0x1ED00] =	vst v63  }
0x6f: {  	_ =	swait.ge [sflag:s26], $0x2000  }
0x70: {  	[sflag:s26] =	ssyncset.done $0x0  }
0x71: {  	[sflag:s26] =	ssyncadd.s32 $0xFFFFE000  }
0x72: {  	_ =	swait.ge [sflag:s28], $0x2000  }
0x73: {  	[sflag:s28] =	ssyncset.done $0x0  }
0x74: {  	[sflag:s28] =	ssyncadd.s32 $0xFFFFE000  }
0x75: {  	_ =	swait.ge [sflag:s29], $0x2000  }
0x76: {  	[sflag:s29] =	ssyncset.done $0x0  }
0x77: {  	[sflag:s29] =	ssyncadd.s32 $0xFFFFE000  }
.Ltmp0:
0x78: {  	_ =	swait.ge [sflag:s30], $0x2000;
	(pc) =	sbr.rel @p0 .LBB2_3-.Ltmp0, $4  }
0x79: {  	[sflag:s30] =	ssyncset.done $0x0  }
0x7a: {  	[sflag:s30] =	ssyncadd.s32 $0xFFFFE000  }
0x7b: {  	_ =	swait.ge [sflag:s31], $0x2000  }
0x7c: {  	s7 =	smov.u32 s11;
	[sflag:s31] =	ssyncset.done $0x0  }
0x7d: {  	s1 =	sshra.s32 s1, $0x2;
	[sflag:s31] =	ssyncadd.s32 $0xFFFFE000  }
0x7e: {  	[tilespmem:s16], [sflag:$0x1] =	stream.indirect.gather [hbm4b:s4+s15], $0x80, s1, s15, $0xb8;
	[tilespmem:$0x1ED00] =	vst v63  }
0x7f: {  	s7 =	sadd.s32 $0x40, s1  }
0x80: {  	[tilespmem:s17], [sflag:$0x2] =	stream.indirect.gather [hbm4b:s4+s15], $0x80, s7, s15, $0xb8;
	[tilespmem:$0x1ED00] =	vst v63  }
0x81: {  	s11 =	sadd.s32 $0x80, s1  }
0x82: {  	[tilespmem:s18], [sflag:$0x3] =	stream.indirect.gather [hbm4b:s4+s15], $0x80, s11, s15, $0xb8;
	[tilespmem:$0x1ED00] =	vst v63  }
0x83: {  	s10 =	sadd.s32 $0xC0, s1  }
0x84: {  	[tilespmem:s19], [sflag:$0x4] =	stream.indirect.gather [hbm4b:s4+s15], $0x80, s10, s15, $0xb8;
	[tilespmem:$0x1ED00] =	vst v63  }
0x85: {  	s11 =	sadd.s32 $0x100, s1  }
0x86: {  	[tilespmem:s20], [sflag:$0x5] =	stream.indirect.gather [hbm4b:s4+s15], $0x80, s11, s15, $0xb8;
	[tilespmem:$0x1ED00] =	vst v63  }
0x87: {  	_ =	swait.ge [sflag:s21], $0x2000  }
0x88: {  	[sflag:s21] =	ssyncset.done $0x0  }
0x89: {  	s10 =	sadd.s32 $0xA00, s1;
	[sflag:s21] =	ssyncadd.s32 $0xFFFFE000  }
0x8a: {  	[spmem:s2] =	stream.indirect.scatter.add.f32 [tilespmem:s16], [sflag:$0x6], $0x80, s10, s15, $0xb8;
	[tilespmem:$0x1ED00] =	vst v63  }
0x8b: {  	_ =	swait.ge [sflag:s22], $0x2000  }
0x8c: {  	[sflag:s22] =	ssyncset.done $0x0  }
0x8d: {  	s11 =	sadd.s32 $0xA40, s1;
	[sflag:s22] =	ssyncadd.s32 $0xFFFFE000  }
0x8e: {  	[spmem:s2] =	stream.indirect.scatter.add.f32 [tilespmem:s17], [sflag:$0x7], $0x80, s11, s15, $0xb8;
	[tilespmem:$0x1ED00] =	vst v63  }
0x8f: {  	_ =	swait.ge [sflag:s23], $0x2000  }
0x90: {  	[sflag:s23] =	ssyncset.done $0x0  }
0x91: {  	s10 =	sadd.s32 $0xA80, s1;
	[sflag:s23] =	ssyncadd.s32 $0xFFFFE000  }
0x92: {  	[spmem:s2] =	stream.indirect.scatter.add.f32 [tilespmem:s18], [sflag:$0x8], $0x80, s10, s15, $0xb8;
	[tilespmem:$0x1ED00] =	vst v63  }
0x93: {  	_ =	swait.ge [sflag:s24], $0x2000  }
0x94: {  	[sflag:s24] =	ssyncset.done $0x0  }
0x95: {  	s11 =	sadd.s32 $0xAC0, s1;
	[sflag:s24] =	ssyncadd.s32 $0xFFFFE000  }
0x96: {  	[spmem:s2] =	stream.indirect.scatter.add.f32 [tilespmem:s19], [sflag:$0x9], $0x80, s11, s15, $0xb8;
	[tilespmem:$0x1ED00] =	vst v63  }
0x97: {  	_ =	swait.ge [sflag:s25], $0x2000  }
0x98: {  	[sflag:s25] =	ssyncset.done $0x0  }
0x99: {  	s1 =	sadd.s32 $0xB00, s1;
	[sflag:s25] =	ssyncadd.s32 $0xFFFFE000  }
0x9a: {  	[spmem:s2] =	stream.indirect.scatter.add.f32 [tilespmem:s20], [sflag:$0xA], $0x80, s1, s15, $0xb8;
	[tilespmem:$0x1ED00] =	vst v63  }
0x9b: {  	_ =	swait.ge [sflag:s26], $0x2000  }
0x9c: {  	[sflag:s26] =	ssyncset.done $0x0  }
0x9d: {  	[sflag:s26] =	ssyncadd.s32 $0xFFFFE000  }
0x9e: {  	_ =	swait.ge [sflag:s28], $0x2000  }
0x9f: {  	[sflag:s28] =	ssyncset.done $0x0  }
0xa0: {  	[sflag:s28] =	ssyncadd.s32 $0xFFFFE000  }
0xa1: {  	_ =	swait.ge [sflag:s29], $0x2000  }
0xa2: {  	[sflag:s29] =	ssyncset.done $0x0  }
0xa3: {  	s0 =	sadd.s32 $0x1, s0;
	[sflag:s29] =	ssyncadd.s32 $0xFFFFE000  }
0xa4: {  	p0 =	sne.s32 s0, $0x8;
	_ =	swait.ge [sflag:s30], $0x2000  }
.Ltmp1:
0xa5: {  	[sflag:s30] =	ssyncset.done $0x0;
	(pc) =	sbr.rel @p0 .LBB2_2-.Ltmp1, $4  }
0xa6: {  	[sflag:s30] =	ssyncadd.s32 $0xFFFFE000  }
0xa7: {  	_ =	swait.ge [sflag:s31], $0x2000  }
0xa8: {  	[sflag:s31] =	ssyncset.done $0x0  }
0xa9: {  	[sflag:s31] =	ssyncadd.s32 $0xFFFFE000  }
0xaa: {  	[bflag:$0x0] =	sbarrier.arrive $0xFFFF  }
0xab: {  	s0 =	rddreg [dreg:$0x4]  }
0xac: {  	[hbm:s0], [sflag:s8] =	dma.local [spmem:s12], $0x2720  }
0xad: {  	_ =	swait.ge [sflag:s13], $0x2720  }
0xae: {  	s3 =	sadd.s32 $0x1, s3;
	s11 =	rddreg [dreg:$0x5]  }
0xaf: {  	p0 =	sne.s32 s3, s11  }
.Ltmp2:
0xb0: {  	_ = 	snop;
	(pc) =	sbr.rel @p0 .LBB2_1-.Ltmp2, $3  }
0xb1: {  	_ =	sdelay $0x1  }
0xb2: {  	[sflag:s13] =	ssyncset.done $0x0  }
0xb3: {  	[sflag:s13] =	ssyncadd.s32 $0xFFFFD8E0  }
0xb4: {  	_ =	sfence.sel $0x180000  }
0xb5: {  	[bflag:$0x0] =	sbarrier.arrive $0xFFFF  }
0xb6: {  	_ =	strace $0x9000004A  }
0xb7: {  	s0 =	stileid.u32;
	[bflag:$0x2] =	sbarrier.arrive $0xFFFF  }
0xb8: {  	p0 =	sne.s32 s0, $0x0;
	s0 =	rddreg [dreg:$0x2]  }
0xb9: {  	s0 =	sadd.s32 @!p0 $0x100000, s0  }
0xba: {  	[sflag:s0] =	ssyncadd.tile.s32 @!p0 $0x1;
	_ =	shalt  }
.Lfunc_end2:
_tile_overlayer_lowered:
.L_overlay_start_2:
0xbb: {  	(tag) =	ssettag $0x2  }
0xbc: {  	s0 =	rddreg [dreg:$0x0];
	s2 =	stileid.u32  }
0xbd: {  	s1 =	rddreg [dreg:$0x1];
	p0 =	sne.s32 s2, $0x0  }
0xbe: {  	s3 =	rddreg [dreg:$0x2];
	[bflag:$0x3] =	sbarrier.arrive $0xFFFF;
	s2 =	simm.s32 @!p0 $0x1C0B  }
0xbf: {  	[timem:s3], [sflag:s2] =	dma.local @!p0 [hbm:s0], s1  }
0xc0: {  	s0 =	simm.s32 @!p0 $0xB  }
0xc1: {  	_ =	swait.ge @!p0 [sflag:s0], s1  }
0xc2: {  	s1 =	ssub.s32 @!p0 $0x0, s1;
	[sflag:s0] =	ssyncset.done @!p0 $0x0  }
0xc3: {  	[sflag:s0] =	ssyncadd.s32 @!p0 s1  }
0xc4: {  	[bflag:$0x3] =	sbarrier.arrive $0xFFFF  }
0xc5: {  	_ =	shalt  }

// kernel: kernel.16.cloned.1.call-start
scs
__scs_entry_jumppad:
0x0: {  	(pc) =	sbr.rel $0x88, $3  }
0x1: {  	(tag) =	ssettag $0x0;
	lr =	simm.s32 $0x1  }
0x2: {  	[smem:$0x3F8B] =	sst lr;
	_ =	strace $0xD0000000  }
0x3: {  	_ = 	snop  }
0x4: {  	_ = 	snop  }
0x5: {  	_ = 	snop  }
0x6: {  	_ = 	snop  }
0x7: {  	_ = 	snop  }
__scs_overlays_trampoline_lowered:
0x8: {  	[smem:$0x3F9A] =	sst s0  }
0x9: {  	[smem:$0x3F9B] =	sst s1  }
0xa: {  	[smem:$0x3F9C] =	sst s2  }
0xb: {  	[smem:$0x3F9D] =	sst s3  }
0xc: {  	[smem:$0x3F9E] =	sst s4  }
0xd: {  	[smem:$0x3F9F] =	sst s5  }
0xe: {  	[smem:$0x3FA0] =	sst s6  }
0xf: {  	[smem:$0x3FA1] =	sst s7  }
0x10: {  	[smem:$0x3FA2] =	sst s8  }
0x11: {  	[smem:$0x3FA3] =	sst s9;
	s0 =	simm.s32 @!p0 $0x0  }
0x12: {  	s1 =	sld [smem:$0x3F89];
	s0 =	simm.s32 @p0 $0x1  }
0x13: {  	[smem:$0x3FA4] =	sst s0;
	s0 =	simm.s32 @!p1 $0x0  }
0x14: {  	s2 =	sld [smem:$0x3F88];
	s0 =	simm.s32 @p1 $0x1  }
0x15: {  	[smem:$0x3FA5] =	sst s0;
	s0 =	simm.s32 @!p2 $0x0  }
0x16: {  	s3 =	sld [smem:$0x3FDB];
	s0 =	simm.s32 @p2 $0x1  }
0x17: {  	s4 =	simm.s32 $0x1BF5;
	[smem:$0x3FA7] =	sst s0  }
0x18: {  	s0 =	sld [smem:$0x3F8A];
	_ =	swait.ge [sflag:s4], $0x0  }
0x19: {  	s7 =	sld [smem:$0x3F8B]  }
0x1a: {  	s8 =	sadd.s32 $0xFFFFE003, lr  }
0x1b: {  	s9 =	sadd.s32 $0xFFFFFEF7, lr;
	s5 =	simm.s32 $0xFFFFFFFF;
	p2 =	slt.u32 s8, $0xFFFFF086  }
0x1c: {  	p1 =	slt.u32 s9, $0xF7A;
	s5 =	simm.s32 @!p2 $0x0  }
0x1d: {  	s5 =	simm.s32 @p1 $0x1;
	p0 =	seq.s32 s7, s2  }
0x1e: {  	s7 =	smul.u32 @!p0 $0xF7A, s2;
	p2 =	seq.s32 @!p0 s5, $0x0  }
0x1f: {  	s9 =	smul.u32 $0xF7A, s1;
	s8 =	simm.s32 @!p0 $0x1BF5;
	p2 =	por !p2, p0  }
0x20: {  	[sflag:s8] =	ssyncset.s32 @!p0 $0xFFFFF086;
	s6 =	sadd.s32 @!p0 s3, s7;
	s7 =	simm.s32 @!p0 $0x108  }
0x21: {  	s3 =	sadd.s32 s3, s9;
	s6 =	sadd.s32 @!p0 $0x88, s6;
	s7 =	simm.s32 @p2 $0x1082  }
0x22: {  	[simem:s7], [sflag:s8] =	dma.local @!p0 [hbm:s6], $0xF7A  }
0x23: {  	s9 =	sor.u32 $0xD0000000, s2;
	s6 =	simm.s32 $0x108;
	_ =	swait.ge @!p0 [sflag:s8], $0x0  }
0x24: {  	s3 =	sadd.s32 $0x88, s3;
	s6 =	simm.s32 @!p1 $0x1082;
	[sflag:s4] =	ssyncset.s32 $0xFFFFF086  }
0x25: {  	[simem:s6], [sflag:s4] =	dma.local [hbm:s3], $0xF7A  }
0x26: {  	[smem:$0x3F8B] =	sst s1;
	(tag) =	ssettag s2;
	_ =	strace s9  }
0x27: {  	s1 =	sld [smem:$0x3F9B]  }
0x28: {  	s2 =	sld [smem:$0x3F9C]  }
0x29: {  	s4 =	sld [smem:$0x3F9E]  }
0x2a: {  	p0 =	seq.s32 s5, $0x0;
	s5 =	sld [smem:$0x3F9F]  }
0x2b: {  	s6 =	sld [smem:$0x3FA0]  }
0x2c: {  	s7 =	sld [smem:$0x3FA1]  }
0x2d: {  	s3 =	simm.s32 $0x108;
	s8 =	sld [smem:$0x3FA2]  }
0x2e: {  	s3 =	simm.s32 @!p0 $0x1082;
	s9 =	sld [smem:$0x3FA3]  }
0x2f: {  	lr =	sadd.s32 s0, s3;
	s0 =	sld [smem:$0x3F9A]  }
0x30: {  	s3 =	sld [smem:$0x3F9D]  }
0x31: {  	[smem:$0x3FA6] =	sst s10  }
0x32: {  	s10 =	sld [smem:$0x3FA4];
	_ =	sdelay $0x3  }
0x33: {  	p0 =	seq.s32 s10, $0x1;
	s10 =	sld [smem:$0x3FA6];
	_ =	sdelay $0x3  }
0x34: {  	[smem:$0x3FA6] =	sst s10  }
0x35: {  	s10 =	sld [smem:$0x3FA5];
	_ =	sdelay $0x3  }
0x36: {  	p1 =	seq.s32 s10, $0x1;
	s10 =	sld [smem:$0x3FA6];
	_ =	sdelay $0x3  }
0x37: {  	[smem:$0x3FA6] =	sst s10  }
0x38: {  	s10 =	sld [smem:$0x3FA7]  }
0x39: {  	_ = 	snop;
	(pc) =	sbr.ind lr, $3  }
0x3a: {  	_ = 	snop  }
0x3b: {  	_ = 	snop  }
0x3c: {  	p2 =	seq.s32 s10, $0x1;
	s10 =	sld [smem:$0x3FA6]  }
0x3d: {  	_ =	shalt  }
0x3e: {  	_ =	shalt  }
0x3f: {  	_ =	shalt  }
0x40: {  	_ =	shalt  }
0x41: {  	_ =	shalt  }
0x42: {  	_ =	shalt  }
0x43: {  	_ =	shalt  }
0x44: {  	_ =	shalt  }
0x45: {  	_ =	shalt  }
0x46: {  	_ =	shalt  }
0x47: {  	_ =	shalt  }
0x48: {  	_ =	shalt  }
0x49: {  	_ =	shalt  }
0x4a: {  	_ =	shalt  }
0x4b: {  	_ =	shalt  }
0x4c: {  	_ =	shalt  }
0x4d: {  	_ =	shalt  }
0x4e: {  	_ =	shalt  }
0x4f: {  	_ =	shalt  }
0x50: {  	_ =	shalt  }
0x51: {  	_ =	shalt  }
0x52: {  	_ =	shalt  }
0x53: {  	_ =	shalt  }
0x54: {  	_ =	shalt  }
0x55: {  	_ =	shalt  }
0x56: {  	_ =	shalt  }
0x57: {  	_ =	shalt  }
0x58: {  	_ =	shalt  }
0x59: {  	_ =	shalt  }
0x5a: {  	_ =	shalt  }
0x5b: {  	_ =	shalt  }
0x5c: {  	_ =	shalt  }
0x5d: {  	_ =	shalt  }
0x5e: {  	_ =	shalt  }
0x5f: {  	_ =	shalt  }
0x60: {  	_ =	shalt  }
0x61: {  	_ =	shalt  }
0x62: {  	_ =	shalt  }
0x63: {  	_ =	shalt  }
0x64: {  	_ =	shalt  }
0x65: {  	_ =	shalt  }
0x66: {  	_ =	shalt  }
0x67: {  	_ =	shalt  }
0x68: {  	_ =	shalt  }
0x69: {  	_ =	shalt  }
0x6a: {  	_ =	shalt  }
0x6b: {  	_ =	shalt  }
0x6c: {  	_ =	shalt  }
0x6d: {  	_ =	shalt  }
0x6e: {  	_ =	shalt  }
0x6f: {  	_ =	shalt  }
0x70: {  	_ =	shalt  }
0x71: {  	_ =	shalt  }
0x72: {  	_ =	shalt  }
0x73: {  	_ =	shalt  }
0x74: {  	_ =	shalt  }
0x75: {  	_ =	shalt  }
0x76: {  	_ =	shalt  }
0x77: {  	_ =	shalt  }
0x78: {  	_ =	shalt  }
0x79: {  	_ =	shalt  }
0x7a: {  	_ =	shalt  }
0x7b: {  	_ =	shalt  }
0x7c: {  	_ =	shalt  }
0x7d: {  	_ =	shalt  }
0x7e: {  	_ =	shalt  }
0x7f: {  	_ =	shalt  }
0x80: {  	_ =	shalt  }
0x81: {  	_ =	shalt  }
0x82: {  	_ =	shalt  }
0x83: {  	_ =	shalt  }
0x84: {  	_ =	shalt  }
0x85: {  	_ =	shalt  }
0x86: {  	_ =	shalt  }
0x87: {  	_ =	shalt  }
.Lfunc_end0:
.L_simem_size_0:
called_computation.2_lowered:
.L_overlay_start_0:
0x88: {  	s2 =	sld [smem:$0x3FD9]  }
0x89: {  	s3 =	sld [smem:$0x3FFE];
	_ =	sdelay $0x1  }
0x8a: {  	s1 =	srdreg.scid  }
0x8b: {  	s0 =	sand.u32 $0x1, s1  }
0x8c: {  	s16 =	sshll.u32 s0, $0xA;
	s2 =	sadd.s32 s3, s2  }
0x8d: {  	s2 =	sadd.s32 s2, s16  }
0x8e: {  	[smem:$0x3FB2] =	sst s2  }
0x8f: {  	_ = 	snop  }
0x90: {  	(tm) =	ssettm $0x1  }
0x91: {  	s17 =	sld [smem:$0x3FFB];
	_ =	sdelay $0x3  }
0x92: {  	_ =	strace s17  }
0x93: {  	s2 =	sld [smem:$0x3FFC];
	_ =	sdelay $0x3  }
0x94: {  	_ =	strace s2  }
0x95: {  	s2 =	sld [smem:$0x3FFD];
	_ =	sdelay $0x3  }
0x96: {  	_ =	strace s2  }
0x97: {  	_ =	strace $0x8FFFFFFF  }
0x98: {  	s18 =	sld [smem:$0x3FDB];
	_ =	sdelay $0x1  }
0x99: {  	s19 =	simm.s32 $_scs_section_size  }
0x9a: {  	s4 =	simm.s32 $_size__tile_overlayer_lowered;
	s5 =	simm.s32 $_tile_overlayer_lowered  }
0x9b: {  	s22 =	simm.s32 $0x1BFF;
	s21 =	sshll.u32 s5, $0x1;
	s2 =	sadd.s32 s19, s18  }
0x9c: {  	s6 =	simm.s32 $0x0;
	s20 =	sshll.u32 s4, $0x1;
	s4 =	sadd.s32 s21, s2  }
0x9d: {  	[timem:s6], [sflag:s22] =	dma.local [hbm:s4], s20  }
0x9e: {  	_ =	swait.ge [sflag:s22], s20  }
0x9f: {  	s3 =	ssub.s32 $0x0, s20;
	[sflag:s22] =	ssyncset.done $0x0  }
0xa0: {  	[sflag:s22] =	ssyncadd.s32 s3;
	_ =	sdelay $0x1  }
0xa1: {  	s23 =	simm.s32 $0x1B8B  }
0xa2: {  	_ =	swait.ge [sflag:s23], $0x1  }
0xa3: {  	[sflag:s23] =	ssyncset.done $0x0  }
0xa4: {  	s25 =	simm.s32 $0x1B8E;
	s24 =	sld [smem:$0x3FFE];
	[sflag:s23] =	ssyncadd.s32 $0xFFFFFFFF  }
0xa5: {  	s26 =	simm.s32 $execute0_lowered;
	[smem:$0x3FD2] =	sst s25  }
0xa6: {  	s4 =	sshll.u32 s26, $0x1;
	_ =	strace $0x8000004C;
	[dreg:$0x1] =	wrdreg $0xFFFFFFFF  }
0xa7: {  	s28 =	simm.s32 $_size_execute0_lowered;
	s2 =	sadd.s32 s2, s4;
	[dreg:$0x0] =	wrdreg $0x0  }
0xa8: {  	s4 =	sshll.u32 s28, $0x1;
	[dreg:$0x2] =	wrdreg s2  }
0xa9: {  	[dreg:$0x3] =	wrdreg s4  }
0xaa: {  	[dreg:$0x4] =	wrdreg $0xC0  }
0xab: {  	_ =	task [dreg:s6], $0x5FFFF  }
0xac: {  	[dreg:$0x1] =	wrdreg $0xFFFFFFFF  }
0xad: {  	[dreg:$0x0] =	wrdreg $0x60  }
0xae: {  	[dreg:$0x2] =	wrdreg s24  }
0xaf: {  	[dreg:$0x3] =	wrdreg $0xB4000  }
0xb0: {  	[dreg:$0x4] =	wrdreg $0x9  }
0xb1: {  	_ =	task.clear_ibuf [dreg:s6], $0x5FFFF;
	_ =	strace $0x9000004C  }
0xb2: {  	s29 =	simm.s32 $0x9;
	_ =	strace $0x8000004E  }
0xb3: {  	_ =	swait.ge [sflag:s29], $0x1  }
0xb4: {  	[sflag:s29] =	ssyncadd.s32 $0xFFFFFFFF  }
0xb5: {  	_ =	strace $0x9000004E  }
0xb6: {  	_ =	sfence  }
0xb7: {  	s30 =	sld [smem:$0x0];
	_ =	sdelay $0x2  }
0xb8: {  	s31 =	sshll.u32 s1, $0xD;
	s1 =	sshrl.u32 s1, $0x2  }
0xb9: {  	s3 =	sand.u32 $0x4000, s31;
	s1 =	sadd.s32 s1, s30  }
0xba: {  	s0 =	sor.u32 s3, s0;
	s1 =	sshll.u32 s1, $0x11  }
0xbb: {  	s0 =	sor.u32 s1, s0  }
0xbc: {  	s0 =	sadd.s32 $0x8F2B, s0  }
0xbd: {  	[sflag:s0] =	ssyncadd.remote.s32 $0x1  }
0xbe: {  	_ =	sfence.sel $0xFFFF  }
0xbf: {  	[dreg:$0x0] =	wrdreg $0xFFFFFFFF;
	(pc) =	sbr.abs _section_cstart, $3  }
0xc0: {  	[dreg:$0x1] =	wrdreg $0xFFFFFFFF  }
0xc1: {  	_ =	task.clear_ibuf [dreg:s6], $0x2FFFF;
	_ =	strace $0x9FFFFFFF  }
0xc2: {  	(tm) =	ssettm $0x7FFFFFFF  }
0xc3: {  	_ =	shalt  }
tec
execute0_lowered:
.L_overlay_start_1:
0x0: {  	(tag) =	ssettag $0x1  }
0x1: {  	s0 =	rddreg [dreg:$0x0]  }
0x2: {  	s2 =	rddreg [dreg:$0x1];
	s3 =	simm.s32 $0x0;
	s12 =	stileid.u32  }
0x3: {  	s1 =	srdreg.scid;
	s13 =	simm.s32 $0xB;
	s14 =	simm.s32 $0xA00  }
0x4: {  	s15 =	simm.s32 $0x40;
	s16 =	simm.s32 $0x1400;
	s17 =	simm.s32 $0x3400  }
0x5: {  	s18 =	simm.s32 $0x5400;
	s19 =	simm.s32 $0x7400;
	s20 =	simm.s32 $0x9400  }
0x6: {  	s21 =	simm.s32 $0x1;
	s22 =	simm.s32 $0x2;
	s23 =	simm.s32 $0x3  }
0x7: {  	s24 =	simm.s32 $0x4;
	s28 =	simm.s32 $0x7;
	s29 =	simm.s32 $0x8  }
0x8: {  	s30 =	simm.s32 $0x9;
	s31 =	simm.s32 $0xA;
	[smem:$0x7FF] =	sst s3  }
0x9: {  	s7 =	smul.u32 $0x13900, s12;
	s1 =	sand.u32 $0x1, s1;
	s4 =	sadd.s32 $0x3BC00, s0  }
0xa: {  	s5 =	sadd.s32 $0x27C00, s0;
	s6 =	sadd.s32 $0x13C00, s0;
	s25 =	sshll.u32 s12, $0x6  }
0xb: {  	_ =	strace $0x8000004D;
	s8 =	smul.u32 $0x139000, s1;
	s10 =	ssub.s32 $0x2, s1  }
0xc: {  	s1 =	sshll.u32 s1, $0x4;
	s9 =	sshrl.u32 s7, $0x3;
	s11 =	sshrl.u32 s10, $0x1  }
0xd: {  	s1 =	sor.u32 s12, s1;
	s8 =	sadd.s32 s7, s8;
	s9 =	sadd.s32 s9, s0  }
0xe: {  	s10 =	ssub.s32 s10, s11;
	s7 =	sadd.s32 s7, s2;
	s8 =	sshrl.u32 s8, $0x3  }
0xf: {  	s9 =	sadd.s32 $0x62E00, s9;
	s26 =	smax.u32 s10, $0x1;
	s12 =	sshrl.u32 s7, $0x3  }
0x10: {  	s0 =	sadd.s32 s8, s0;
	[dreg:$0x3] =	wrdreg s9;
	s8 =	sor.u32 $0x1C0B, s25  }
0x11: {  	s9 =	smul.u32 $0x5000, s1;
	[dreg:$0x5] =	wrdreg s26;
	s0 =	sadd.s32 $0x8A000, s0  }
0x12: {  	s25 =	simm.s32 $0x5;
	s26 =	simm.s32 $0x6;
	[dreg:$0x4] =	wrdreg s0  }
.LBB2_1:
0x13: {  	s0 =	rddreg [dreg:$0x3]  }
0x14: {  	[spmem:s12], [sflag:s8] =	dma.local [hbm:s0], $0x2720  }
0x15: {  	_ =	swait.ge [sflag:s13], $0x2720  }
0x16: {  	[sflag:s13] =	ssyncset.done $0x0  }
0x17: {  	[sflag:s13] =	ssyncadd.s32 $0xFFFFD8E0  }
0x18: {  	s0 =	simm.s32 $0x0;
	[bflag:$0x0] =	sbarrier.arrive $0xFFFF  }
.LBB2_2:
0x19: {  	s1 =	smul.u32 $0xA00, s0;
	_ =	sdelay $0x1  }
0x1a: {  	s1 =	sadd.s32 s9, s1  }
0x1b: {  	s1 =	sshrl.u32 s1, $0x3  }
0x1c: {  	s10 =	simm.s32 $0x0;
	s7 =	sadd.s32 s5, s1  }
0x1d: {  	[tilespmem:s10], [sflag:$0xB] =	stream.linear.gather [hbm4b:s7+s10], $0xA00, $0x38;
	[tilespmem:$0x1ED00] =	vst v63  }
0x1e: {  	_ =	swait.ge [sflag:s13], $0xA00  }
0x1f: {  	[sflag:s13] =	ssyncset.done $0x0  }
0x20: {  	s1 =	sadd.s32 s6, s1;
	[sflag:s13] =	ssyncadd.s32 $0xFFFFF600  }
0x21: {  	[tilespmem:s14], [sflag:$0xB] =	stream.linear.gather [hbm4b:s1+s10], $0xA00, $0x38;
	[tilespmem:$0x1ED00] =	vst v63  }
0x22: {  	_ =	swait.ge [sflag:s13], $0xA00  }
0x23: {  	[sflag:s13] =	ssyncset.done $0x0  }
0x24: {  	s11 =	simm.s32 $0x0;
	[sflag:s13] =	ssyncadd.s32 $0xFFFFF600  }
0x25: {  	[tilespmem:s16], [sflag:$0x1] =	stream.indirect.gather [hbm4b:s4+s15], $0x80, s11, s15, $0xb8;
	[tilespmem:$0x1ED00] =	vst v63  }
0x26: {  	s7 =	simm.s32 $0x40  }
0x27: {  	[tilespmem:s17], [sflag:$0x2] =	stream.indirect.gather [hbm4b:s4+s15], $0x80, s7, s15, $0xb8;
	[tilespmem:$0x1ED00] =	vst v63  }
0x28: {  	s10 =	simm.s32 $0x80  }
0x29: {  	[tilespmem:s18], [sflag:$0x3] =	stream.indirect.gather [hbm4b:s4+s15], $0x80, s10, s15, $0xb8;
	[tilespmem:$0x1ED00] =	vst v63  }
0x2a: {  	s11 =	simm.s32 $0xC0  }
0x2b: {  	[tilespmem:s19], [sflag:$0x4] =	stream.indirect.gather [hbm4b:s4+s15], $0x80, s11, s15, $0xb8;
	[tilespmem:$0x1ED00] =	vst v63  }
0x2c: {  	s7 =	simm.s32 $0x100  }
0x2d: {  	[tilespmem:s20], [sflag:$0x5] =	stream.indirect.gather [hbm4b:s4+s15], $0x80, s7, s15, $0xb8;
	[tilespmem:$0x1ED00] =	vst v63  }
0x2e: {  	_ =	swait.ge [sflag:s21], $0x2000  }
0x2f: {  	[sflag:s21] =	ssyncset.done $0x0  }
0x30: {  	s10 =	simm.s32 $0xA00;
	[sflag:s21] =	ssyncadd.s32 $0xFFFFE000  }
0x31: {  	[spmem:s2] =	stream.indirect.scatter.add.f32 [tilespmem:s16], [sflag:$0x6], $0x80, s10, s15, $0xb8;
	[tilespmem:$0x1ED00] =	vst v63  }
0x32: {  	_ =	swait.ge [sflag:s22], $0x2000  }
0x33: {  	[sflag:s22] =	ssyncset.done $0x0  }
0x34: {  	s11 =	simm.s32 $0xA40;
	[sflag:s22] =	ssyncadd.s32 $0xFFFFE000  }
0x35: {  	[spmem:s2] =	stream.indirect.scatter.add.f32 [tilespmem:s17], [sflag:$0x7], $0x80, s11, s15, $0xb8;
	[tilespmem:$0x1ED00] =	vst v63  }
0x36: {  	_ =	swait.ge [sflag:s23], $0x2000  }
0x37: {  	[sflag:s23] =	ssyncset.done $0x0  }
0x38: {  	s7 =	simm.s32 $0xA80;
	[sflag:s23] =	ssyncadd.s32 $0xFFFFE000  }
0x39: {  	[spmem:s2] =	stream.indirect.scatter.add.f32 [tilespmem:s18], [sflag:$0x8], $0x80, s7, s15, $0xb8;
	[tilespmem:$0x1ED00] =	vst v63  }
0x3a: {  	_ =	swait.ge [sflag:s24], $0x2000  }
0x3b: {  	[sflag:s24] =	ssyncset.done $0x0  }
0x3c: {  	s10 =	simm.s32 $0xAC0;
	[sflag:s24] =	ssyncadd.s32 $0xFFFFE000  }
0x3d: {  	[spmem:s2] =	stream.indirect.scatter.add.f32 [tilespmem:s19], [sflag:$0x9], $0x80, s10, s15, $0xb8;
	[tilespmem:$0x1ED00] =	vst v63  }
0x3e: {  	_ =	swait.ge [sflag:s25], $0x2000  }
0x3f: {  	[sflag:s25] =	ssyncset.done $0x0  }
0x40: {  	s11 =	simm.s32 $0xB00;
	[sflag:s25] =	ssyncadd.s32 $0xFFFFE000  }
0x41: {  	[spmem:s2] =	stream.indirect.scatter.add.f32 [tilespmem:s20], [sflag:$0xA], $0x80, s11, s15, $0xb8;
	[tilespmem:$0x1ED00] =	vst v63  }
0x42: {  	_ =	swait.ge [sflag:s26], $0x2000  }
0x43: {  	[sflag:s26] =	ssyncset.done $0x0  }
0x44: {  	[sflag:s26] =	ssyncadd.s32 $0xFFFFE000  }
0x45: {  	_ =	swait.ge [sflag:s28], $0x2000  }
0x46: {  	[sflag:s28] =	ssyncset.done $0x0  }
0x47: {  	[sflag:s28] =	ssyncadd.s32 $0xFFFFE000  }
0x48: {  	_ =	swait.ge [sflag:s29], $0x2000  }
0x49: {  	[sflag:s29] =	ssyncset.done $0x0  }
0x4a: {  	[sflag:s29] =	ssyncadd.s32 $0xFFFFE000  }
0x4b: {  	_ =	swait.ge [sflag:s30], $0x2000  }
0x4c: {  	[sflag:s30] =	ssyncset.done $0x0  }
0x4d: {  	[sflag:s30] =	ssyncadd.s32 $0xFFFFE000  }
0x4e: {  	_ =	swait.ge [sflag:s31], $0x2000  }
0x4f: {  	s1 =	simm.s32 $0x500;
	s7 =	simm.s32 $0xA00;
	[sflag:s31] =	ssyncset.done $0x0  }
.LBB2_3:
0x50: {  	s10 =	sshra.s32 s1, $0x2  }
0x51: {  	[sflag:s31] =	ssyncadd.s32 $0xFFFFE000;
	s1 =	smov.u32 s7;
	s11 =	sadd.s32 $0x500, s7  }
0x52: {  	[tilespmem:s16], [sflag:$0x1] =	stream.indirect.gather [hbm4b:s4+s15], $0x80, s10, s15, $0xb8;
	[tilespmem:$0x1ED00] =	vst v63  }
0x53: {  	p0 =	sne.s32 s7, $0x2300;
	s7 =	sadd.s32 $0x40, s10  }
0x54: {  	[tilespmem:s17], [sflag:$0x2] =	stream.indirect.gather [hbm4b:s4+s15], $0x80, s7, s15, $0xb8;
	[tilespmem:$0x1ED00] =	vst v63  }
0x55: {  	s7 =	sadd.s32 $0x80, s10  }
0x56: {  	[tilespmem:s18], [sflag:$0x3] =	stream.indirect.gather [hbm4b:s4+s15], $0x80, s7, s15, $0xb8;
	[tilespmem:$0x1ED00] =	vst v63  }
0x57: {  	s7 =	sadd.s32 $0xC0, s10  }
0x58: {  	[tilespmem:s19], [sflag:$0x4] =	stream.indirect.gather [hbm4b:s4+s15], $0x80, s7, s15, $0xb8;
	[tilespmem:$0x1ED00] =	vst v63  }
0x59: {  	s7 =	sadd.s32 $0x100, s10  }
0x5a: {  	[tilespmem:s20], [sflag:$0x5] =	stream.indirect.gather [hbm4b:s4+s15], $0x80, s7, s15, $0xb8;
	[tilespmem:$0x1ED00] =	vst v63  }
0x5b: {  	_ =	swait.ge [sflag:s21], $0x2000  }
0x5c: {  	[sflag:s21] =	ssyncset.done $0x0  }
0x5d: {  	s7 =	sadd.s32 $0xA00, s10;
	[sflag:s21] =	ssyncadd.s32 $0xFFFFE000  }
0x5e: {  	[spmem:s2] =	stream.indirect.scatter.add.f32 [tilespmem:s16], [sflag:$0x6], $0x80, s7, s15, $0xb8;
	[tilespmem:$0x1ED00] =	vst v63  }
0x5f: {  	_ =	swait.ge [sflag:s22], $0x2000  }
0x60: {  	[sflag:s22] =	ssyncset.done $0x0  }
0x61: {  	s7 =	sadd.s32 $0xA40, s10;
	[sflag:s22] =	ssyncadd.s32 $0xFFFFE000  }
0x62: {  	[spmem:s2] =	stream.indirect.scatter.add.f32 [tilespmem:s17], [sflag:$0x7], $0x80, s7, s15, $0xb8;
	[tilespmem:$0x1ED00] =	vst v63  }
0x63: {  	_ =	swait.ge [sflag:s23], $0x2000  }
0x64: {  	[sflag:s23] =	ssyncset.done $0x0  }
0x65: {  	s7 =	sadd.s32 $0xA80, s10;
	[sflag:s23] =	ssyncadd.s32 $0xFFFFE000  }
0x66: {  	[spmem:s2] =	stream.indirect.scatter.add.f32 [tilespmem:s18], [sflag:$0x8], $0x80, s7, s15, $0xb8;
	[tilespmem:$0x1ED00] =	vst v63  }
0x67: {  	_ =	swait.ge [sflag:s24], $0x2000  }
0x68: {  	[sflag:s24] =	ssyncset.done $0x0  }
0x69: {  	s7 =	sadd.s32 $0xAC0, s10;
	[sflag:s24] =	ssyncadd.s32 $0xFFFFE000  }
0x6a: {  	[spmem:s2] =	stream.indirect.scatter.add.f32 [tilespmem:s19], [sflag:$0x9], $0x80, s7, s15, $0xb8;
	[tilespmem:$0x1ED00] =	vst v63  }
0x6b: {  	_ =	swait.ge [sflag:s25], $0x2000  }
0x6c: {  	[sflag:s25] =	ssyncset.done $0x0  }
0x6d: {  	s7 =	sadd.s32 $0xB00, s10;
	[sflag:s25] =	ssyncadd.s32 $0xFFFFE000  }
0x6e: {  	[spmem:s2] =	stream.indirect.scatter.add.f32 [tilespmem:s20], [sflag:$0xA], $0x80, s7, s15, $0xb8;
	[tilespmem:$0x1ED00] =	vst v63  }
0x6f: {  	_ =	swait.ge [sflag:s26], $0x2000  }
0x70: {  	[sflag:s26] =	ssyncset.done $0x0  }
0x71: {  	[sflag:s26] =	ssyncadd.s32 $0xFFFFE000  }
0x72: {  	_ =	swait.ge [sflag:s28], $0x2000  }
0x73: {  	[sflag:s28] =	ssyncset.done $0x0  }
0x74: {  	[sflag:s28] =	ssyncadd.s32 $0xFFFFE000  }
0x75: {  	_ =	swait.ge [sflag:s29], $0x2000  }
0x76: {  	[sflag:s29] =	ssyncset.done $0x0  }
0x77: {  	[sflag:s29] =	ssyncadd.s32 $0xFFFFE000  }
.Ltmp0:
0x78: {  	_ =	swait.ge [sflag:s30], $0x2000;
	(pc) =	sbr.rel @p0 .LBB2_3-.Ltmp0, $4  }
0x79: {  	[sflag:s30] =	ssyncset.done $0x0  }
0x7a: {  	[sflag:s30] =	ssyncadd.s32 $0xFFFFE000  }
0x7b: {  	_ =	swait.ge [sflag:s31], $0x2000  }
0x7c: {  	s7 =	smov.u32 s11;
	[sflag:s31] =	ssyncset.done $0x0  }
0x7d: {  	s1 =	sshra.s32 s1, $0x2;
	[sflag:s31] =	ssyncadd.s32 $0xFFFFE000  }
0x7e: {  	[tilespmem:s16], [sflag:$0x1] =	stream.indirect.gather [hbm4b:s4+s15], $0x80, s1, s15, $0xb8;
	[tilespmem:$0x1ED00] =	vst v63  }
0x7f: {  	s7 =	sadd.s32 $0x40, s1  }
0x80: {  	[tilespmem:s17], [sflag:$0x2] =	stream.indirect.gather [hbm4b:s4+s15], $0x80, s7, s15, $0xb8;
	[tilespmem:$0x1ED00] =	vst v63  }
0x81: {  	s11 =	sadd.s32 $0x80, s1  }
0x82: {  	[tilespmem:s18], [sflag:$0x3] =	stream.indirect.gather [hbm4b:s4+s15], $0x80, s11, s15, $0xb8;
	[tilespmem:$0x1ED00] =	vst v63  }
0x83: {  	s10 =	sadd.s32 $0xC0, s1  }
0x84: {  	[tilespmem:s19], [sflag:$0x4] =	stream.indirect.gather [hbm4b:s4+s15], $0x80, s10, s15, $0xb8;
	[tilespmem:$0x1ED00] =	vst v63  }
0x85: {  	s11 =	sadd.s32 $0x100, s1  }
0x86: {  	[tilespmem:s20], [sflag:$0x5] =	stream.indirect.gather [hbm4b:s4+s15], $0x80, s11, s15, $0xb8;
	[tilespmem:$0x1ED00] =	vst v63  }
0x87: {  	_ =	swait.ge [sflag:s21], $0x2000  }
0x88: {  	[sflag:s21] =	ssyncset.done $0x0  }
0x89: {  	s10 =	sadd.s32 $0xA00, s1;
	[sflag:s21] =	ssyncadd.s32 $0xFFFFE000  }
0x8a: {  	[spmem:s2] =	stream.indirect.scatter.add.f32 [tilespmem:s16], [sflag:$0x6], $0x80, s10, s15, $0xb8;
	[tilespmem:$0x1ED00] =	vst v63  }
0x8b: {  	_ =	swait.ge [sflag:s22], $0x2000  }
0x8c: {  	[sflag:s22] =	ssyncset.done $0x0  }
0x8d: {  	s11 =	sadd.s32 $0xA40, s1;
	[sflag:s22] =	ssyncadd.s32 $0xFFFFE000  }
0x8e: {  	[spmem:s2] =	stream.indirect.scatter.add.f32 [tilespmem:s17], [sflag:$0x7], $0x80, s11, s15, $0xb8;
	[tilespmem:$0x1ED00] =	vst v63  }
0x8f: {  	_ =	swait.ge [sflag:s23], $0x2000  }
0x90: {  	[sflag:s23] =	ssyncset.done $0x0  }
0x91: {  	s10 =	sadd.s32 $0xA80, s1;
	[sflag:s23] =	ssyncadd.s32 $0xFFFFE000  }
0x92: {  	[spmem:s2] =	stream.indirect.scatter.add.f32 [tilespmem:s18], [sflag:$0x8], $0x80, s10, s15, $0xb8;
	[tilespmem:$0x1ED00] =	vst v63  }
0x93: {  	_ =	swait.ge [sflag:s24], $0x2000  }
0x94: {  	[sflag:s24] =	ssyncset.done $0x0  }
0x95: {  	s11 =	sadd.s32 $0xAC0, s1;
	[sflag:s24] =	ssyncadd.s32 $0xFFFFE000  }
0x96: {  	[spmem:s2] =	stream.indirect.scatter.add.f32 [tilespmem:s19], [sflag:$0x9], $0x80, s11, s15, $0xb8;
	[tilespmem:$0x1ED00] =	vst v63  }
0x97: {  	_ =	swait.ge [sflag:s25], $0x2000  }
0x98: {  	[sflag:s25] =	ssyncset.done $0x0  }
0x99: {  	s1 =	sadd.s32 $0xB00, s1;
	[sflag:s25] =	ssyncadd.s32 $0xFFFFE000  }
0x9a: {  	[spmem:s2] =	stream.indirect.scatter.add.f32 [tilespmem:s20], [sflag:$0xA], $0x80, s1, s15, $0xb8;
	[tilespmem:$0x1ED00] =	vst v63  }
0x9b: {  	_ =	swait.ge [sflag:s26], $0x2000  }
0x9c: {  	[sflag:s26] =	ssyncset.done $0x0  }
0x9d: {  	[sflag:s26] =	ssyncadd.s32 $0xFFFFE000  }
0x9e: {  	_ =	swait.ge [sflag:s28], $0x2000  }
0x9f: {  	[sflag:s28] =	ssyncset.done $0x0  }
0xa0: {  	[sflag:s28] =	ssyncadd.s32 $0xFFFFE000  }
0xa1: {  	_ =	swait.ge [sflag:s29], $0x2000  }
0xa2: {  	[sflag:s29] =	ssyncset.done $0x0  }
0xa3: {  	s0 =	sadd.s32 $0x1, s0;
	[sflag:s29] =	ssyncadd.s32 $0xFFFFE000  }
0xa4: {  	p0 =	sne.s32 s0, $0x8;
	_ =	swait.ge [sflag:s30], $0x2000  }
.Ltmp1:
0xa5: {  	[sflag:s30] =	ssyncset.done $0x0;
	(pc) =	sbr.rel @p0 .LBB2_2-.Ltmp1, $4  }
0xa6: {  	[sflag:s30] =	ssyncadd.s32 $0xFFFFE000  }
0xa7: {  	_ =	swait.ge [sflag:s31], $0x2000  }
0xa8: {  	[sflag:s31] =	ssyncset.done $0x0  }
0xa9: {  	[sflag:s31] =	ssyncadd.s32 $0xFFFFE000  }
0xaa: {  	[bflag:$0x0] =	sbarrier.arrive $0xFFFF  }
0xab: {  	s0 =	rddreg [dreg:$0x4]  }
0xac: {  	[hbm:s0], [sflag:s8] =	dma.local [spmem:s12], $0x2720  }
0xad: {  	_ =	swait.ge [sflag:s13], $0x2720  }
0xae: {  	s3 =	sadd.s32 $0x1, s3;
	s11 =	rddreg [dreg:$0x5]  }
0xaf: {  	p0 =	sne.s32 s3, s11  }
.Ltmp2:
0xb0: {  	_ = 	snop;
	(pc) =	sbr.rel @p0 .LBB2_1-.Ltmp2, $3  }
0xb1: {  	_ =	sdelay $0x1  }
0xb2: {  	[sflag:s13] =	ssyncset.done $0x0  }
0xb3: {  	[sflag:s13] =	ssyncadd.s32 $0xFFFFD8E0  }
0xb4: {  	_ =	sfence.sel $0x180000  }
0xb5: {  	[bflag:$0x0] =	sbarrier.arrive $0xFFFF  }
0xb6: {  	_ =	strace $0x9000004D  }
0xb7: {  	s0 =	stileid.u32;
	[bflag:$0x2] =	sbarrier.arrive $0xFFFF  }
0xb8: {  	p0 =	sne.s32 s0, $0x0;
	s0 =	rddreg [dreg:$0x2]  }
0xb9: {  	s0 =	sadd.s32 @!p0 $0x100000, s0  }
0xba: {  	[sflag:s0] =	ssyncadd.tile.s32 @!p0 $0x1;
	_ =	shalt  }
.Lfunc_end2:
_tile_overlayer_lowered:
.L_overlay_start_2:
0xbb: {  	(tag) =	ssettag $0x2  }
0xbc: {  	s0 =	rddreg [dreg:$0x0];
	s2 =	stileid.u32  }
0xbd: {  	s1 =	rddreg [dreg:$0x1];
	p0 =	sne.s32 s2, $0x0  }
0xbe: {  	s3 =	rddreg [dreg:$0x2];
	[bflag:$0x3] =	sbarrier.arrive $0xFFFF;
	s2 =	simm.s32 @!p0 $0x1C0B  }
0xbf: {  	[timem:s3], [sflag:s2] =	dma.local @!p0 [hbm:s0], s1  }
0xc0: {  	s0 =	simm.s32 @!p0 $0xB  }
0xc1: {  	_ =	swait.ge @!p0 [sflag:s0], s1  }
0xc2: {  	s1 =	ssub.s32 @!p0 $0x0, s1;
	[sflag:s0] =	ssyncset.done @!p0 $0x0  }
0xc3: {  	[sflag:s0] =	ssyncadd.s32 @!p0 s1  }
0xc4: {  	[bflag:$0x3] =	sbarrier.arrive $0xFFFF  }
0xc5: {  	_ =	shalt  }

// kernel: kernel.19.cloned.1.call-start
scs
__scs_entry_jumppad:
0x0: {  	(pc) =	sbr.rel $0x88, $3  }
0x1: {  	(tag) =	ssettag $0x0;
	lr =	simm.s32 $0x1  }
0x2: {  	[smem:$0x3F8B] =	sst lr;
	_ =	strace $0xD0000000  }
0x3: {  	_ = 	snop  }
0x4: {  	_ = 	snop  }
0x5: {  	_ = 	snop  }
0x6: {  	_ = 	snop  }
0x7: {  	_ = 	snop  }
__scs_overlays_trampoline_lowered:
0x8: {  	[smem:$0x3F9A] =	sst s0  }
0x9: {  	[smem:$0x3F9B] =	sst s1  }
0xa: {  	[smem:$0x3F9C] =	sst s2  }
0xb: {  	[smem:$0x3F9D] =	sst s3  }
0xc: {  	[smem:$0x3F9E] =	sst s4  }
0xd: {  	[smem:$0x3F9F] =	sst s5  }
0xe: {  	[smem:$0x3FA0] =	sst s6  }
0xf: {  	[smem:$0x3FA1] =	sst s7  }
0x10: {  	[smem:$0x3FA2] =	sst s8  }
0x11: {  	[smem:$0x3FA3] =	sst s9;
	s0 =	simm.s32 @!p0 $0x0  }
0x12: {  	s1 =	sld [smem:$0x3F89];
	s0 =	simm.s32 @p0 $0x1  }
0x13: {  	[smem:$0x3FA4] =	sst s0;
	s0 =	simm.s32 @!p1 $0x0  }
0x14: {  	s2 =	sld [smem:$0x3F88];
	s0 =	simm.s32 @p1 $0x1  }
0x15: {  	[smem:$0x3FA5] =	sst s0;
	s0 =	simm.s32 @!p2 $0x0  }
0x16: {  	s3 =	sld [smem:$0x3FDB];
	s0 =	simm.s32 @p2 $0x1  }
0x17: {  	s4 =	simm.s32 $0x1BF5;
	[smem:$0x3FA7] =	sst s0  }
0x18: {  	s0 =	sld [smem:$0x3F8A];
	_ =	swait.ge [sflag:s4], $0x0  }
0x19: {  	s7 =	sld [smem:$0x3F8B]  }
0x1a: {  	s8 =	sadd.s32 $0xFFFFE003, lr  }
0x1b: {  	s9 =	sadd.s32 $0xFFFFFEF7, lr;
	s5 =	simm.s32 $0xFFFFFFFF;
	p2 =	slt.u32 s8, $0xFFFFF086  }
0x1c: {  	p1 =	slt.u32 s9, $0xF7A;
	s5 =	simm.s32 @!p2 $0x0  }
0x1d: {  	s5 =	simm.s32 @p1 $0x1;
	p0 =	seq.s32 s7, s2  }
0x1e: {  	s7 =	smul.u32 @!p0 $0xF7A, s2;
	p2 =	seq.s32 @!p0 s5, $0x0  }
0x1f: {  	s9 =	smul.u32 $0xF7A, s1;
	s8 =	simm.s32 @!p0 $0x1BF5;
	p2 =	por !p2, p0  }
0x20: {  	[sflag:s8] =	ssyncset.s32 @!p0 $0xFFFFF086;
	s6 =	sadd.s32 @!p0 s3, s7;
	s7 =	simm.s32 @!p0 $0x108  }
0x21: {  	s3 =	sadd.s32 s3, s9;
	s6 =	sadd.s32 @!p0 $0x88, s6;
	s7 =	simm.s32 @p2 $0x1082  }
0x22: {  	[simem:s7], [sflag:s8] =	dma.local @!p0 [hbm:s6], $0xF7A  }
0x23: {  	s9 =	sor.u32 $0xD0000000, s2;
	s6 =	simm.s32 $0x108;
	_ =	swait.ge @!p0 [sflag:s8], $0x0  }
0x24: {  	s3 =	sadd.s32 $0x88, s3;
	s6 =	simm.s32 @!p1 $0x1082;
	[sflag:s4] =	ssyncset.s32 $0xFFFFF086  }
0x25: {  	[simem:s6], [sflag:s4] =	dma.local [hbm:s3], $0xF7A  }
0x26: {  	[smem:$0x3F8B] =	sst s1;
	(tag) =	ssettag s2;
	_ =	strace s9  }
0x27: {  	s1 =	sld [smem:$0x3F9B]  }
0x28: {  	s2 =	sld [smem:$0x3F9C]  }
0x29: {  	s4 =	sld [smem:$0x3F9E]  }
0x2a: {  	p0 =	seq.s32 s5, $0x0;
	s5 =	sld [smem:$0x3F9F]  }
0x2b: {  	s6 =	sld [smem:$0x3FA0]  }
0x2c: {  	s7 =	sld [smem:$0x3FA1]  }
0x2d: {  	s3 =	simm.s32 $0x108;
	s8 =	sld [smem:$0x3FA2]  }
0x2e: {  	s3 =	simm.s32 @!p0 $0x1082;
	s9 =	sld [smem:$0x3FA3]  }
0x2f: {  	lr =	sadd.s32 s0, s3;
	s0 =	sld [smem:$0x3F9A]  }
0x30: {  	s3 =	sld [smem:$0x3F9D]  }
0x31: {  	[smem:$0x3FA6] =	sst s10  }
0x32: {  	s10 =	sld [smem:$0x3FA4];
	_ =	sdelay $0x3  }
0x33: {  	p0 =	seq.s32 s10, $0x1;
	s10 =	sld [smem:$0x3FA6];
	_ =	sdelay $0x3  }
0x34: {  	[smem:$0x3FA6] =	sst s10  }
0x35: {  	s10 =	sld [smem:$0x3FA5];
	_ =	sdelay $0x3  }
0x36: {  	p1 =	seq.s32 s10, $0x1;
	s10 =	sld [smem:$0x3FA6];
	_ =	sdelay $0x3  }
0x37: {  	[smem:$0x3FA6] =	sst s10  }
0x38: {  	s10 =	sld [smem:$0x3FA7]  }
0x39: {  	_ = 	snop;
	(pc) =	sbr.ind lr, $3  }
0x3a: {  	_ = 	snop  }
0x3b: {  	_ = 	snop  }
0x3c: {  	p2 =	seq.s32 s10, $0x1;
	s10 =	sld [smem:$0x3FA6]  }
0x3d: {  	_ =	shalt  }
0x3e: {  	_ =	shalt  }
0x3f: {  	_ =	shalt  }
0x40: {  	_ =	shalt  }
0x41: {  	_ =	shalt  }
0x42: {  	_ =	shalt  }
0x43: {  	_ =	shalt  }
0x44: {  	_ =	shalt  }
0x45: {  	_ =	shalt  }
0x46: {  	_ =	shalt  }
0x47: {  	_ =	shalt  }
0x48: {  	_ =	shalt  }
0x49: {  	_ =	shalt  }
0x4a: {  	_ =	shalt  }
0x4b: {  	_ =	shalt  }
0x4c: {  	_ =	shalt  }
0x4d: {  	_ =	shalt  }
0x4e: {  	_ =	shalt  }
0x4f: {  	_ =	shalt  }
0x50: {  	_ =	shalt  }
0x51: {  	_ =	shalt  }
0x52: {  	_ =	shalt  }
0x53: {  	_ =	shalt  }
0x54: {  	_ =	shalt  }
0x55: {  	_ =	shalt  }
0x56: {  	_ =	shalt  }
0x57: {  	_ =	shalt  }
0x58: {  	_ =	shalt  }
0x59: {  	_ =	shalt  }
0x5a: {  	_ =	shalt  }
0x5b: {  	_ =	shalt  }
0x5c: {  	_ =	shalt  }
0x5d: {  	_ =	shalt  }
0x5e: {  	_ =	shalt  }
0x5f: {  	_ =	shalt  }
0x60: {  	_ =	shalt  }
0x61: {  	_ =	shalt  }
0x62: {  	_ =	shalt  }
0x63: {  	_ =	shalt  }
0x64: {  	_ =	shalt  }
0x65: {  	_ =	shalt  }
0x66: {  	_ =	shalt  }
0x67: {  	_ =	shalt  }
0x68: {  	_ =	shalt  }
0x69: {  	_ =	shalt  }
0x6a: {  	_ =	shalt  }
0x6b: {  	_ =	shalt  }
0x6c: {  	_ =	shalt  }
0x6d: {  	_ =	shalt  }
0x6e: {  	_ =	shalt  }
0x6f: {  	_ =	shalt  }
0x70: {  	_ =	shalt  }
0x71: {  	_ =	shalt  }
0x72: {  	_ =	shalt  }
0x73: {  	_ =	shalt  }
0x74: {  	_ =	shalt  }
0x75: {  	_ =	shalt  }
0x76: {  	_ =	shalt  }
0x77: {  	_ =	shalt  }
0x78: {  	_ =	shalt  }
0x79: {  	_ =	shalt  }
0x7a: {  	_ =	shalt  }
0x7b: {  	_ =	shalt  }
0x7c: {  	_ =	shalt  }
0x7d: {  	_ =	shalt  }
0x7e: {  	_ =	shalt  }
0x7f: {  	_ =	shalt  }
0x80: {  	_ =	shalt  }
0x81: {  	_ =	shalt  }
0x82: {  	_ =	shalt  }
0x83: {  	_ =	shalt  }
0x84: {  	_ =	shalt  }
0x85: {  	_ =	shalt  }
0x86: {  	_ =	shalt  }
0x87: {  	_ =	shalt  }
.Lfunc_end0:
.L_simem_size_0:
called_computation.3_lowered:
.L_overlay_start_0:
0x88: {  	s2 =	sld [smem:$0x3FD9]  }
0x89: {  	s3 =	sld [smem:$0x3FFE];
	_ =	sdelay $0x1  }
0x8a: {  	s1 =	srdreg.scid  }
0x8b: {  	s0 =	sand.u32 $0x1, s1  }
0x8c: {  	s16 =	sshll.u32 s0, $0xA;
	s2 =	sadd.s32 s3, s2  }
0x8d: {  	s2 =	sadd.s32 s2, s16  }
0x8e: {  	[smem:$0x3FB2] =	sst s2  }
0x8f: {  	_ = 	snop  }
0x90: {  	(tm) =	ssettm $0x1  }
0x91: {  	s17 =	sld [smem:$0x3FFB];
	_ =	sdelay $0x3  }
0x92: {  	_ =	strace s17  }
0x93: {  	s2 =	sld [smem:$0x3FFC];
	_ =	sdelay $0x3  }
0x94: {  	_ =	strace s2  }
0x95: {  	s2 =	sld [smem:$0x3FFD];
	_ =	sdelay $0x3  }
0x96: {  	_ =	strace s2  }
0x97: {  	_ =	strace $0x8FFFFFFF  }
0x98: {  	s18 =	sld [smem:$0x3FDB];
	_ =	sdelay $0x1  }
0x99: {  	s19 =	simm.s32 $_scs_section_size  }
0x9a: {  	s4 =	simm.s32 $_size__tile_overlayer_lowered;
	s5 =	simm.s32 $_tile_overlayer_lowered  }
0x9b: {  	s22 =	simm.s32 $0x1BFF;
	s21 =	sshll.u32 s5, $0x1;
	s2 =	sadd.s32 s19, s18  }
0x9c: {  	s6 =	simm.s32 $0x0;
	s20 =	sshll.u32 s4, $0x1;
	s4 =	sadd.s32 s21, s2  }
0x9d: {  	[timem:s6], [sflag:s22] =	dma.local [hbm:s4], s20  }
0x9e: {  	_ =	swait.ge [sflag:s22], s20  }
0x9f: {  	s3 =	ssub.s32 $0x0, s20;
	[sflag:s22] =	ssyncset.done $0x0  }
0xa0: {  	[sflag:s22] =	ssyncadd.s32 s3;
	_ =	sdelay $0x1  }
0xa1: {  	s23 =	simm.s32 $0x1B8B  }
0xa2: {  	_ =	swait.ge [sflag:s23], $0x1  }
0xa3: {  	[sflag:s23] =	ssyncset.done $0x0  }
0xa4: {  	s25 =	simm.s32 $0x1B8E;
	s24 =	sld [smem:$0x3FFE];
	[sflag:s23] =	ssyncadd.s32 $0xFFFFFFFF  }
0xa5: {  	s26 =	simm.s32 $execute0_lowered;
	[smem:$0x3FD2] =	sst s25  }
0xa6: {  	s4 =	sshll.u32 s26, $0x1;
	_ =	strace $0x8000004F;
	[dreg:$0x1] =	wrdreg $0xFFFFFFFF  }
0xa7: {  	s28 =	simm.s32 $_size_execute0_lowered;
	s2 =	sadd.s32 s2, s4;
	[dreg:$0x0] =	wrdreg $0x0  }
0xa8: {  	s4 =	sshll.u32 s28, $0x1;
	[dreg:$0x2] =	wrdreg s2  }
0xa9: {  	[dreg:$0x3] =	wrdreg s4  }
0xaa: {  	[dreg:$0x4] =	wrdreg $0xC0  }
0xab: {  	_ =	task [dreg:s6], $0x5FFFF  }
0xac: {  	[dreg:$0x1] =	wrdreg $0xFFFFFFFF  }
0xad: {  	[dreg:$0x0] =	wrdreg $0x60  }
0xae: {  	[dreg:$0x2] =	wrdreg s24  }
0xaf: {  	[dreg:$0x3] =	wrdreg $0xB6800  }
0xb0: {  	[dreg:$0x4] =	wrdreg $0x9  }
0xb1: {  	_ =	task.clear_ibuf [dreg:s6], $0x5FFFF;
	_ =	strace $0x9000004F  }
0xb2: {  	s29 =	simm.s32 $0x9;
	_ =	strace $0x80000051  }
0xb3: {  	_ =	swait.ge [sflag:s29], $0x1  }
0xb4: {  	[sflag:s29] =	ssyncadd.s32 $0xFFFFFFFF  }
0xb5: {  	_ =	strace $0x90000051  }
0xb6: {  	_ =	sfence  }
0xb7: {  	s30 =	sld [smem:$0x0];
	_ =	sdelay $0x2  }
0xb8: {  	s31 =	sshll.u32 s1, $0xD;
	s1 =	sshrl.u32 s1, $0x2  }
0xb9: {  	s3 =	sand.u32 $0x4000, s31;
	s1 =	sadd.s32 s1, s30  }
0xba: {  	s0 =	sor.u32 s3, s0;
	s1 =	sshll.u32 s1, $0x11  }
0xbb: {  	s0 =	sor.u32 s1, s0  }
0xbc: {  	s0 =	sadd.s32 $0x8F2B, s0  }
0xbd: {  	[sflag:s0] =	ssyncadd.remote.s32 $0x1  }
0xbe: {  	_ =	sfence.sel $0xFFFF  }
0xbf: {  	[dreg:$0x0] =	wrdreg $0xFFFFFFFF;
	(pc) =	sbr.abs _section_cstart, $3  }
0xc0: {  	[dreg:$0x1] =	wrdreg $0xFFFFFFFF  }
0xc1: {  	_ =	task.clear_ibuf [dreg:s6], $0x2FFFF;
	_ =	strace $0x9FFFFFFF  }
0xc2: {  	(tm) =	ssettm $0x7FFFFFFF  }
0xc3: {  	_ =	shalt  }
tec
execute0_lowered:
.L_overlay_start_1:
0x0: {  	(tag) =	ssettag $0x1  }
0x1: {  	s0 =	srdreg.scid;
	s3 =	rddreg [dreg:$0x0]  }
0x2: {  	s10 =	stileid.u32;
	s2 =	rddreg [dreg:$0x1]  }
0x3: {  	s7 =	simm.s32 $0x0;
	s15 =	simm.s32 $0x140;
	s17 =	simm.s32 $0x280  }
0x4: {  	s14 =	simm.s32 $0x2680;
	s26 =	simm.s32 $0x80;
	s12 =	simm.s32 $0x4A80  }
0x5: {  	s29 =	simm.s32 $0xC0;
	s31 =	simm.s32 $0x100;
	s30 =	simm.s32 $0x1  }
0x6: {  	s28 =	simm.s32 $0x180;
	s21 =	simm.s32 $0x4;
	s19 =	simm.s32 $0x5  }
0x7: {  	p0 =	por $0x0, $0x0;
	s20 =	simm.s32 $0x6;
	s18 =	simm.s32 $0x7  }
0x8: {  	s16 =	simm.s32 $0x8;
	s13 =	simm.s32 $0x9;
	s11 =	simm.s32 $0xA  }
0x9: {  	s0 =	sand.u32 $0x1, s0;
	s4 =	smul.u32 $0x510, s10;
	[smem:$0x7FF] =	sst s7  }
0xa: {  	s6 =	sadd.s32 $0x5C00, s3;
	s24 =	sshll.u32 s10, $0x6;
	s1 =	sshll.u32 s0, $0x4  }
0xb: {  	s5 =	smul.u32 $0x5100, s0;
	_ =	strace $0x80000050;
	s0 =	ssub.s32 $0x2, s0  }
0xc: {  	[dreg:$0x7] =	wrdreg s26;
	s26 =	simm.s32 $0x2;
	s1 =	sor.u32 s10, s1  }
0xd: {  	s8 =	sshrl.u32 s4, $0x3;
	s9 =	sshrl.u32 s0, $0x1;
	s10 =	simm.s32 $0x6E80  }
0xe: {  	s1 =	smul.u32 $0x28, s1;
	s5 =	sadd.s32 s4, s5;
	s8 =	sadd.s32 s8, s3  }
0xf: {  	s0 =	ssub.s32 s0, s9;
	s4 =	sadd.s32 s4, s2;
	s9 =	simm.s32 $0x9280  }
0x10: {  	s5 =	sshrl.u32 s5, $0x3;
	s22 =	sadd.s32 $0x31E00, s8;
	s0 =	smax.u32 s0, $0x1  }
0x11: {  	s8 =	simm.s32 $0x40;
	s1 =	sadd.s32 s1, s3;
	s5 =	sadd.s32 s5, s3  }
0x12: {  	[dreg:$0x3] =	wrdreg s22;
	s3 =	sor.u32 $0x1C0B, s24;
	p1 =	sne.s32 s0, $0x1  }
.Ltmp0:
0x13: {  	s24 =	simm.s32 $0x3;
	s23 =	sadd.s32 $0x5600, s1;
	(pc) =	sbr.rel @!p1 .LBB2_3-.Ltmp0, $4  }
0x14: {  	s22 =	simm.s32 $0x200;
	s1 =	sadd.s32 $0x5000, s1;
	[dreg:$0x4] =	wrdreg s23  }
0x15: {  	s25 =	sadd.s32 $0x32A00, s5;
	s5 =	sshrl.u32 s4, $0x3;
	[dreg:$0x5] =	wrdreg s1  }
0x16: {  	s4 =	simm.s32 $0xB;
	[dreg:$0x6] =	wrdreg s25;
	s25 =	simm.s32 $0x1C0  }
0x17: {  	s1 =	sadd.s32 $0xFFFFFFFF, s0;
	s23 =	simm.s32 $0x240;
	s0 =	rddreg [dreg:$0x3]  }
0x18: {  	[spmem:s5], [sflag:s3] =	dma.local [hbm:s0], $0xA2  }
0x19: {  	_ =	swait.ge [sflag:s4], $0xA2  }
0x1a: {  	[sflag:s4] =	ssyncset.done $0x0  }
0x1b: {  	[sflag:s4] =	ssyncadd.s32 $0xFFFFFF5E  }
0x1c: {  	[bflag:$0x0] =	sbarrier.arrive $0xFFFF  }
0x1d: {  	s0 =	rddreg [dreg:$0x4]  }
0x1e: {  	[tilespmem:s7], [sflag:$0xB] =	stream.linear.gather [hbm4b:s0+s7], $0x140, $0x38;
	[tilespmem:$0xBB90] =	vst v63  }
0x1f: {  	_ =	swait.ge [sflag:s4], $0x140  }
0x20: {  	[sflag:s4] =	ssyncset.done $0x0  }
0x21: {  	s0 =	rddreg [dreg:$0x5];
	[sflag:s4] =	ssyncadd.s32 $0xFFFFFEC0  }
0x22: {  	[tilespmem:s15], [sflag:$0xB] =	stream.linear.gather [hbm4b:s0+s7], $0x140, $0x38;
	[tilespmem:$0xBB90] =	vst v63  }
0x23: {  	_ =	swait.ge [sflag:s4], $0x140  }
0x24: {  	[sflag:s4] =	ssyncset.done $0x0  }
0x25: {  	[sflag:s4] =	ssyncadd.s32 $0xFFFFFEC0  }
0x26: {  	[tilespmem:s17], [sflag:$0x1] =	stream.indirect.gather [hbm4b:s6+s8], $0x90, s7, s8, $0xb8;
	[tilespmem:$0xBB90] =	vst v63  }
0x27: {  	_ = 	snop  }
0x28: {  	[tilespmem:s14], [sflag:$0x2] =	stream.indirect.gather [hbm4b:s6+s8], $0x90, s8, s8, $0xb8;
	[tilespmem:$0xBB90] =	vst v63  }
0x29: {  	s0 =	rddreg [dreg:$0x7]  }
0x2a: {  	[tilespmem:s12], [sflag:$0x3] =	stream.indirect.gather [hbm4b:s6+s8], $0x90, s0, s8, $0xb8;
	[tilespmem:$0xBB90] =	vst v63  }
0x2b: {  	_ = 	snop  }
0x2c: {  	[tilespmem:s10], [sflag:$0x4] =	stream.indirect.gather [hbm4b:s6+s8], $0x90, s29, s8, $0xb8;
	[tilespmem:$0xBB90] =	vst v63  }
0x2d: {  	_ = 	snop  }
0x2e: {  	[tilespmem:s9], [sflag:$0x5] =	stream.indirect.gather [hbm4b:s6+s8], $0x90, s31, s8, $0xb8;
	[tilespmem:$0xBB90] =	vst v63  }
0x2f: {  	_ =	swait.ge [sflag:s30], $0x2400  }
0x30: {  	[sflag:s30] =	ssyncset.done $0x0  }
0x31: {  	[sflag:s30] =	ssyncadd.s32 $0xFFFFDC00  }
0x32: {  	[spmem:s2] =	stream.indirect.scatter.add.f32 [tilespmem:s17], [sflag:$0x6], $0x90, s15, s8, $0xb8;
	[tilespmem:$0xBB90] =	vst v63  }
0x33: {  	_ =	swait.ge [sflag:s26], $0x2400  }
0x34: {  	[sflag:s26] =	ssyncset.done $0x0  }
0x35: {  	[sflag:s26] =	ssyncadd.s32 $0xFFFFDC00  }
0x36: {  	[spmem:s2] =	stream.indirect.scatter.add.f32 [tilespmem:s14], [sflag:$0x7], $0x90, s28, s8, $0xb8;
	[tilespmem:$0xBB90] =	vst v63  }
0x37: {  	_ =	swait.ge [sflag:s24], $0x2400  }
0x38: {  	[sflag:s24] =	ssyncset.done $0x0  }
0x39: {  	[sflag:s24] =	ssyncadd.s32 $0xFFFFDC00  }
0x3a: {  	[spmem:s2] =	stream.indirect.scatter.add.f32 [tilespmem:s12], [sflag:$0x8], $0x90, s25, s8, $0xb8;
	[tilespmem:$0xBB90] =	vst v63  }
0x3b: {  	_ =	swait.ge [sflag:s21], $0x2400  }
0x3c: {  	[sflag:s21] =	ssyncset.done $0x0  }
0x3d: {  	[sflag:s21] =	ssyncadd.s32 $0xFFFFDC00  }
0x3e: {  	[spmem:s2] =	stream.indirect.scatter.add.f32 [tilespmem:s10], [sflag:$0x9], $0x90, s22, s8, $0xb8;
	[tilespmem:$0xBB90] =	vst v63  }
0x3f: {  	_ =	swait.ge [sflag:s19], $0x2400  }
0x40: {  	[sflag:s19] =	ssyncset.done $0x0  }
0x41: {  	[sflag:s19] =	ssyncadd.s32 $0xFFFFDC00  }
0x42: {  	[spmem:s2] =	stream.indirect.scatter.add.f32 [tilespmem:s9], [sflag:$0xA], $0x90, s23, s8, $0xb8;
	[tilespmem:$0xBB90] =	vst v63  }
0x43: {  	_ =	swait.ge [sflag:s20], $0x2400  }
0x44: {  	[sflag:s20] =	ssyncset.done $0x0  }
0x45: {  	[sflag:s20] =	ssyncadd.s32 $0xFFFFDC00  }
0x46: {  	_ =	swait.ge [sflag:s18], $0x2400  }
0x47: {  	[sflag:s18] =	ssyncset.done $0x0  }
0x48: {  	[sflag:s18] =	ssyncadd.s32 $0xFFFFDC00  }
0x49: {  	_ =	swait.ge [sflag:s16], $0x2400  }
0x4a: {  	[sflag:s16] =	ssyncset.done $0x0  }
0x4b: {  	[sflag:s16] =	ssyncadd.s32 $0xFFFFDC00  }
0x4c: {  	_ =	swait.ge [sflag:s13], $0x2400  }
0x4d: {  	[sflag:s13] =	ssyncset.done $0x0  }
0x4e: {  	[sflag:s13] =	ssyncadd.s32 $0xFFFFDC00  }
0x4f: {  	_ =	swait.ge [sflag:s11], $0x2400  }
0x50: {  	[sflag:s11] =	ssyncset.done $0x0  }
0x51: {  	p1 =	sne.s32 s1, $0x1;
	[sflag:s11] =	ssyncadd.s32 $0xFFFFDC00  }
.Ltmp1:
0x52: {  	[bflag:$0x0] =	sbarrier.arrive $0xFFFF;
	(pc) =	sbr.rel @!p1 .LBB2_3-.Ltmp1, $4  }
0x53: {  	s0 =	rddreg [dreg:$0x6]  }
0x54: {  	[hbm:s0], [sflag:s3] =	dma.local [spmem:s5], $0xA2  }
0x55: {  	s1 =	sadd.s32 $0xFFFFFFFF, s1;
	_ =	swait.ge [sflag:s4], $0xA2  }
0x56: {  	p0 =	por $0x1, $0x1;
	s0 =	rddreg [dreg:$0x3];
	[sflag:s4] =	ssyncset.done $0x0  }
.LBB2_2:
0x57: {  	[sflag:s4] =	ssyncadd.s32 $0xFFFFFF5E  }
0x58: {  	[spmem:s5], [sflag:s3] =	dma.local [hbm:s0], $0xA2  }
0x59: {  	_ =	swait.ge [sflag:s4], $0xA2  }
0x5a: {  	[sflag:s4] =	ssyncset.done $0x0  }
0x5b: {  	[sflag:s4] =	ssyncadd.s32 $0xFFFFFF5E  }
0x5c: {  	[bflag:$0x0] =	sbarrier.arrive $0xFFFF  }
0x5d: {  	s0 =	rddreg [dreg:$0x4]  }
0x5e: {  	[tilespmem:s7], [sflag:$0xB] =	stream.linear.gather [hbm4b:s0+s7], $0x140, $0x38;
	[tilespmem:$0xBB90] =	vst v63  }
0x5f: {  	_ =	swait.ge [sflag:s4], $0x140  }
0x60: {  	[sflag:s4] =	ssyncset.done $0x0  }
0x61: {  	s0 =	rddreg [dreg:$0x5];
	[sflag:s4] =	ssyncadd.s32 $0xFFFFFEC0  }
0x62: {  	[tilespmem:s15], [sflag:$0xB] =	stream.linear.gather [hbm4b:s0+s7], $0x140, $0x38;
	[tilespmem:$0xBB90] =	vst v63  }
0x63: {  	_ =	swait.ge [sflag:s4], $0x140  }
0x64: {  	[sflag:s4] =	ssyncset.done $0x0  }
0x65: {  	[sflag:s4] =	ssyncadd.s32 $0xFFFFFEC0  }
0x66: {  	[tilespmem:s17], [sflag:$0x1] =	stream.indirect.gather [hbm4b:s6+s8], $0x90, s7, s8, $0xb8;
	[tilespmem:$0xBB90] =	vst v63  }
0x67: {  	_ = 	snop  }
0x68: {  	[tilespmem:s14], [sflag:$0x2] =	stream.indirect.gather [hbm4b:s6+s8], $0x90, s8, s8, $0xb8;
	[tilespmem:$0xBB90] =	vst v63  }
0x69: {  	s0 =	rddreg [dreg:$0x7]  }
0x6a: {  	[tilespmem:s12], [sflag:$0x3] =	stream.indirect.gather [hbm4b:s6+s8], $0x90, s0, s8, $0xb8;
	[tilespmem:$0xBB90] =	vst v63  }
0x6b: {  	_ = 	snop  }
0x6c: {  	[tilespmem:s10], [sflag:$0x4] =	stream.indirect.gather [hbm4b:s6+s8], $0x90, s29, s8, $0xb8;
	[tilespmem:$0xBB90] =	vst v63  }
0x6d: {  	_ = 	snop  }
0x6e: {  	[tilespmem:s9], [sflag:$0x5] =	stream.indirect.gather [hbm4b:s6+s8], $0x90, s31, s8, $0xb8;
	[tilespmem:$0xBB90] =	vst v63  }
0x6f: {  	_ =	swait.ge [sflag:s30], $0x2400  }
0x70: {  	[sflag:s30] =	ssyncset.done $0x0  }
0x71: {  	[sflag:s30] =	ssyncadd.s32 $0xFFFFDC00  }
0x72: {  	[spmem:s2] =	stream.indirect.scatter.add.f32 [tilespmem:s17], [sflag:$0x6], $0x90, s15, s8, $0xb8;
	[tilespmem:$0xBB90] =	vst v63  }
0x73: {  	_ =	swait.ge [sflag:s26], $0x2400  }
0x74: {  	[sflag:s26] =	ssyncset.done $0x0  }
0x75: {  	[sflag:s26] =	ssyncadd.s32 $0xFFFFDC00  }
0x76: {  	[spmem:s2] =	stream.indirect.scatter.add.f32 [tilespmem:s14], [sflag:$0x7], $0x90, s28, s8, $0xb8;
	[tilespmem:$0xBB90] =	vst v63  }
0x77: {  	_ =	swait.ge [sflag:s24], $0x2400  }
0x78: {  	[sflag:s24] =	ssyncset.done $0x0  }
0x79: {  	[sflag:s24] =	ssyncadd.s32 $0xFFFFDC00  }
0x7a: {  	[spmem:s2] =	stream.indirect.scatter.add.f32 [tilespmem:s12], [sflag:$0x8], $0x90, s25, s8, $0xb8;
	[tilespmem:$0xBB90] =	vst v63  }
0x7b: {  	_ =	swait.ge [sflag:s21], $0x2400  }
0x7c: {  	[sflag:s21] =	ssyncset.done $0x0  }
0x7d: {  	[sflag:s21] =	ssyncadd.s32 $0xFFFFDC00  }
0x7e: {  	[spmem:s2] =	stream.indirect.scatter.add.f32 [tilespmem:s10], [sflag:$0x9], $0x90, s22, s8, $0xb8;
	[tilespmem:$0xBB90] =	vst v63  }
0x7f: {  	_ =	swait.ge [sflag:s19], $0x2400  }
0x80: {  	[sflag:s19] =	ssyncset.done $0x0  }
0x81: {  	[sflag:s19] =	ssyncadd.s32 $0xFFFFDC00  }
0x82: {  	[spmem:s2] =	stream.indirect.scatter.add.f32 [tilespmem:s9], [sflag:$0xA], $0x90, s23, s8, $0xb8;
	[tilespmem:$0xBB90] =	vst v63  }
0x83: {  	_ =	swait.ge [sflag:s20], $0x2400  }
0x84: {  	[sflag:s20] =	ssyncset.done $0x0  }
0x85: {  	[sflag:s20] =	ssyncadd.s32 $0xFFFFDC00  }
0x86: {  	_ =	swait.ge [sflag:s18], $0x2400  }
0x87: {  	[sflag:s18] =	ssyncset.done $0x0  }
0x88: {  	[sflag:s18] =	ssyncadd.s32 $0xFFFFDC00  }
0x89: {  	_ =	swait.ge [sflag:s16], $0x2400  }
0x8a: {  	[sflag:s16] =	ssyncset.done $0x0  }
0x8b: {  	[sflag:s16] =	ssyncadd.s32 $0xFFFFDC00  }
0x8c: {  	_ =	swait.ge [sflag:s13], $0x2400  }
0x8d: {  	[sflag:s13] =	ssyncset.done $0x0  }
0x8e: {  	[sflag:s13] =	ssyncadd.s32 $0xFFFFDC00  }
0x8f: {  	_ =	swait.ge [sflag:s11], $0x2400  }
0x90: {  	[sflag:s11] =	ssyncset.done $0x0  }
0x91: {  	p1 =	sne.s32 s1, $0x1;
	[sflag:s11] =	ssyncadd.s32 $0xFFFFDC00  }
.Ltmp2:
0x92: {  	[bflag:$0x0] =	sbarrier.arrive $0xFFFF;
	(pc) =	sbr.rel @p1 .LBB2_2-.Ltmp2, $4  }
0x93: {  	s0 =	rddreg [dreg:$0x6]  }
0x94: {  	[hbm:s0], [sflag:s3] =	dma.local [spmem:s5], $0xA2  }
0x95: {  	_ =	swait.ge [sflag:s4], $0xA2  }
0x96: {  	s1 =	sadd.s32 $0xFFFFFFFF, s1;
	s0 =	rddreg [dreg:$0x3];
	[sflag:s4] =	ssyncset.done $0x0  }
.LBB2_3:
0x97: {  	[sflag:s4] =	ssyncadd.s32 @p0 $0xFFFFFF5E  }
0x98: {  	[spmem:s5], [sflag:s3] =	dma.local [hbm:s0], $0xA2  }
0x99: {  	_ =	swait.ge [sflag:s4], $0xA2  }
0x9a: {  	[sflag:s4] =	ssyncset.done $0x0  }
0x9b: {  	[sflag:s4] =	ssyncadd.s32 $0xFFFFFF5E  }
0x9c: {  	[bflag:$0x0] =	sbarrier.arrive $0xFFFF  }
0x9d: {  	s1 =	rddreg [dreg:$0x4]  }
0x9e: {  	[tilespmem:s7], [sflag:$0xB] =	stream.linear.gather [hbm4b:s1+s7], $0x140, $0x38;
	[tilespmem:$0xBB90] =	vst v63  }
0x9f: {  	_ =	swait.ge [sflag:s4], $0x140  }
0xa0: {  	[sflag:s4] =	ssyncset.done $0x0  }
0xa1: {  	s1 =	rddreg [dreg:$0x5];
	[sflag:s4] =	ssyncadd.s32 $0xFFFFFEC0  }
0xa2: {  	[tilespmem:s15], [sflag:$0xB] =	stream.linear.gather [hbm4b:s1+s7], $0x140, $0x38;
	[tilespmem:$0xBB90] =	vst v63  }
0xa3: {  	_ =	swait.ge [sflag:s4], $0x140  }
0xa4: {  	[sflag:s4] =	ssyncset.done $0x0  }
0xa5: {  	[sflag:s4] =	ssyncadd.s32 $0xFFFFFEC0  }
0xa6: {  	[tilespmem:s17], [sflag:$0x1] =	stream.indirect.gather [hbm4b:s6+s8], $0x90, s7, s8, $0xb8;
	[tilespmem:$0xBB90] =	vst v63  }
0xa7: {  	_ = 	snop  }
0xa8: {  	[tilespmem:s14], [sflag:$0x2] =	stream.indirect.gather [hbm4b:s6+s8], $0x90, s8, s8, $0xb8;
	[tilespmem:$0xBB90] =	vst v63  }
0xa9: {  	s7 =	rddreg [dreg:$0x7]  }
0xaa: {  	[tilespmem:s12], [sflag:$0x3] =	stream.indirect.gather [hbm4b:s6+s8], $0x90, s7, s8, $0xb8;
	[tilespmem:$0xBB90] =	vst v63  }
0xab: {  	_ = 	snop  }
0xac: {  	[tilespmem:s10], [sflag:$0x4] =	stream.indirect.gather [hbm4b:s6+s8], $0x90, s29, s8, $0xb8;
	[tilespmem:$0xBB90] =	vst v63  }
0xad: {  	_ = 	snop  }
0xae: {  	[tilespmem:s9], [sflag:$0x5] =	stream.indirect.gather [hbm4b:s6+s8], $0x90, s31, s8, $0xb8;
	[tilespmem:$0xBB90] =	vst v63  }
0xaf: {  	_ =	swait.ge [sflag:s30], $0x2400  }
0xb0: {  	[sflag:s30] =	ssyncset.done $0x0  }
0xb1: {  	[sflag:s30] =	ssyncadd.s32 $0xFFFFDC00  }
0xb2: {  	[spmem:s2] =	stream.indirect.scatter.add.f32 [tilespmem:s17], [sflag:$0x6], $0x90, s15, s8, $0xb8;
	[tilespmem:$0xBB90] =	vst v63  }
0xb3: {  	_ =	swait.ge [sflag:s26], $0x2400  }
0xb4: {  	[sflag:s26] =	ssyncset.done $0x0  }
0xb5: {  	[sflag:s26] =	ssyncadd.s32 $0xFFFFDC00  }
0xb6: {  	[spmem:s2] =	stream.indirect.scatter.add.f32 [tilespmem:s14], [sflag:$0x7], $0x90, s28, s8, $0xb8;
	[tilespmem:$0xBB90] =	vst v63  }
0xb7: {  	_ =	swait.ge [sflag:s24], $0x2400  }
0xb8: {  	[sflag:s24] =	ssyncset.done $0x0  }
0xb9: {  	[sflag:s24] =	ssyncadd.s32 $0xFFFFDC00  }
0xba: {  	[spmem:s2] =	stream.indirect.scatter.add.f32 [tilespmem:s12], [sflag:$0x8], $0x90, s25, s8, $0xb8;
	[tilespmem:$0xBB90] =	vst v63  }
0xbb: {  	_ =	swait.ge [sflag:s21], $0x2400  }
0xbc: {  	[sflag:s21] =	ssyncset.done $0x0  }
0xbd: {  	[sflag:s21] =	ssyncadd.s32 $0xFFFFDC00  }
0xbe: {  	[spmem:s2] =	stream.indirect.scatter.add.f32 [tilespmem:s10], [sflag:$0x9], $0x90, s22, s8, $0xb8;
	[tilespmem:$0xBB90] =	vst v63  }
0xbf: {  	_ =	swait.ge [sflag:s19], $0x2400  }
0xc0: {  	[sflag:s19] =	ssyncset.done $0x0  }
0xc1: {  	[sflag:s19] =	ssyncadd.s32 $0xFFFFDC00  }
0xc2: {  	[spmem:s2] =	stream.indirect.scatter.add.f32 [tilespmem:s9], [sflag:$0xA], $0x90, s23, s8, $0xb8;
	[tilespmem:$0xBB90] =	vst v63  }
0xc3: {  	_ =	swait.ge [sflag:s20], $0x2400  }
0xc4: {  	[sflag:s20] =	ssyncset.done $0x0  }
0xc5: {  	[sflag:s20] =	ssyncadd.s32 $0xFFFFDC00  }
0xc6: {  	_ =	swait.ge [sflag:s18], $0x2400  }
0xc7: {  	[sflag:s18] =	ssyncset.done $0x0  }
0xc8: {  	[sflag:s18] =	ssyncadd.s32 $0xFFFFDC00  }
0xc9: {  	_ =	swait.ge [sflag:s16], $0x2400  }
0xca: {  	[sflag:s16] =	ssyncset.done $0x0  }
0xcb: {  	[sflag:s16] =	ssyncadd.s32 $0xFFFFDC00  }
0xcc: {  	_ =	swait.ge [sflag:s13], $0x2400  }
0xcd: {  	[sflag:s13] =	ssyncset.done $0x0  }
0xce: {  	[sflag:s13] =	ssyncadd.s32 $0xFFFFDC00  }
0xcf: {  	_ =	swait.ge [sflag:s11], $0x2400  }
0xd0: {  	[sflag:s11] =	ssyncset.done $0x0  }
0xd1: {  	[sflag:s11] =	ssyncadd.s32 $0xFFFFDC00  }
0xd2: {  	[bflag:$0x0] =	sbarrier.arrive $0xFFFF  }
0xd3: {  	s30 =	rddreg [dreg:$0x6]  }
0xd4: {  	[hbm:s30], [sflag:s3] =	dma.local [spmem:s5], $0xA2  }
0xd5: {  	_ =	swait.ge [sflag:s4], $0xA2  }
0xd6: {  	[sflag:s4] =	ssyncset.done $0x0  }
0xd7: {  	[sflag:s4] =	ssyncadd.s32 $0xFFFFFF5E  }
0xd8: {  	_ =	sfence.sel $0x180000  }
0xd9: {  	[bflag:$0x0] =	sbarrier.arrive $0xFFFF  }
0xda: {  	_ =	strace $0x90000050  }
0xdb: {  	s31 =	stileid.u32;
	[bflag:$0x2] =	sbarrier.arrive $0xFFFF  }
0xdc: {  	p0 =	sne.s32 s31, $0x0;
	s0 =	rddreg [dreg:$0x2]  }
0xdd: {  	s0 =	sadd.s32 @!p0 $0x100000, s0  }
0xde: {  	[sflag:s0] =	ssyncadd.tile.s32 @!p0 $0x1;
	_ =	shalt  }
.Lfunc_end2:
_tile_overlayer_lowered:
.L_overlay_start_2:
0xdf: {  	(tag) =	ssettag $0x2  }
0xe0: {  	s0 =	rddreg [dreg:$0x0];
	s2 =	stileid.u32  }
0xe1: {  	s1 =	rddreg [dreg:$0x1];
	p0 =	sne.s32 s2, $0x0  }
0xe2: {  	s3 =	rddreg [dreg:$0x2];
	[bflag:$0x3] =	sbarrier.arrive $0xFFFF;
	s2 =	simm.s32 @!p0 $0x1C0B  }
0xe3: {  	[timem:s3], [sflag:s2] =	dma.local @!p0 [hbm:s0], s1  }
0xe4: {  	s0 =	simm.s32 @!p0 $0xB  }
0xe5: {  	_ =	swait.ge @!p0 [sflag:s0], s1  }
0xe6: {  	s1 =	ssub.s32 @!p0 $0x0, s1;
	[sflag:s0] =	ssyncset.done @!p0 $0x0  }
0xe7: {  	[sflag:s0] =	ssyncadd.s32 @!p0 s1  }
0xe8: {  	[bflag:$0x3] =	sbarrier.arrive $0xFFFF  }
0xe9: {  	_ =	shalt  }

</sc_bundles>
